<compile_context>
chip_gen: v7x
topology: tpu7x:2x2x1
jax: 0.10.2.dev20260603
libtpu: 0.0.44.dev20260713+nightly
codegen_flags: <defaults>
</compile_context>

<pallas_src>
import functools

import jax
import jax.numpy as jnp
from jax import lax
from jax.experimental import pallas as pl
from jax.experimental.pallas import tpu as pltpu
from jax.experimental.pallas import tpu_sc as plsc

N = 10000
NPAD = 10240
F = 128
H = 128
C = 64
E = 320000
NC = 2
NS = 16
NW = NC * NS
B = 128
CH = E // B
GB = 8
NGRP = CH // GB
GPW = NGRP // NW
XG = NGRP - GPW * NW
TAIL0 = NGRP * GB
TW = CH - TAIL0
ZR = NPAD // NS


def _sc_mesh():
    return plsc.VectorSubcoreMesh(core_axis_name="c", subcore_axis_name="s")


@functools.partial(
    pl.kernel,
    out_type=jax.ShapeDtypeStruct((NC, NPAD, 128), jnp.float32),
    mesh=_sc_mesh(),
    scratch_types=[
        pltpu.VMEM((GB, B), jnp.int32),
        pltpu.VMEM((GB, B), jnp.int32),
        pltpu.VMEM((B,), jnp.int32),
        pltpu.VMEM((B,), jnp.int32),
        pltpu.VMEM((B, 128), jnp.float32),
        pltpu.VMEM((B, 128), jnp.float32),
        pltpu.VMEM_SHARED((NPAD, 128), jnp.float32),
        pltpu.SemaphoreType.DMA,
        pltpu.SemaphoreType.DMA,
        pltpu.SemaphoreType.DMA,
        pltpu.SemaphoreType.DMA,
    ],
)
def _deg_kernel(src_hbm, dst_hbm, st_hbm, dt_hbm, out_hbm, sgrp, dgrp,
                stail, dtail, onesa, onesb, acc, sem0, sem1, sem2, sem3):
    c = lax.axis_index("c")
    s = lax.axis_index("s")
    wid = c * NS + s
    gbase = wid * GPW + jnp.minimum(wid, XG)
    lane = lax.iota(jnp.int32, 16)
    va = jnp.where(lane == 0, 1.0, 0.0).astype(jnp.float32)
    vb = jnp.where(lane == 1, 1.0, 0.0).astype(jnp.float32)
    zv = jnp.zeros((16,), jnp.float32)

    @pl.loop(0, B)
    def _zfill(i):
        for j in range(8):
            onesa[i, pl.ds(j * 16, 16)] = zv
            onesb[i, pl.ds(j * 16, 16)] = zv

    for k in range(ZR // B):
        pltpu.sync_copy(onesa, acc.at[pl.ds(s * ZR + k * B, B)])

    @pl.loop(0, B)
    def _fill(i):
        onesa[i, pl.ds(0, 16)] = va
        onesb[i, pl.ds(0, 16)] = vb

    plsc.subcore_barrier()

    def _do_group(row0):
        pltpu.sync_copy(src_hbm.at[pl.ds(row0, GB)], sgrp)
        pltpu.sync_copy(dst_hbm.at[pl.ds(row0, GB)], dgrp)

        @pl.loop(0, GB // 2)
        def _pair(q):
            h0 = pltpu.async_copy(onesa, acc.at[sgrp.at[2 * q]], sem0,
                                  add=True)
            h1 = pltpu.async_copy(onesb, acc.at[dgrp.at[2 * q]], sem1,
                                  add=True)
            h2 = pltpu.async_copy(onesa, acc.at[sgrp.at[2 * q + 1]], sem2,
                                  add=True)
            h3 = pltpu.async_copy(onesb, acc.at[dgrp.at[2 * q + 1]], sem3,
                                  add=True)
            h0.wait()
            h1.wait()
            h2.wait()
            h3.wait()

    @pl.loop(0, GPW)
    def _group(g):
        _do_group((gbase + g) * GB)

    @pl.when(wid < XG)
    def _extra():
        _do_group((gbase + GPW) * GB)

    @pl.when(wid >= NW - TW)
    def _tail():
        t = (wid - (NW - TW)) * B
        pltpu.sync_copy(st_hbm.at[pl.ds(t, B)], stail)
        pltpu.sync_copy(dt_hbm.at[pl.ds(t, B)], dtail)
        pltpu.sync_copy(onesa, acc.at[stail], add=True)
        pltpu.sync_copy(onesb, acc.at[dtail], add=True)

    plsc.subcore_barrier()

    @pl.when(s == 0)
    def _():
        pltpu.sync_copy(acc, out_hbm.at[c])


def _make_agg(D):
    @functools.partial(
        pl.kernel,
        out_type=jax.ShapeDtypeStruct((NC, NPAD, D), jnp.float32),
        mesh=_sc_mesh(),
        scratch_types=[
            pltpu.VMEM((GB * B,), jnp.int32),
            pltpu.VMEM((GB, B), jnp.int32),
            pltpu.VMEM((B,), jnp.int32),
            pltpu.VMEM((B, D), jnp.float32),
            pltpu.VMEM((B, D), jnp.float32),
            pltpu.VMEM_SHARED((NPAD, D), jnp.float32),
            pltpu.SemaphoreType.DMA,
            pltpu.SemaphoreType.DMA,
            pltpu.SemaphoreType.DMA,
            pltpu.SemaphoreType.DMA,
        ],
    )
    def agg(tab_hbm, src_hbm, dst_hbm, dt_hbm, out_hbm, sgrp, dgrp, dtail,
            rowsa, rowsb, acc, gsa, gsb, ssa, ssb):
        c = lax.axis_index("c")
        s = lax.axis_index("s")
        wid = c * NS + s
        gbase = wid * GPW + jnp.minimum(wid, XG)
        zv = jnp.zeros((16,), jnp.float32)

        @pl.loop(0, B)
        def _zero(i):
            for j in range(D // 16):
                rowsa[i, pl.ds(j * 16, 16)] = zv

        for k in range(ZR // B):
            pltpu.sync_copy(rowsa, acc.at[pl.ds(s * ZR + k * B, B)])
        plsc.subcore_barrier()

        def _do_group(row0):
            pltpu.sync_copy(src_hbm.at[pl.ds(row0 * B, GB * B)], sgrp)
            pltpu.sync_copy(dst_hbm.at[pl.ds(row0, GB)], dgrp)

            @pl.loop(0, GB // 2)
            def _pair(q):
                off = 2 * q * B
                ga = pltpu.async_copy(tab_hbm.at[sgrp.at[pl.ds(off, B)]],
                                      rowsa, gsa)
                gb = pltpu.async_copy(tab_hbm.at[sgrp.at[pl.ds(off + B, B)]],
                                      rowsb, gsb)
                ga.wait()
                ha = pltpu.async_copy(rowsa, acc.at[dgrp.at[2 * q]], ssa,
                                      add=True)
                gb.wait()
                hb = pltpu.async_copy(rowsb, acc.at[dgrp.at[2 * q + 1]], ssb,
                                      add=True)
                ha.wait()
                hb.wait()

        @pl.loop(0, GPW)
        def _group(g):
            _do_group((gbase + g) * GB)

        @pl.when(wid < XG)
        def _extra():
            _do_group((gbase + GPW) * GB)

        @pl.when(wid >= NW - TW)
        def _tail():
            row = TAIL0 + wid - (NW - TW)
            t = (wid - (NW - TW)) * B
            pltpu.sync_copy(src_hbm.at[pl.ds(row * B, B)],
                            sgrp.at[pl.ds(0, B)])
            pltpu.sync_copy(dt_hbm.at[pl.ds(t, B)], dtail)
            pltpu.async_copy(tab_hbm.at[sgrp.at[pl.ds(0, B)]], rowsa,
                             gsa).wait()
            pltpu.sync_copy(rowsa, acc.at[dtail], add=True)

        plsc.subcore_barrier()

        @pl.when(s == 0)
        def _():
            pltpu.sync_copy(acc, out_hbm.at[c])

    return agg


_agg_h = _make_agg(H)


def _inv(col):
    return jnp.where(col > 0, lax.rsqrt(jnp.maximum(col, 1.0)), 0.0)


def _mm1_body(x_ref, w_ref, deg_ref, o_ref):
    d = deg_ref[0] + deg_ref[1]
    inv_out = _inv(d[:, 0:1])
    o_ref[...] = (
        jnp.dot(x_ref[...], w_ref[...], preferred_element_type=jnp.float32)
        * inv_out
    )


def _mm2_body(a_ref, deg_ref, w_ref, o_ref):
    d = deg_ref[0] + deg_ref[1]
    inv_out = _inv(d[:, 0:1])
    inv_in = _inv(d[:, 1:2])
    h = jnp.maximum((a_ref[0] + a_ref[1]) * inv_in, 0.0)
    o_ref[...] = (
        jnp.dot(h, w_ref[...], preferred_element_type=jnp.float32) * inv_out
    )


def _fin_body(a_ref, deg_ref, o_ref):
    d = deg_ref[0] + deg_ref[1]
    inv_in = _inv(d[:, 1:2])
    o_ref[...] = (a_ref[0, :, :C] + a_ref[1, :, :C]) * inv_in


R1 = 1000
R2 = 1024


def kernel(x, edge_index, W1, W2):
    src = edge_index[0]
    dst = edge_index[1]
    src2d = src.reshape(CH, B)
    dst2d = dst.reshape(CH, B)
    stl = lax.slice(src, (TAIL0 * B,), (E,))
    dtl = lax.slice(dst, (TAIL0 * B,), (E,))

    degp = _deg_kernel(src2d, dst2d, stl, dtl)

    h1s = pl.pallas_call(
        _mm1_body,
        grid=(N // R1,),
        in_specs=[
            pl.BlockSpec((R1, F), lambda i: (i, 0)),
            pl.BlockSpec((F, H), lambda i: (0, 0)),
            pl.BlockSpec((NC, R1, 128), lambda i: (0, i, 0)),
        ],
        out_specs=pl.BlockSpec((R1, H), lambda i: (i, 0)),
        out_shape=jax.ShapeDtypeStruct((N, H), jnp.float32),
    )(x, W1, degp)

    agg1 = _agg_h(h1s, src, dst2d, dtl)

    W2p = jnp.concatenate([W2, jnp.zeros((H, H - C), jnp.float32)], axis=1)
    h2s = pl.pallas_call(
        _mm2_body,
        grid=(NPAD // R2,),
        in_specs=[
            pl.BlockSpec((NC, R2, H), lambda i: (0, i, 0)),
            pl.BlockSpec((NC, R2, 128), lambda i: (0, i, 0)),
            pl.BlockSpec((H, H), lambda i: (0, 0)),
        ],
        out_specs=pl.BlockSpec((R2, H), lambda i: (i, 0)),
        out_shape=jax.ShapeDtypeStruct((NPAD, H), jnp.float32),
    )(agg1, degp, W2p)

    agg2 = _agg_h(h2s, src, dst2d, dtl)

    outp = pl.pallas_call(
        _fin_body,
        grid=(NPAD // R2,),
        in_specs=[
            pl.BlockSpec((NC, R2, H), lambda i: (0, i, 0)),
            pl.BlockSpec((NC, R2, 128), lambda i: (0, i, 0)),
        ],
        out_specs=pl.BlockSpec((R2, C), lambda i: (i, 0)),
        out_shape=jax.ShapeDtypeStruct((NPAD, C), jnp.float32),
    )(agg2, degp)

    return outp[:N]

# --- scband reference (transcript-rebuilt; emitter-appended) ---
"""Pipeline reference for scband-fused-gcn-21543555956848 (READ-ONLY COPY).

The authoritative reference and input builder live on the scoring server;
editing this copy changes nothing except your own understanding.
"""

import jax, jax.numpy as jnp
import numpy as np

N = 10000
E = 320000
F = 128
H = 128
C = 64


def setup_inputs(seed: int = 0) -> dict:
    key = jax.random.key(seed)
    k1, k2, k3, k4 = jax.random.split(key, 4)
    x = jax.random.normal(k1, (N, F), dtype=jnp.float32)
    edge_index = jax.random.randint(k2, (2, E), 0, N, dtype=jnp.int32)
    W1 = jax.random.normal(k3, (F, H), dtype=jnp.float32) * 0.05
    W2 = jax.random.normal(k4, (H, C), dtype=jnp.float32) * 0.05
    return {"x": x, "edge_index": edge_index, "W1": W1, "W2": W2}


def _edge_norm(src, dst, n):
    # symmetric GCN normalization 1/sqrt(deg_out[src] * deg_in[dst])
    deg_out = jnp.bincount(src, length=n).astype(jnp.float32)
    deg_in = jnp.bincount(dst, length=n).astype(jnp.float32)
    inv_out = jnp.where(deg_out > 0, jax.lax.rsqrt(jnp.maximum(deg_out, 1.0)), 0.0)
    inv_in = jnp.where(deg_in > 0, jax.lax.rsqrt(jnp.maximum(deg_in, 1.0)), 0.0)
    return inv_out[src] * inv_in[dst]


def _gcn_layer(x, W, src, dst, norm, n):
    # fused aggregate-transform: A_hat @ (X W)
    h = x @ W
    msgs = jnp.take(h, src, axis=0) * norm[:, None]
    out = jnp.zeros((n, W.shape[1]), dtype=h.dtype).at[dst].add(msgs)
    return out


def reference(x, edge_index, W1, W2):
    n = x.shape[0]
    src = edge_index[0]
    dst = edge_index[1]
    norm = _edge_norm(src, dst, n)
    h = _gcn_layer(x, W1, src, dst, norm, n)
    h = jax.nn.relu(h)
    out = _gcn_layer(h, W2, src, dst, norm, n)
    return out

if __name__ == "__main__":
    import jax
    _d = setup_inputs()
    print(jax.jit(kernel)(*tuple(_d.values())))

</pallas_src>

<mosaic_0001>
#map = affine_map<(d0, d1) -> (0, 0)>
#map1 = affine_map<(d0, d1) -> (0)>
#map2 = affine_map<(d0, d1) -> (0, 0, 0)>
module attributes {stable_mosaic.version = 14 : i64} {
  func.func @_deg_kernel(%arg0: i32, %arg1: i32, %arg2: memref<2500x128xi32, #tpu.memory_space<hbm>>, %arg3: memref<2500x128xi32, #tpu.memory_space<hbm>>, %arg4: memref<512xi32, #tpu.memory_space<hbm>>, %arg5: memref<512xi32, #tpu.memory_space<hbm>>, %arg6: memref<2x10240x128xf32, #tpu.memory_space<hbm>>, %arg7: memref<8x128xi32, #tpu.memory_space<vmem>>, %arg8: memref<8x128xi32, #tpu.memory_space<vmem>>, %arg9: memref<128xi32, #tpu.memory_space<vmem>>, %arg10: memref<128xi32, #tpu.memory_space<vmem>>, %arg11: memref<128x128xf32, #tpu.memory_space<vmem>>, %arg12: memref<128x128xf32, #tpu.memory_space<vmem>>, %arg13: memref<10240x128xf32, #tpu.memory_space<vmem_shared>>, %arg14: memref<!tpu.dma_semaphore, #tpu.memory_space<semaphore_mem>>, %arg15: memref<!tpu.dma_semaphore, #tpu.memory_space<semaphore_mem>>, %arg16: memref<!tpu.dma_semaphore, #tpu.memory_space<semaphore_mem>>, %arg17: memref<!tpu.dma_semaphore, #tpu.memory_space<semaphore_mem>>) attributes {dimension_semantics = [#tpu.dimension_semantics<core_parallel>, #tpu.dimension_semantics<subcore_parallel>], iteration_bounds = array<i64: 2, 16>, scalar_prefetch = 0 : i64, scratch_operands = 11 : i64, tpu.core_type = #tpu.core_type<sc_vector_subcore>, window_params = [{transform_indices = #map}, {transform_indices = #map}, {transform_indices = #map1}, {transform_indices = #map1}, {transform_indices = #map2}]} {
    %mul3A = arith.constant 16 : i32
    %mul3A_0 = arith.muli %arg0, %mul3A : i32
    %add3A = arith.addi %mul3A_0, %arg1 : i32
    %mul3A_1 = arith.constant 9 : i32
    %mul3A_2 = arith.muli %add3A, %mul3A_1 : i32
    %min3A = arith.constant 24 : i32
    %min3A_3 = arith.minsi %add3A, %min3A : i32
    %add3A_4 = arith.addi %mul3A_2, %min3A_3 : i32
    %iota3A = tpu.iota {dimensions = array<i32: 0>} : vector<16xi32>
    %eq3A = arith.constant 0 : i32
    %eq3A_5 = vector.broadcast %eq3A : i32 to vector<16xi32>
    %eq3A_6 = arith.cmpi eq, %iota3A, %eq3A_5 : vector<16xi32>
    %jit3A = arith.constant 1.000000e+00 : f32
    %jit3A_7 = arith.constant 0.000000e+00 : f32
    %broadcast_in_dim3A = vector.broadcast %jit3A : f32 to vector<16xf32>
    %broadcast_in_dim3A_8 = vector.broadcast %jit3A_7 : f32 to vector<16xf32>
    %select_n3A = arith.select %eq3A_6, %broadcast_in_dim3A, %broadcast_in_dim3A_8 : vector<16xi1>, vector<16xf32>
    %eq3A_9 = arith.constant 1 : i32
    %eq3A_10 = vector.broadcast %eq3A_9 : i32 to vector<16xi32>
    %eq3A_11 = arith.cmpi eq, %iota3A, %eq3A_10 : vector<16xi32>
    %jit3A_12 = arith.constant 1.000000e+00 : f32
    %jit3A_13 = arith.constant 0.000000e+00 : f32
    %broadcast_in_dim3A_14 = vector.broadcast %jit3A_12 : f32 to vector<16xf32>
    %broadcast_in_dim3A_15 = vector.broadcast %jit3A_13 : f32 to vector<16xf32>
    %select_n3A_16 = arith.select %eq3A_11, %broadcast_in_dim3A_14, %broadcast_in_dim3A_15 : vector<16xi1>, vector<16xf32>
    %broadcast_in_dim3A_17 = arith.constant 0.000000e+00 : f32
    %broadcast_in_dim3A_18 = vector.broadcast %broadcast_in_dim3A_17 : f32 to vector<16xf32>
    %scan3A = arith.constant 0 : i32
    %scan3A_19 = arith.constant 128 : i32
    %scan3A_20 = arith.addi %scan3A, %scan3A_19 : i32
    %scan3A_21 = arith.constant 1 : i32
    scf.for %scan3A_65 = %scan3A to %scan3A_20 step %scan3A_21  : i32 {
      %mul3A_66 = arith.constant 1 : i32
      %mul3A_67 = arith.muli %scan3A_65, %mul3A_66 : i32
      %add3A_68 = arith.constant 0 : i32
      %add3A_69 = arith.addi %add3A_68, %mul3A_67 : i32
      %swap3A = arith.index_cast %add3A_69 : i32 to index
      %swap3A_70 = arith.constant 0 : index
      %swap3A_71 = tpu.vector_load %arg11[%swap3A, %swap3A_70] {strides = array<i32>} : memref<128x128xf32, #tpu.memory_space<vmem>>, vector<1x16xf32>,
      %swap3A_72 = vector.shape_cast %swap3A_71 : vector<1x16xf32> to vector<16xf32>
      %swap3A_73 = vector.shape_cast %broadcast_in_dim3A_18 : vector<16xf32> to vector<1x16xf32>
      tpu.vector_store %arg11[%swap3A, %swap3A_70], %swap3A_73 {strides = array<i32>} : memref<128x128xf32, #tpu.memory_space<vmem>>, vector<1x16xf32>,
      %swap3A_74 = arith.index_cast %add3A_69 : i32 to index
      %swap3A_75 = arith.constant 0 : index
      %swap3A_76 = tpu.vector_load %arg12[%swap3A_74, %swap3A_75] {strides = array<i32>} : memref<128x128xf32, #tpu.memory_space<vmem>>, vector<1x16xf32>,
      %swap3A_77 = vector.shape_cast %swap3A_76 : vector<1x16xf32> to vector<16xf32>
      %swap3A_78 = vector.shape_cast %broadcast_in_dim3A_18 : vector<16xf32> to vector<1x16xf32>
      tpu.vector_store %arg12[%swap3A_74, %swap3A_75], %swap3A_78 {strides = array<i32>} : memref<128x128xf32, #tpu.memory_space<vmem>>, vector<1x16xf32>,
      %swap3A_79 = arith.index_cast %add3A_69 : i32 to index
      %swap3A_80 = arith.constant 16 : index
      %swap3A_81 = tpu.vector_load %arg11[%swap3A_79, %swap3A_80] {strides = array<i32>} : memref<128x128xf32, #tpu.memory_space<vmem>>, vector<1x16xf32>,
      %swap3A_82 = vector.shape_cast %swap3A_81 : vector<1x16xf32> to vector<16xf32>
      %swap3A_83 = vector.shape_cast %broadcast_in_dim3A_18 : vector<16xf32> to vector<1x16xf32>
      tpu.vector_store %arg11[%swap3A_79, %swap3A_80], %swap3A_83 {strides = array<i32>} : memref<128x128xf32, #tpu.memory_space<vmem>>, vector<1x16xf32>,
      %swap3A_84 = arith.index_cast %add3A_69 : i32 to index
      %swap3A_85 = arith.constant 16 : index
      %swap3A_86 = tpu.vector_load %arg12[%swap3A_84, %swap3A_85] {strides = array<i32>} : memref<128x128xf32, #tpu.memory_space<vmem>>, vector<1x16xf32>,
      %swap3A_87 = vector.shape_cast %swap3A_86 : vector<1x16xf32> to vector<16xf32>
      %swap3A_88 = vector.shape_cast %broadcast_in_dim3A_18 : vector<16xf32> to vector<1x16xf32>
      tpu.vector_store %arg12[%swap3A_84, %swap3A_85], %swap3A_88 {strides = array<i32>} : memref<128x128xf32, #tpu.memory_space<vmem>>, vector<1x16xf32>,
      %swap3A_89 = arith.index_cast %add3A_69 : i32 to index
      %swap3A_90 = arith.constant 32 : index
      %swap3A_91 = tpu.vector_load %arg11[%swap3A_89, %swap3A_90] {strides = array<i32>} : memref<128x128xf32, #tpu.memory_space<vmem>>, vector<1x16xf32>,
      %swap3A_92 = vector.shape_cast %swap3A_91 : vector<1x16xf32> to vector<16xf32>
      %swap3A_93 = vector.shape_cast %broadcast_in_dim3A_18 : vector<16xf32> to vector<1x16xf32>
      tpu.vector_store %arg11[%swap3A_89, %swap3A_90], %swap3A_93 {strides = array<i32>} : memref<128x128xf32, #tpu.memory_space<vmem>>, vector<1x16xf32>,
      %swap3A_94 = arith.index_cast %add3A_69 : i32 to index
      %swap3A_95 = arith.constant 32 : index
      %swap3A_96 = tpu.vector_load %arg12[%swap3A_94, %swap3A_95] {strides = array<i32>} : memref<128x128xf32, #tpu.memory_space<vmem>>, vector<1x16xf32>,
      %swap3A_97 = vector.shape_cast %swap3A_96 : vector<1x16xf32> to vector<16xf32>
      %swap3A_98 = vector.shape_cast %broadcast_in_dim3A_18 : vector<16xf32> to vector<1x16xf32>
      tpu.vector_store %arg12[%swap3A_94, %swap3A_95], %swap3A_98 {strides = array<i32>} : memref<128x128xf32, #tpu.memory_space<vmem>>, vector<1x16xf32>,
      %swap3A_99 = arith.index_cast %add3A_69 : i32 to index
      %swap3A_100 = arith.constant 48 : index
      %swap3A_101 = tpu.vector_load %arg11[%swap3A_99, %swap3A_100] {strides = array<i32>} : memref<128x128xf32, #tpu.memory_space<vmem>>, vector<1x16xf32>,
      %swap3A_102 = vector.shape_cast %swap3A_101 : vector<1x16xf32> to vector<16xf32>
      %swap3A_103 = vector.shape_cast %broadcast_in_dim3A_18 : vector<16xf32> to vector<1x16xf32>
      tpu.vector_store %arg11[%swap3A_99, %swap3A_100], %swap3A_103 {strides = array<i32>} : memref<128x128xf32, #tpu.memory_space<vmem>>, vector<1x16xf32>,
      %swap3A_104 = arith.index_cast %add3A_69 : i32 to index
      %swap3A_105 = arith.constant 48 : index
      %swap3A_106 = tpu.vector_load %arg12[%swap3A_104, %swap3A_105] {strides = array<i32>} : memref<128x128xf32, #tpu.memory_space<vmem>>, vector<1x16xf32>,
      %swap3A_107 = vector.shape_cast %swap3A_106 : vector<1x16xf32> to vector<16xf32>
      %swap3A_108 = vector.shape_cast %broadcast_in_dim3A_18 : vector<16xf32> to vector<1x16xf32>
      tpu.vector_store %arg12[%swap3A_104, %swap3A_105], %swap3A_108 {strides = array<i32>} : memref<128x128xf32, #tpu.memory_space<vmem>>, vector<1x16xf32>,
      %swap3A_109 = arith.index_cast %add3A_69 : i32 to index
      %swap3A_110 = arith.constant 64 : index
      %swap3A_111 = tpu.vector_load %arg11[%swap3A_109, %swap3A_110] {strides = array<i32>} : memref<128x128xf32, #tpu.memory_space<vmem>>, vector<1x16xf32>,
      %swap3A_112 = vector.shape_cast %swap3A_111 : vector<1x16xf32> to vector<16xf32>
      %swap3A_113 = vector.shape_cast %broadcast_in_dim3A_18 : vector<16xf32> to vector<1x16xf32>
      tpu.vector_store %arg11[%swap3A_109, %swap3A_110], %swap3A_113 {strides = array<i32>} : memref<128x128xf32, #tpu.memory_space<vmem>>, vector<1x16xf32>,
      %swap3A_114 = arith.index_cast %add3A_69 : i32 to index
      %swap3A_115 = arith.constant 64 : index
      %swap3A_116 = tpu.vector_load %arg12[%swap3A_114, %swap3A_115] {strides = array<i32>} : memref<128x128xf32, #tpu.memory_space<vmem>>, vector<1x16xf32>,
      %swap3A_117 = vector.shape_cast %swap3A_116 : vector<1x16xf32> to vector<16xf32>
      %swap3A_118 = vector.shape_cast %broadcast_in_dim3A_18 : vector<16xf32> to vector<1x16xf32>
      tpu.vector_store %arg12[%swap3A_114, %swap3A_115], %swap3A_118 {strides = array<i32>} : memref<128x128xf32, #tpu.memory_space<vmem>>, vector<1x16xf32>,
      %swap3A_119 = arith.index_cast %add3A_69 : i32 to index
      %swap3A_120 = arith.constant 80 : index
      %swap3A_121 = tpu.vector_load %arg11[%swap3A_119, %swap3A_120] {strides = array<i32>} : memref<128x128xf32, #tpu.memory_space<vmem>>, vector<1x16xf32>,
      %swap3A_122 = vector.shape_cast %swap3A_121 : vector<1x16xf32> to vector<16xf32>
      %swap3A_123 = vector.shape_cast %broadcast_in_dim3A_18 : vector<16xf32> to vector<1x16xf32>
      tpu.vector_store %arg11[%swap3A_119, %swap3A_120], %swap3A_123 {strides = array<i32>} : memref<128x128xf32, #tpu.memory_space<vmem>>, vector<1x16xf32>,
      %swap3A_124 = arith.index_cast %add3A_69 : i32 to index
      %swap3A_125 = arith.constant 80 : index
      %swap3A_126 = tpu.vector_load %arg12[%swap3A_124, %swap3A_125] {strides = array<i32>} : memref<128x128xf32, #tpu.memory_space<vmem>>, vector<1x16xf32>,
      %swap3A_127 = vector.shape_cast %swap3A_126 : vector<1x16xf32> to vector<16xf32>
      %swap3A_128 = vector.shape_cast %broadcast_in_dim3A_18 : vector<16xf32> to vector<1x16xf32>
      tpu.vector_store %arg12[%swap3A_124, %swap3A_125], %swap3A_128 {strides = array<i32>} : memref<128x128xf32, #tpu.memory_space<vmem>>, vector<1x16xf32>,
      %swap3A_129 = arith.index_cast %add3A_69 : i32 to index
      %swap3A_130 = arith.constant 96 : index
      %swap3A_131 = tpu.vector_load %arg11[%swap3A_129, %swap3A_130] {strides = array<i32>} : memref<128x128xf32, #tpu.memory_space<vmem>>, vector<1x16xf32>,
      %swap3A_132 = vector.shape_cast %swap3A_131 : vector<1x16xf32> to vector<16xf32>
      %swap3A_133 = vector.shape_cast %broadcast_in_dim3A_18 : vector<16xf32> to vector<1x16xf32>
      tpu.vector_store %arg11[%swap3A_129, %swap3A_130], %swap3A_133 {strides = array<i32>} : memref<128x128xf32, #tpu.memory_space<vmem>>, vector<1x16xf32>,
      %swap3A_134 = arith.index_cast %add3A_69 : i32 to index
      %swap3A_135 = arith.constant 96 : index
      %swap3A_136 = tpu.vector_load %arg12[%swap3A_134, %swap3A_135] {strides = array<i32>} : memref<128x128xf32, #tpu.memory_space<vmem>>, vector<1x16xf32>,
      %swap3A_137 = vector.shape_cast %swap3A_136 : vector<1x16xf32> to vector<16xf32>
      %swap3A_138 = vector.shape_cast %broadcast_in_dim3A_18 : vector<16xf32> to vector<1x16xf32>
      tpu.vector_store %arg12[%swap3A_134, %swap3A_135], %swap3A_138 {strides = array<i32>} : memref<128x128xf32, #tpu.memory_space<vmem>>, vector<1x16xf32>,
      %swap3A_139 = arith.index_cast %add3A_69 : i32 to index
      %swap3A_140 = arith.constant 112 : index
      %swap3A_141 = tpu.vector_load %arg11[%swap3A_139, %swap3A_140] {strides = array<i32>} : memref<128x128xf32, #tpu.memory_space<vmem>>, vector<1x16xf32>,
      %swap3A_142 = vector.shape_cast %swap3A_141 : vector<1x16xf32> to vector<16xf32>
      %swap3A_143 = vector.shape_cast %broadcast_in_dim3A_18 : vector<16xf32> to vector<1x16xf32>
      tpu.vector_store %arg11[%swap3A_139, %swap3A_140], %swap3A_143 {strides = array<i32>} : memref<128x128xf32, #tpu.memory_space<vmem>>, vector<1x16xf32>,
      %swap3A_144 = arith.index_cast %add3A_69 : i32 to index
      %swap3A_145 = arith.constant 112 : index
      %swap3A_146 = tpu.vector_load %arg12[%swap3A_144, %swap3A_145] {strides = array<i32>} : memref<128x128xf32, #tpu.memory_space<vmem>>, vector<1x16xf32>,
      %swap3A_147 = vector.shape_cast %swap3A_146 : vector<1x16xf32> to vector<16xf32>
      %swap3A_148 = vector.shape_cast %broadcast_in_dim3A_18 : vector<16xf32> to vector<1x16xf32>
      tpu.vector_store %arg12[%swap3A_144, %swap3A_145], %swap3A_148 {strides = array<i32>} : memref<128x128xf32, #tpu.memory_space<vmem>>, vector<1x16xf32>,
    }
    %scan3A_22 = arith.constant 128 : i32
    %mul3A_23 = arith.constant 640 : i32
    %mul3A_24 = arith.muli %arg1, %mul3A_23 : i32
    %add3A_25 = arith.constant 0 : i32
    %add3A_26 = arith.addi %mul3A_24, %add3A_25 : i32
    "tpu.region"() ({
      %run_scoped3A = tpu.sem_alloc : memref<!tpu.dma_semaphore, #tpu.memory_space<semaphore_mem>>
      %dma_start3A = arith.constant 0 : i32
      %dma_start3A_65 = tpu.memref_slice %arg13[%add3A_26, %dma_start3A] : memref<10240x128xf32, #tpu.memory_space<vmem_shared>> -> memref<128x128xf32, #tpu.memory_space<vmem_shared>>
      %dma_start3A_66 = arith.constant 0 : i32
      %dma_start3A_67 = tpu.memref_slice %arg13[%add3A_26, %dma_start3A_66] : memref<10240x128xf32, #tpu.memory_space<vmem_shared>> -> memref<128x128xf32, #tpu.memory_space<vmem_shared>>
      tpu.enqueue_dma source(%arg11 : memref<128x128xf32, #tpu.memory_space<vmem>>) target(%dma_start3A_67 : memref<128x128xf32, #tpu.memory_space<vmem_shared>>) target_semaphore(%run_scoped3A : memref<!tpu.dma_semaphore, #tpu.memory_space<semaphore_mem>>)
      %dma_wait3A = arith.constant 0 : i32
      %dma_wait3A_68 = tpu.memref_slice %arg13[%add3A_26, %dma_wait3A] : memref<10240x128xf32, #tpu.memory_space<vmem_shared>> -> memref<128x128xf32, #tpu.memory_space<vmem_shared>>
      %dma_wait3A_69 = arith.constant 0 : i32
      %dma_wait3A_70 = tpu.memref_slice %arg13[%add3A_26, %dma_wait3A_69] : memref<10240x128xf32, #tpu.memory_space<vmem_shared>> -> memref<128x128xf32, #tpu.memory_space<vmem_shared>>
      tpu.wait_dma2 semaphore(%run_scoped3A : memref<!tpu.dma_semaphore, #tpu.memory_space<semaphore_mem>>) src(%arg11 : memref<128x128xf32, #tpu.memory_space<vmem>>) dst(%dma_wait3A_70 : memref<128x128xf32, #tpu.memory_space<vmem_shared>>)
      tpu.yield
    }) : () -> ()
    %mul3A_27 = arith.constant 640 : i32
    %mul3A_28 = arith.muli %arg1, %mul3A_27 : i32
    %add3A_29 = arith.constant 128 : i32
    %add3A_30 = arith.addi %mul3A_28, %add3A_29 : i32
    "tpu.region"() ({
      %run_scoped3A = tpu.sem_alloc : memref<!tpu.dma_semaphore, #tpu.memory_space<semaphore_mem>>
      %dma_start3A = arith.constant 0 : i32
      %dma_start3A_65 = tpu.memref_slice %arg13[%add3A_30, %dma_start3A] : memref<10240x128xf32, #tpu.memory_space<vmem_shared>> -> memref<128x128xf32, #tpu.memory_space<vmem_shared>>
      %dma_start3A_66 = arith.constant 0 : i32
      %dma_start3A_67 = tpu.memref_slice %arg13[%add3A_30, %dma_start3A_66] : memref<10240x128xf32, #tpu.memory_space<vmem_shared>> -> memref<128x128xf32, #tpu.memory_space<vmem_shared>>
      tpu.enqueue_dma source(%arg11 : memref<128x128xf32, #tpu.memory_space<vmem>>) target(%dma_start3A_67 : memref<128x128xf32, #tpu.memory_space<vmem_shared>>) target_semaphore(%run_scoped3A : memref<!tpu.dma_semaphore, #tpu.memory_space<semaphore_mem>>)
      %dma_wait3A = arith.constant 0 : i32
      %dma_wait3A_68 = tpu.memref_slice %arg13[%add3A_30, %dma_wait3A] : memref<10240x128xf32, #tpu.memory_space<vmem_shared>> -> memref<128x128xf32, #tpu.memory_space<vmem_shared>>
      %dma_wait3A_69 = arith.constant 0 : i32
      %dma_wait3A_70 = tpu.memref_slice %arg13[%add3A_30, %dma_wait3A_69] : memref<10240x128xf32, #tpu.memory_space<vmem_shared>> -> memref<128x128xf32, #tpu.memory_space<vmem_shared>>
      tpu.wait_dma2 semaphore(%run_scoped3A : memref<!tpu.dma_semaphore, #tpu.memory_space<semaphore_mem>>) src(%arg11 : memref<128x128xf32, #tpu.memory_space<vmem>>) dst(%dma_wait3A_70 : memref<128x128xf32, #tpu.memory_space<vmem_shared>>)
      tpu.yield
    }) : () -> ()
    %mul3A_31 = arith.constant 640 : i32
    %mul3A_32 = arith.muli %arg1, %mul3A_31 : i32
    %add3A_33 = arith.constant 256 : i32
    %add3A_34 = arith.addi %mul3A_32, %add3A_33 : i32
    "tpu.region"() ({
      %run_scoped3A = tpu.sem_alloc : memref<!tpu.dma_semaphore, #tpu.memory_space<semaphore_mem>>
      %dma_start3A = arith.constant 0 : i32
      %dma_start3A_65 = tpu.memref_slice %arg13[%add3A_34, %dma_start3A] : memref<10240x128xf32, #tpu.memory_space<vmem_shared>> -> memref<128x128xf32, #tpu.memory_space<vmem_shared>>
      %dma_start3A_66 = arith.constant 0 : i32
      %dma_start3A_67 = tpu.memref_slice %arg13[%add3A_34, %dma_start3A_66] : memref<10240x128xf32, #tpu.memory_space<vmem_shared>> -> memref<128x128xf32, #tpu.memory_space<vmem_shared>>
      tpu.enqueue_dma source(%arg11 : memref<128x128xf32, #tpu.memory_space<vmem>>) target(%dma_start3A_67 : memref<128x128xf32, #tpu.memory_space<vmem_shared>>) target_semaphore(%run_scoped3A : memref<!tpu.dma_semaphore, #tpu.memory_space<semaphore_mem>>)
      %dma_wait3A = arith.constant 0 : i32
      %dma_wait3A_68 = tpu.memref_slice %arg13[%add3A_34, %dma_wait3A] : memref<10240x128xf32, #tpu.memory_space<vmem_shared>> -> memref<128x128xf32, #tpu.memory_space<vmem_shared>>
      %dma_wait3A_69 = arith.constant 0 : i32
      %dma_wait3A_70 = tpu.memref_slice %arg13[%add3A_34, %dma_wait3A_69] : memref<10240x128xf32, #tpu.memory_space<vmem_shared>> -> memref<128x128xf32, #tpu.memory_space<vmem_shared>>
      tpu.wait_dma2 semaphore(%run_scoped3A : memref<!tpu.dma_semaphore, #tpu.memory_space<semaphore_mem>>) src(%arg11 : memref<128x128xf32, #tpu.memory_space<vmem>>) dst(%dma_wait3A_70 : memref<128x128xf32, #tpu.memory_space<vmem_shared>>)
      tpu.yield
    }) : () -> ()
    %mul3A_35 = arith.constant 640 : i32
    %mul3A_36 = arith.muli %arg1, %mul3A_35 : i32
    %add3A_37 = arith.constant 384 : i32
    %add3A_38 = arith.addi %mul3A_36, %add3A_37 : i32
    "tpu.region"() ({
      %run_scoped3A = tpu.sem_alloc : memref<!tpu.dma_semaphore, #tpu.memory_space<semaphore_mem>>
      %dma_start3A = arith.constant 0 : i32
      %dma_start3A_65 = tpu.memref_slice %arg13[%add3A_38, %dma_start3A] : memref<10240x128xf32, #tpu.memory_space<vmem_shared>> -> memref<128x128xf32, #tpu.memory_space<vmem_shared>>
      %dma_start3A_66 = arith.constant 0 : i32
      %dma_start3A_67 = tpu.memref_slice %arg13[%add3A_38, %dma_start3A_66] : memref<10240x128xf32, #tpu.memory_space<vmem_shared>> -> memref<128x128xf32, #tpu.memory_space<vmem_shared>>
      tpu.enqueue_dma source(%arg11 : memref<128x128xf32, #tpu.memory_space<vmem>>) target(%dma_start3A_67 : memref<128x128xf32, #tpu.memory_space<vmem_shared>>) target_semaphore(%run_scoped3A : memref<!tpu.dma_semaphore, #tpu.memory_space<semaphore_mem>>)
      %dma_wait3A = arith.constant 0 : i32
      %dma_wait3A_68 = tpu.memref_slice %arg13[%add3A_38, %dma_wait3A] : memref<10240x128xf32, #tpu.memory_space<vmem_shared>> -> memref<128x128xf32, #tpu.memory_space<vmem_shared>>
      %dma_wait3A_69 = arith.constant 0 : i32
      %dma_wait3A_70 = tpu.memref_slice %arg13[%add3A_38, %dma_wait3A_69] : memref<10240x128xf32, #tpu.memory_space<vmem_shared>> -> memref<128x128xf32, #tpu.memory_space<vmem_shared>>
      tpu.wait_dma2 semaphore(%run_scoped3A : memref<!tpu.dma_semaphore, #tpu.memory_space<semaphore_mem>>) src(%arg11 : memref<128x128xf32, #tpu.memory_space<vmem>>) dst(%dma_wait3A_70 : memref<128x128xf32, #tpu.memory_space<vmem_shared>>)
      tpu.yield
    }) : () -> ()
    %mul3A_39 = arith.constant 640 : i32
    %mul3A_40 = arith.muli %arg1, %mul3A_39 : i32
    %add3A_41 = arith.constant 512 : i32
    %add3A_42 = arith.addi %mul3A_40, %add3A_41 : i32
    "tpu.region"() ({
      %run_scoped3A = tpu.sem_alloc : memref<!tpu.dma_semaphore, #tpu.memory_space<semaphore_mem>>
      %dma_start3A = arith.constant 0 : i32
      %dma_start3A_65 = tpu.memref_slice %arg13[%add3A_42, %dma_start3A] : memref<10240x128xf32, #tpu.memory_space<vmem_shared>> -> memref<128x128xf32, #tpu.memory_space<vmem_shared>>
      %dma_start3A_66 = arith.constant 0 : i32
      %dma_start3A_67 = tpu.memref_slice %arg13[%add3A_42, %dma_start3A_66] : memref<10240x128xf32, #tpu.memory_space<vmem_shared>> -> memref<128x128xf32, #tpu.memory_space<vmem_shared>>
      tpu.enqueue_dma source(%arg11 : memref<128x128xf32, #tpu.memory_space<vmem>>) target(%dma_start3A_67 : memref<128x128xf32, #tpu.memory_space<vmem_shared>>) target_semaphore(%run_scoped3A : memref<!tpu.dma_semaphore, #tpu.memory_space<semaphore_mem>>)
      %dma_wait3A = arith.constant 0 : i32
      %dma_wait3A_68 = tpu.memref_slice %arg13[%add3A_42, %dma_wait3A] : memref<10240x128xf32, #tpu.memory_space<vmem_shared>> -> memref<128x128xf32, #tpu.memory_space<vmem_shared>>
      %dma_wait3A_69 = arith.constant 0 : i32
      %dma_wait3A_70 = tpu.memref_slice %arg13[%add3A_42, %dma_wait3A_69] : memref<10240x128xf32, #tpu.memory_space<vmem_shared>> -> memref<128x128xf32, #tpu.memory_space<vmem_shared>>
      tpu.wait_dma2 semaphore(%run_scoped3A : memref<!tpu.dma_semaphore, #tpu.memory_space<semaphore_mem>>) src(%arg11 : memref<128x128xf32, #tpu.memory_space<vmem>>) dst(%dma_wait3A_70 : memref<128x128xf32, #tpu.memory_space<vmem_shared>>)
      tpu.yield
    }) : () -> ()
    %scan3A_43 = arith.constant 0 : i32
    %scan3A_44 = arith.constant 128 : i32
    %scan3A_45 = arith.addi %scan3A_43, %scan3A_44 : i32
    %scan3A_46 = arith.constant 1 : i32
    scf.for %scan3A_65 = %scan3A_43 to %scan3A_45 step %scan3A_46  : i32 {
      %mul3A_66 = arith.constant 1 : i32
      %mul3A_67 = arith.muli %scan3A_65, %mul3A_66 : i32
      %add3A_68 = arith.constant 0 : i32
      %add3A_69 = arith.addi %add3A_68, %mul3A_67 : i32
      %swap3A = arith.index_cast %add3A_69 : i32 to index
      %swap3A_70 = arith.constant 0 : index
      %swap3A_71 = tpu.vector_load %arg11[%swap3A, %swap3A_70] {strides = array<i32>} : memref<128x128xf32, #tpu.memory_space<vmem>>, vector<1x16xf32>,
      %swap3A_72 = vector.shape_cast %swap3A_71 : vector<1x16xf32> to vector<16xf32>
      %swap3A_73 = vector.shape_cast %select_n3A : vector<16xf32> to vector<1x16xf32>
      tpu.vector_store %arg11[%swap3A, %swap3A_70], %swap3A_73 {strides = array<i32>} : memref<128x128xf32, #tpu.memory_space<vmem>>, vector<1x16xf32>,
      %swap3A_74 = arith.index_cast %add3A_69 : i32 to index
      %swap3A_75 = arith.constant 0 : index
      %swap3A_76 = tpu.vector_load %arg12[%swap3A_74, %swap3A_75] {strides = array<i32>} : memref<128x128xf32, #tpu.memory_space<vmem>>, vector<1x16xf32>,
      %swap3A_77 = vector.shape_cast %swap3A_76 : vector<1x16xf32> to vector<16xf32>
      %swap3A_78 = vector.shape_cast %select_n3A_16 : vector<16xf32> to vector<1x16xf32>
      tpu.vector_store %arg12[%swap3A_74, %swap3A_75], %swap3A_78 {strides = array<i32>} : memref<128x128xf32, #tpu.memory_space<vmem>>, vector<1x16xf32>,
    }
    %scan3A_47 = arith.constant 128 : i32
    %barrier3A = arith.constant 0 : index
    tpu.barrier barrier_id(%barrier3A)
    %scan3A_48 = arith.constant 0 : i32
    %scan3A_49 = arith.constant 9 : i32
    %scan3A_50 = arith.addi %scan3A_48, %scan3A_49 : i32
    %scan3A_51 = arith.constant 1 : i32
    scf.for %scan3A_65 = %scan3A_48 to %scan3A_50 step %scan3A_51  : i32 {
      %mul3A_66 = arith.constant 1 : i32
      %mul3A_67 = arith.muli %scan3A_65, %mul3A_66 : i32
      %add3A_68 = arith.constant 0 : i32
      %add3A_69 = arith.addi %add3A_68, %mul3A_67 : i32
      %add3A_70 = arith.addi %add3A_4, %add3A_69 : i32
      %mul3A_71 = arith.constant 8 : i32
      %mul3A_72 = arith.muli %add3A_70, %mul3A_71 : i32
      "tpu.region"() ({
        %run_scoped3A = tpu.sem_alloc : memref<!tpu.dma_semaphore, #tpu.memory_space<semaphore_mem>>
        %dma_start3A = arith.constant 0 : i32
        %dma_start3A_78 = tpu.memref_slice %arg2[%mul3A_72, %dma_start3A] : memref<2500x128xi32, #tpu.memory_space<hbm>> -> memref<8x128xi32, #tpu.memory_space<hbm>>
        %dma_start3A_79 = arith.constant 0 : i32
        %dma_start3A_80 = tpu.memref_slice %arg2[%mul3A_72, %dma_start3A_79] : memref<2500x128xi32, #tpu.memory_space<hbm>> -> memref<8x128xi32, #tpu.memory_space<hbm>>
        tpu.enqueue_dma source(%dma_start3A_80 : memref<8x128xi32, #tpu.memory_space<hbm>>) target(%arg7 : memref<8x128xi32, #tpu.memory_space<vmem>>) target_semaphore(%run_scoped3A : memref<!tpu.dma_semaphore, #tpu.memory_space<semaphore_mem>>)
        %dma_wait3A = arith.constant 0 : i32
        %dma_wait3A_81 = tpu.memref_slice %arg2[%mul3A_72, %dma_wait3A] : memref<2500x128xi32, #tpu.memory_space<hbm>> -> memref<8x128xi32, #tpu.memory_space<hbm>>
        %dma_wait3A_82 = arith.constant 0 : i32
        %dma_wait3A_83 = tpu.memref_slice %arg2[%mul3A_72, %dma_wait3A_82] : memref<2500x128xi32, #tpu.memory_space<hbm>> -> memref<8x128xi32, #tpu.memory_space<hbm>>
        tpu.wait_dma2 semaphore(%run_scoped3A : memref<!tpu.dma_semaphore, #tpu.memory_space<semaphore_mem>>) src(%dma_wait3A_83 : memref<8x128xi32, #tpu.memory_space<hbm>>) dst(%arg7 : memref<8x128xi32, #tpu.memory_space<vmem>>)
        tpu.yield
      }) : () -> ()
      "tpu.region"() ({
        %run_scoped3A = tpu.sem_alloc : memref<!tpu.dma_semaphore, #tpu.memory_space<semaphore_mem>>
        %dma_start3A = arith.constant 0 : i32
        %dma_start3A_78 = tpu.memref_slice %arg3[%mul3A_72, %dma_start3A] : memref<2500x128xi32, #tpu.memory_space<hbm>> -> memref<8x128xi32, #tpu.memory_space<hbm>>
        %dma_start3A_79 = arith.constant 0 : i32
        %dma_start3A_80 = tpu.memref_slice %arg3[%mul3A_72, %dma_start3A_79] : memref<2500x128xi32, #tpu.memory_space<hbm>> -> memref<8x128xi32, #tpu.memory_space<hbm>>
        tpu.enqueue_dma source(%dma_start3A_80 : memref<8x128xi32, #tpu.memory_space<hbm>>) target(%arg8 : memref<8x128xi32, #tpu.memory_space<vmem>>) target_semaphore(%run_scoped3A : memref<!tpu.dma_semaphore, #tpu.memory_space<semaphore_mem>>)
        %dma_wait3A = arith.constant 0 : i32
        %dma_wait3A_81 = tpu.memref_slice %arg3[%mul3A_72, %dma_wait3A] : memref<2500x128xi32, #tpu.memory_space<hbm>> -> memref<8x128xi32, #tpu.memory_space<hbm>>
        %dma_wait3A_82 = arith.constant 0 : i32
        %dma_wait3A_83 = tpu.memref_slice %arg3[%mul3A_72, %dma_wait3A_82] : memref<2500x128xi32, #tpu.memory_space<hbm>> -> memref<8x128xi32, #tpu.memory_space<hbm>>
        tpu.wait_dma2 semaphore(%run_scoped3A : memref<!tpu.dma_semaphore, #tpu.memory_space<semaphore_mem>>) src(%dma_wait3A_83 : memref<8x128xi32, #tpu.memory_space<hbm>>) dst(%arg8 : memref<8x128xi32, #tpu.memory_space<vmem>>)
        tpu.yield
      }) : () -> ()
      %scan3A_73 = arith.constant 0 : i32
      %scan3A_74 = arith.constant 4 : i32
      %scan3A_75 = arith.addi %scan3A_73, %scan3A_74 : i32
      %scan3A_76 = arith.constant 1 : i32
      scf.for %scan3A_78 = %scan3A_73 to %scan3A_75 step %scan3A_76  : i32 {
        %mul3A_79 = arith.constant 1 : i32
        %mul3A_80 = arith.muli %scan3A_78, %mul3A_79 : i32
        %add3A_81 = arith.constant 0 : i32
        %add3A_82 = arith.addi %add3A_81, %mul3A_80 : i32
        %mul3A_83 = arith.constant 2 : i32
        %mul3A_84 = arith.muli %mul3A_83, %add3A_82 : i32
        %dma_start3A = arith.constant 0 : i32
        %dma_start3A_85 = tpu.memref_slice %arg7[%mul3A_84, %dma_start3A] : memref<8x128xi32, #tpu.memory_space<vmem>> -> memref<1x128xi32, #tpu.memory_space<vmem>>
        %dma_start3A_86 = tpu.memref_squeeze %dma_start3A_85 : memref<1x128xi32, #tpu.memory_space<vmem>> -> memref<128xi32, #tpu.memory_space<vmem>>
        %dma_start3A_87 = arith.constant 0 : i32
        %dma_start3A_88 = arith.constant 0 : i32
        %dma_start3A_89 = tpu.memref_slice %arg13[%dma_start3A_87, %dma_start3A_88] : memref<10240x128xf32, #tpu.memory_space<vmem_shared>> -> memref<10240x128xf32, #tpu.memory_space<vmem_shared>>
        tpu.enqueue_indirect_dma source(%arg11 : memref<128x128xf32, #tpu.memory_space<vmem>>) target(%dma_start3A_89 : memref<10240x128xf32, #tpu.memory_space<vmem_shared>>) offsets(%dma_start3A_86 : memref<128xi32, #tpu.memory_space<vmem>>) semaphore(%arg14 : memref<!tpu.dma_semaphore, #tpu.memory_space<semaphore_mem>>) {add = true}
        %mul3A_90 = arith.constant 2 : i32
        %mul3A_91 = arith.muli %mul3A_90, %add3A_82 : i32
        %dma_start3A_92 = arith.constant 0 : i32
        %dma_start3A_93 = tpu.memref_slice %arg8[%mul3A_91, %dma_start3A_92] : memref<8x128xi32, #tpu.memory_space<vmem>> -> memref<1x128xi32, #tpu.memory_space<vmem>>
        %dma_start3A_94 = tpu.memref_squeeze %dma_start3A_93 : memref<1x128xi32, #tpu.memory_space<vmem>> -> memref<128xi32, #tpu.memory_space<vmem>>
        %dma_start3A_95 = arith.constant 0 : i32
        %dma_start3A_96 = arith.constant 0 : i32
        %dma_start3A_97 = tpu.memref_slice %arg13[%dma_start3A_95, %dma_start3A_96] : memref<10240x128xf32, #tpu.memory_space<vmem_shared>> -> memref<10240x128xf32, #tpu.memory_space<vmem_shared>>
        tpu.enqueue_indirect_dma source(%arg12 : memref<128x128xf32, #tpu.memory_space<vmem>>) target(%dma_start3A_97 : memref<10240x128xf32, #tpu.memory_space<vmem_shared>>) offsets(%dma_start3A_94 : memref<128xi32, #tpu.memory_space<vmem>>) semaphore(%arg15 : memref<!tpu.dma_semaphore, #tpu.memory_space<semaphore_mem>>) {add = true}
        %mul3A_98 = arith.constant 2 : i32
        %mul3A_99 = arith.muli %mul3A_98, %add3A_82 : i32
        %add3A_100 = arith.constant 1 : i32
        %add3A_101 = arith.addi %mul3A_99, %add3A_100 : i32
        %dma_start3A_102 = arith.constant 0 : i32
        %dma_start3A_103 = tpu.memref_slice %arg7[%add3A_101, %dma_start3A_102] : memref<8x128xi32, #tpu.memory_space<vmem>> -> memref<1x128xi32, #tpu.memory_space<vmem>>
        %dma_start3A_104 = tpu.memref_squeeze %dma_start3A_103 : memref<1x128xi32, #tpu.memory_space<vmem>> -> memref<128xi32, #tpu.memory_space<vmem>>
        %dma_start3A_105 = arith.constant 0 : i32
        %dma_start3A_106 = arith.constant 0 : i32
        %dma_start3A_107 = tpu.memref_slice %arg13[%dma_start3A_105, %dma_start3A_106] : memref<10240x128xf32, #tpu.memory_space<vmem_shared>> -> memref<10240x128xf32, #tpu.memory_space<vmem_shared>>
        tpu.enqueue_indirect_dma source(%arg11 : memref<128x128xf32, #tpu.memory_space<vmem>>) target(%dma_start3A_107 : memref<10240x128xf32, #tpu.memory_space<vmem_shared>>) offsets(%dma_start3A_104 : memref<128xi32, #tpu.memory_space<vmem>>) semaphore(%arg16 : memref<!tpu.dma_semaphore, #tpu.memory_space<semaphore_mem>>) {add = true}
        %mul3A_108 = arith.constant 2 : i32
        %mul3A_109 = arith.muli %mul3A_108, %add3A_82 : i32
        %add3A_110 = arith.constant 1 : i32
        %add3A_111 = arith.addi %mul3A_109, %add3A_110 : i32
        %dma_start3A_112 = arith.constant 0 : i32
        %dma_start3A_113 = tpu.memref_slice %arg8[%add3A_111, %dma_start3A_112] : memref<8x128xi32, #tpu.memory_space<vmem>> -> memref<1x128xi32, #tpu.memory_space<vmem>>
        %dma_start3A_114 = tpu.memref_squeeze %dma_start3A_113 : memref<1x128xi32, #tpu.memory_space<vmem>> -> memref<128xi32, #tpu.memory_space<vmem>>
        %dma_start3A_115 = arith.constant 0 : i32
        %dma_start3A_116 = arith.constant 0 : i32
        %dma_start3A_117 = tpu.memref_slice %arg13[%dma_start3A_115, %dma_start3A_116] : memref<10240x128xf32, #tpu.memory_space<vmem_shared>> -> memref<10240x128xf32, #tpu.memory_space<vmem_shared>>
        tpu.enqueue_indirect_dma source(%arg12 : memref<128x128xf32, #tpu.memory_space<vmem>>) target(%dma_start3A_117 : memref<10240x128xf32, #tpu.memory_space<vmem_shared>>) offsets(%dma_start3A_114 : memref<128xi32, #tpu.memory_space<vmem>>) semaphore(%arg17 : memref<!tpu.dma_semaphore, #tpu.memory_space<semaphore_mem>>) {add = true}
        %dma_wait3A = arith.constant 0 : i32
        %dma_wait3A_118 = tpu.memref_slice %arg7[%mul3A_84, %dma_wait3A] : memref<8x128xi32, #tpu.memory_space<vmem>> -> memref<1x128xi32, #tpu.memory_space<vmem>>
        %dma_wait3A_119 = tpu.memref_squeeze %dma_wait3A_118 : memref<1x128xi32, #tpu.memory_space<vmem>> -> memref<128xi32, #tpu.memory_space<vmem>>
        %dma_wait3A_120 = arith.constant 0 : i32
        %dma_wait3A_121 = arith.constant 0 : i32
        %dma_wait3A_122 = tpu.memref_slice %arg13[%dma_wait3A_120, %dma_wait3A_121] : memref<10240x128xf32, #tpu.memory_space<vmem_shared>> -> memref<10240x128xf32, #tpu.memory_space<vmem_shared>>
        tpu.wait_indirect_dma semaphore(%arg14 : memref<!tpu.dma_semaphore, #tpu.memory_space<semaphore_mem>>) src(%arg11 : memref<128x128xf32, #tpu.memory_space<vmem>>) dst(%dma_wait3A_122 : memref<10240x128xf32, #tpu.memory_space<vmem_shared>>)
        %dma_wait3A_123 = arith.constant 0 : i32
        %dma_wait3A_124 = tpu.memref_slice %arg8[%mul3A_91, %dma_wait3A_123] : memref<8x128xi32, #tpu.memory_space<vmem>> -> memref<1x128xi32, #tpu.memory_space<vmem>>
        %dma_wait3A_125 = tpu.memref_squeeze %dma_wait3A_124 : memref<1x128xi32, #tpu.memory_space<vmem>> -> memref<128xi32, #tpu.memory_space<vmem>>
        %dma_wait3A_126 = arith.constant 0 : i32
        %dma_wait3A_127 = arith.constant 0 : i32
        %dma_wait3A_128 = tpu.memref_slice %arg13[%dma_wait3A_126, %dma_wait3A_127] : memref<10240x128xf32, #tpu.memory_space<vmem_shared>> -> memref<10240x128xf32, #tpu.memory_space<vmem_shared>>
        tpu.wait_indirect_dma semaphore(%arg15 : memref<!tpu.dma_semaphore, #tpu.memory_space<semaphore_mem>>) src(%arg12 : memref<128x128xf32, #tpu.memory_space<vmem>>) dst(%dma_wait3A_128 : memref<10240x128xf32, #tpu.memory_space<vmem_shared>>)
        %dma_wait3A_129 = arith.constant 0 : i32
        %dma_wait3A_130 = tpu.memref_slice %arg7[%add3A_101, %dma_wait3A_129] : memref<8x128xi32, #tpu.memory_space<vmem>> -> memref<1x128xi32, #tpu.memory_space<vmem>>
        %dma_wait3A_131 = tpu.memref_squeeze %dma_wait3A_130 : memref<1x128xi32, #tpu.memory_space<vmem>> -> memref<128xi32, #tpu.memory_space<vmem>>
        %dma_wait3A_132 = arith.constant 0 : i32
        %dma_wait3A_133 = arith.constant 0 : i32
        %dma_wait3A_134 = tpu.memref_slice %arg13[%dma_wait3A_132, %dma_wait3A_133] : memref<10240x128xf32, #tpu.memory_space<vmem_shared>> -> memref<10240x128xf32, #tpu.memory_space<vmem_shared>>
        tpu.wait_indirect_dma semaphore(%arg16 : memref<!tpu.dma_semaphore, #tpu.memory_space<semaphore_mem>>) src(%arg11 : memref<128x128xf32, #tpu.memory_space<vmem>>) dst(%dma_wait3A_134 : memref<10240x128xf32, #tpu.memory_space<vmem_shared>>)
        %dma_wait3A_135 = arith.constant 0 : i32
        %dma_wait3A_136 = tpu.memref_slice %arg8[%add3A_111, %dma_wait3A_135] : memref<8x128xi32, #tpu.memory_space<vmem>> -> memref<1x128xi32, #tpu.memory_space<vmem>>
        %dma_wait3A_137 = tpu.memref_squeeze %dma_wait3A_136 : memref<1x128xi32, #tpu.memory_space<vmem>> -> memref<128xi32, #tpu.memory_space<vmem>>
        %dma_wait3A_138 = arith.constant 0 : i32
        %dma_wait3A_139 = arith.constant 0 : i32
        %dma_wait3A_140 = tpu.memref_slice %arg13[%dma_wait3A_138, %dma_wait3A_139] : memref<10240x128xf32, #tpu.memory_space<vmem_shared>> -> memref<10240x128xf32, #tpu.memory_space<vmem_shared>>
        tpu.wait_indirect_dma semaphore(%arg17 : memref<!tpu.dma_semaphore, #tpu.memory_space<semaphore_mem>>) src(%arg12 : memref<128x128xf32, #tpu.memory_space<vmem>>) dst(%dma_wait3A_140 : memref<10240x128xf32, #tpu.memory_space<vmem_shared>>)
      }
      %scan3A_77 = arith.constant 4 : i32
    }
    %scan3A_52 = arith.constant 9 : i32
    %lt3A = arith.constant 24 : i32
    %lt3A_53 = arith.cmpi slt, %add3A, %lt3A : i32
    %convert_element_type3A = arith.extui %lt3A_53 : i1 to i32
    %cond3A = arith.constant 0 : i32
    %cond3A_54 = arith.cmpi ne, %convert_element_type3A, %cond3A : i32
    scf.if %cond3A_54 {
      %add3A_65 = arith.constant 9 : i32
      %add3A_66 = arith.addi %add3A_4, %add3A_65 : i32
      %mul3A_67 = arith.constant 8 : i32
      %mul3A_68 = arith.muli %add3A_66, %mul3A_67 : i32
      "tpu.region"() ({
        %run_scoped3A = tpu.sem_alloc : memref<!tpu.dma_semaphore, #tpu.memory_space<semaphore_mem>>
        %dma_start3A = arith.constant 0 : i32
        %dma_start3A_74 = tpu.memref_slice %arg2[%mul3A_68, %dma_start3A] : memref<2500x128xi32, #tpu.memory_space<hbm>> -> memref<8x128xi32, #tpu.memory_space<hbm>>
        %dma_start3A_75 = arith.constant 0 : i32
        %dma_start3A_76 = tpu.memref_slice %arg2[%mul3A_68, %dma_start3A_75] : memref<2500x128xi32, #tpu.memory_space<hbm>> -> memref<8x128xi32, #tpu.memory_space<hbm>>
        tpu.enqueue_dma source(%dma_start3A_76 : memref<8x128xi32, #tpu.memory_space<hbm>>) target(%arg7 : memref<8x128xi32, #tpu.memory_space<vmem>>) target_semaphore(%run_scoped3A : memref<!tpu.dma_semaphore, #tpu.memory_space<semaphore_mem>>)
        %dma_wait3A = arith.constant 0 : i32
        %dma_wait3A_77 = tpu.memref_slice %arg2[%mul3A_68, %dma_wait3A] : memref<2500x128xi32, #tpu.memory_space<hbm>> -> memref<8x128xi32, #tpu.memory_space<hbm>>
        %dma_wait3A_78 = arith.constant 0 : i32
        %dma_wait3A_79 = tpu.memref_slice %arg2[%mul3A_68, %dma_wait3A_78] : memref<2500x128xi32, #tpu.memory_space<hbm>> -> memref<8x128xi32, #tpu.memory_space<hbm>>
        tpu.wait_dma2 semaphore(%run_scoped3A : memref<!tpu.dma_semaphore, #tpu.memory_space<semaphore_mem>>) src(%dma_wait3A_79 : memref<8x128xi32, #tpu.memory_space<hbm>>) dst(%arg7 : memref<8x128xi32, #tpu.memory_space<vmem>>)
        tpu.yield
      }) : () -> ()
      "tpu.region"() ({
        %run_scoped3A = tpu.sem_alloc : memref<!tpu.dma_semaphore, #tpu.memory_space<semaphore_mem>>
        %dma_start3A = arith.constant 0 : i32
        %dma_start3A_74 = tpu.memref_slice %arg3[%mul3A_68, %dma_start3A] : memref<2500x128xi32, #tpu.memory_space<hbm>> -> memref<8x128xi32, #tpu.memory_space<hbm>>
        %dma_start3A_75 = arith.constant 0 : i32
        %dma_start3A_76 = tpu.memref_slice %arg3[%mul3A_68, %dma_start3A_75] : memref<2500x128xi32, #tpu.memory_space<hbm>> -> memref<8x128xi32, #tpu.memory_space<hbm>>
        tpu.enqueue_dma source(%dma_start3A_76 : memref<8x128xi32, #tpu.memory_space<hbm>>) target(%arg8 : memref<8x128xi32, #tpu.memory_space<vmem>>) target_semaphore(%run_scoped3A : memref<!tpu.dma_semaphore, #tpu.memory_space<semaphore_mem>>)
        %dma_wait3A = arith.constant 0 : i32
        %dma_wait3A_77 = tpu.memref_slice %arg3[%mul3A_68, %dma_wait3A] : memref<2500x128xi32, #tpu.memory_space<hbm>> -> memref<8x128xi32, #tpu.memory_space<hbm>>
        %dma_wait3A_78 = arith.constant 0 : i32
        %dma_wait3A_79 = tpu.memref_slice %arg3[%mul3A_68, %dma_wait3A_78] : memref<2500x128xi32, #tpu.memory_space<hbm>> -> memref<8x128xi32, #tpu.memory_space<hbm>>
        tpu.wait_dma2 semaphore(%run_scoped3A : memref<!tpu.dma_semaphore, #tpu.memory_space<semaphore_mem>>) src(%dma_wait3A_79 : memref<8x128xi32, #tpu.memory_space<hbm>>) dst(%arg8 : memref<8x128xi32, #tpu.memory_space<vmem>>)
        tpu.yield
      }) : () -> ()
      %scan3A_69 = arith.constant 0 : i32
      %scan3A_70 = arith.constant 4 : i32
      %scan3A_71 = arith.addi %scan3A_69, %scan3A_70 : i32
      %scan3A_72 = arith.constant 1 : i32
      scf.for %scan3A_74 = %scan3A_69 to %scan3A_71 step %scan3A_72  : i32 {
        %mul3A_75 = arith.constant 1 : i32
        %mul3A_76 = arith.muli %scan3A_74, %mul3A_75 : i32
        %add3A_77 = arith.constant 0 : i32
        %add3A_78 = arith.addi %add3A_77, %mul3A_76 : i32
        %mul3A_79 = arith.constant 2 : i32
        %mul3A_80 = arith.muli %mul3A_79, %add3A_78 : i32
        %dma_start3A = arith.constant 0 : i32
        %dma_start3A_81 = tpu.memref_slice %arg7[%mul3A_80, %dma_start3A] : memref<8x128xi32, #tpu.memory_space<vmem>> -> memref<1x128xi32, #tpu.memory_space<vmem>>
        %dma_start3A_82 = tpu.memref_squeeze %dma_start3A_81 : memref<1x128xi32, #tpu.memory_space<vmem>> -> memref<128xi32, #tpu.memory_space<vmem>>
        %dma_start3A_83 = arith.constant 0 : i32
        %dma_start3A_84 = arith.constant 0 : i32
        %dma_start3A_85 = tpu.memref_slice %arg13[%dma_start3A_83, %dma_start3A_84] : memref<10240x128xf32, #tpu.memory_space<vmem_shared>> -> memref<10240x128xf32, #tpu.memory_space<vmem_shared>>
        tpu.enqueue_indirect_dma source(%arg11 : memref<128x128xf32, #tpu.memory_space<vmem>>) target(%dma_start3A_85 : memref<10240x128xf32, #tpu.memory_space<vmem_shared>>) offsets(%dma_start3A_82 : memref<128xi32, #tpu.memory_space<vmem>>) semaphore(%arg14 : memref<!tpu.dma_semaphore, #tpu.memory_space<semaphore_mem>>) {add = true}
        %mul3A_86 = arith.constant 2 : i32
        %mul3A_87 = arith.muli %mul3A_86, %add3A_78 : i32
        %dma_start3A_88 = arith.constant 0 : i32
        %dma_start3A_89 = tpu.memref_slice %arg8[%mul3A_87, %dma_start3A_88] : memref<8x128xi32, #tpu.memory_space<vmem>> -> memref<1x128xi32, #tpu.memory_space<vmem>>
        %dma_start3A_90 = tpu.memref_squeeze %dma_start3A_89 : memref<1x128xi32, #tpu.memory_space<vmem>> -> memref<128xi32, #tpu.memory_space<vmem>>
        %dma_start3A_91 = arith.constant 0 : i32
        %dma_start3A_92 = arith.constant 0 : i32
        %dma_start3A_93 = tpu.memref_slice %arg13[%dma_start3A_91, %dma_start3A_92] : memref<10240x128xf32, #tpu.memory_space<vmem_shared>> -> memref<10240x128xf32, #tpu.memory_space<vmem_shared>>
        tpu.enqueue_indirect_dma source(%arg12 : memref<128x128xf32, #tpu.memory_space<vmem>>) target(%dma_start3A_93 : memref<10240x128xf32, #tpu.memory_space<vmem_shared>>) offsets(%dma_start3A_90 : memref<128xi32, #tpu.memory_space<vmem>>) semaphore(%arg15 : memref<!tpu.dma_semaphore, #tpu.memory_space<semaphore_mem>>) {add = true}
        %mul3A_94 = arith.constant 2 : i32
        %mul3A_95 = arith.muli %mul3A_94, %add3A_78 : i32
        %add3A_96 = arith.constant 1 : i32
        %add3A_97 = arith.addi %mul3A_95, %add3A_96 : i32
        %dma_start3A_98 = arith.constant 0 : i32
        %dma_start3A_99 = tpu.memref_slice %arg7[%add3A_97, %dma_start3A_98] : memref<8x128xi32, #tpu.memory_space<vmem>> -> memref<1x128xi32, #tpu.memory_space<vmem>>
        %dma_start3A_100 = tpu.memref_squeeze %dma_start3A_99 : memref<1x128xi32, #tpu.memory_space<vmem>> -> memref<128xi32, #tpu.memory_space<vmem>>
        %dma_start3A_101 = arith.constant 0 : i32
        %dma_start3A_102 = arith.constant 0 : i32
        %dma_start3A_103 = tpu.memref_slice %arg13[%dma_start3A_101, %dma_start3A_102] : memref<10240x128xf32, #tpu.memory_space<vmem_shared>> -> memref<10240x128xf32, #tpu.memory_space<vmem_shared>>
        tpu.enqueue_indirect_dma source(%arg11 : memref<128x128xf32, #tpu.memory_space<vmem>>) target(%dma_start3A_103 : memref<10240x128xf32, #tpu.memory_space<vmem_shared>>) offsets(%dma_start3A_100 : memref<128xi32, #tpu.memory_space<vmem>>) semaphore(%arg16 : memref<!tpu.dma_semaphore, #tpu.memory_space<semaphore_mem>>) {add = true}
        %mul3A_104 = arith.constant 2 : i32
        %mul3A_105 = arith.muli %mul3A_104, %add3A_78 : i32
        %add3A_106 = arith.constant 1 : i32
        %add3A_107 = arith.addi %mul3A_105, %add3A_106 : i32
        %dma_start3A_108 = arith.constant 0 : i32
        %dma_start3A_109 = tpu.memref_slice %arg8[%add3A_107, %dma_start3A_108] : memref<8x128xi32, #tpu.memory_space<vmem>> -> memref<1x128xi32, #tpu.memory_space<vmem>>
        %dma_start3A_110 = tpu.memref_squeeze %dma_start3A_109 : memref<1x128xi32, #tpu.memory_space<vmem>> -> memref<128xi32, #tpu.memory_space<vmem>>
        %dma_start3A_111 = arith.constant 0 : i32
        %dma_start3A_112 = arith.constant 0 : i32
        %dma_start3A_113 = tpu.memref_slice %arg13[%dma_start3A_111, %dma_start3A_112] : memref<10240x128xf32, #tpu.memory_space<vmem_shared>> -> memref<10240x128xf32, #tpu.memory_space<vmem_shared>>
        tpu.enqueue_indirect_dma source(%arg12 : memref<128x128xf32, #tpu.memory_space<vmem>>) target(%dma_start3A_113 : memref<10240x128xf32, #tpu.memory_space<vmem_shared>>) offsets(%dma_start3A_110 : memref<128xi32, #tpu.memory_space<vmem>>) semaphore(%arg17 : memref<!tpu.dma_semaphore, #tpu.memory_space<semaphore_mem>>) {add = true}
        %dma_wait3A = arith.constant 0 : i32
        %dma_wait3A_114 = tpu.memref_slice %arg7[%mul3A_80, %dma_wait3A] : memref<8x128xi32, #tpu.memory_space<vmem>> -> memref<1x128xi32, #tpu.memory_space<vmem>>
        %dma_wait3A_115 = tpu.memref_squeeze %dma_wait3A_114 : memref<1x128xi32, #tpu.memory_space<vmem>> -> memref<128xi32, #tpu.memory_space<vmem>>
        %dma_wait3A_116 = arith.constant 0 : i32
        %dma_wait3A_117 = arith.constant 0 : i32
        %dma_wait3A_118 = tpu.memref_slice %arg13[%dma_wait3A_116, %dma_wait3A_117] : memref<10240x128xf32, #tpu.memory_space<vmem_shared>> -> memref<10240x128xf32, #tpu.memory_space<vmem_shared>>
        tpu.wait_indirect_dma semaphore(%arg14 : memref<!tpu.dma_semaphore, #tpu.memory_space<semaphore_mem>>) src(%arg11 : memref<128x128xf32, #tpu.memory_space<vmem>>) dst(%dma_wait3A_118 : memref<10240x128xf32, #tpu.memory_space<vmem_shared>>)
        %dma_wait3A_119 = arith.constant 0 : i32
        %dma_wait3A_120 = tpu.memref_slice %arg8[%mul3A_87, %dma_wait3A_119] : memref<8x128xi32, #tpu.memory_space<vmem>> -> memref<1x128xi32, #tpu.memory_space<vmem>>
        %dma_wait3A_121 = tpu.memref_squeeze %dma_wait3A_120 : memref<1x128xi32, #tpu.memory_space<vmem>> -> memref<128xi32, #tpu.memory_space<vmem>>
        %dma_wait3A_122 = arith.constant 0 : i32
        %dma_wait3A_123 = arith.constant 0 : i32
        %dma_wait3A_124 = tpu.memref_slice %arg13[%dma_wait3A_122, %dma_wait3A_123] : memref<10240x128xf32, #tpu.memory_space<vmem_shared>> -> memref<10240x128xf32, #tpu.memory_space<vmem_shared>>
        tpu.wait_indirect_dma semaphore(%arg15 : memref<!tpu.dma_semaphore, #tpu.memory_space<semaphore_mem>>) src(%arg12 : memref<128x128xf32, #tpu.memory_space<vmem>>) dst(%dma_wait3A_124 : memref<10240x128xf32, #tpu.memory_space<vmem_shared>>)
        %dma_wait3A_125 = arith.constant 0 : i32
        %dma_wait3A_126 = tpu.memref_slice %arg7[%add3A_97, %dma_wait3A_125] : memref<8x128xi32, #tpu.memory_space<vmem>> -> memref<1x128xi32, #tpu.memory_space<vmem>>
        %dma_wait3A_127 = tpu.memref_squeeze %dma_wait3A_126 : memref<1x128xi32, #tpu.memory_space<vmem>> -> memref<128xi32, #tpu.memory_space<vmem>>
        %dma_wait3A_128 = arith.constant 0 : i32
        %dma_wait3A_129 = arith.constant 0 : i32
        %dma_wait3A_130 = tpu.memref_slice %arg13[%dma_wait3A_128, %dma_wait3A_129] : memref<10240x128xf32, #tpu.memory_space<vmem_shared>> -> memref<10240x128xf32, #tpu.memory_space<vmem_shared>>
        tpu.wait_indirect_dma semaphore(%arg16 : memref<!tpu.dma_semaphore, #tpu.memory_space<semaphore_mem>>) src(%arg11 : memref<128x128xf32, #tpu.memory_space<vmem>>) dst(%dma_wait3A_130 : memref<10240x128xf32, #tpu.memory_space<vmem_shared>>)
        %dma_wait3A_131 = arith.constant 0 : i32
        %dma_wait3A_132 = tpu.memref_slice %arg8[%add3A_107, %dma_wait3A_131] : memref<8x128xi32, #tpu.memory_space<vmem>> -> memref<1x128xi32, #tpu.memory_space<vmem>>
        %dma_wait3A_133 = tpu.memref_squeeze %dma_wait3A_132 : memref<1x128xi32, #tpu.memory_space<vmem>> -> memref<128xi32, #tpu.memory_space<vmem>>
        %dma_wait3A_134 = arith.constant 0 : i32
        %dma_wait3A_135 = arith.constant 0 : i32
        %dma_wait3A_136 = tpu.memref_slice %arg13[%dma_wait3A_134, %dma_wait3A_135] : memref<10240x128xf32, #tpu.memory_space<vmem_shared>> -> memref<10240x128xf32, #tpu.memory_space<vmem_shared>>
        tpu.wait_indirect_dma semaphore(%arg17 : memref<!tpu.dma_semaphore, #tpu.memory_space<semaphore_mem>>) src(%arg12 : memref<128x128xf32, #tpu.memory_space<vmem>>) dst(%dma_wait3A_136 : memref<10240x128xf32, #tpu.memory_space<vmem_shared>>)
      }
      %scan3A_73 = arith.constant 4 : i32
    } else {
    }
    %ge3A = arith.constant 28 : i32
    %ge3A_55 = arith.cmpi sge, %add3A, %ge3A : i32
    %convert_element_type3A_56 = arith.extui %ge3A_55 : i1 to i32
    %cond3A_57 = arith.constant 0 : i32
    %cond3A_58 = arith.cmpi ne, %convert_element_type3A_56, %cond3A_57 : i32
    scf.if %cond3A_58 {
      %sub3A = arith.constant 28 : i32
      %sub3A_65 = arith.subi %add3A, %sub3A : i32
      %mul3A_66 = arith.constant 128 : i32
      %mul3A_67 = arith.muli %sub3A_65, %mul3A_66 : i32
      "tpu.region"() ({
        %run_scoped3A = tpu.sem_alloc : memref<!tpu.dma_semaphore, #tpu.memory_space<semaphore_mem>>
        %dma_start3A = tpu.memref_slice %arg4[%mul3A_67] : memref<512xi32, #tpu.memory_space<hbm>> -> memref<128xi32, #tpu.memory_space<hbm>>
        %dma_start3A_68 = tpu.memref_slice %arg4[%mul3A_67] : memref<512xi32, #tpu.memory_space<hbm>> -> memref<128xi32, #tpu.memory_space<hbm>>
        tpu.enqueue_dma source(%dma_start3A_68 : memref<128xi32, #tpu.memory_space<hbm>>) target(%arg9 : memref<128xi32, #tpu.memory_space<vmem>>) target_semaphore(%run_scoped3A : memref<!tpu.dma_semaphore, #tpu.memory_space<semaphore_mem>>)
        %dma_wait3A = tpu.memref_slice %arg4[%mul3A_67] : memref<512xi32, #tpu.memory_space<hbm>> -> memref<128xi32, #tpu.memory_space<hbm>>
        %dma_wait3A_69 = tpu.memref_slice %arg4[%mul3A_67] : memref<512xi32, #tpu.memory_space<hbm>> -> memref<128xi32, #tpu.memory_space<hbm>>
        tpu.wait_dma2 semaphore(%run_scoped3A : memref<!tpu.dma_semaphore, #tpu.memory_space<semaphore_mem>>) src(%dma_wait3A_69 : memref<128xi32, #tpu.memory_space<hbm>>) dst(%arg9 : memref<128xi32, #tpu.memory_space<vmem>>)
        tpu.yield
      }) : () -> ()
      "tpu.region"() ({
        %run_scoped3A = tpu.sem_alloc : memref<!tpu.dma_semaphore, #tpu.memory_space<semaphore_mem>>
        %dma_start3A = tpu.memref_slice %arg5[%mul3A_67] : memref<512xi32, #tpu.memory_space<hbm>> -> memref<128xi32, #tpu.memory_space<hbm>>
        %dma_start3A_68 = tpu.memref_slice %arg5[%mul3A_67] : memref<512xi32, #tpu.memory_space<hbm>> -> memref<128xi32, #tpu.memory_space<hbm>>
        tpu.enqueue_dma source(%dma_start3A_68 : memref<128xi32, #tpu.memory_space<hbm>>) target(%arg10 : memref<128xi32, #tpu.memory_space<vmem>>) target_semaphore(%run_scoped3A : memref<!tpu.dma_semaphore, #tpu.memory_space<semaphore_mem>>)
        %dma_wait3A = tpu.memref_slice %arg5[%mul3A_67] : memref<512xi32, #tpu.memory_space<hbm>> -> memref<128xi32, #tpu.memory_space<hbm>>
        %dma_wait3A_69 = tpu.memref_slice %arg5[%mul3A_67] : memref<512xi32, #tpu.memory_space<hbm>> -> memref<128xi32, #tpu.memory_space<hbm>>
        tpu.wait_dma2 semaphore(%run_scoped3A : memref<!tpu.dma_semaphore, #tpu.memory_space<semaphore_mem>>) src(%dma_wait3A_69 : memref<128xi32, #tpu.memory_space<hbm>>) dst(%arg10 : memref<128xi32, #tpu.memory_space<vmem>>)
        tpu.yield
      }) : () -> ()
      "tpu.region"() ({
        %run_scoped3A = tpu.sem_alloc : memref<!tpu.dma_semaphore, #tpu.memory_space<semaphore_mem>>
        %dma_start3A = arith.constant 0 : i32
        %dma_start3A_68 = arith.constant 0 : i32
        %dma_start3A_69 = tpu.memref_slice %arg13[%dma_start3A, %dma_start3A_68] : memref<10240x128xf32, #tpu.memory_space<vmem_shared>> -> memref<10240x128xf32, #tpu.memory_space<vmem_shared>>
        tpu.enqueue_indirect_dma source(%arg11 : memref<128x128xf32, #tpu.memory_space<vmem>>) target(%dma_start3A_69 : memref<10240x128xf32, #tpu.memory_space<vmem_shared>>) offsets(%arg9 : memref<128xi32, #tpu.memory_space<vmem>>) semaphore(%run_scoped3A : memref<!tpu.dma_semaphore, #tpu.memory_space<semaphore_mem>>) {add = true}
        %dma_wait3A = arith.constant 0 : i32
        %dma_wait3A_70 = arith.constant 0 : i32
        %dma_wait3A_71 = tpu.memref_slice %arg13[%dma_wait3A, %dma_wait3A_70] : memref<10240x128xf32, #tpu.memory_space<vmem_shared>> -> memref<10240x128xf32, #tpu.memory_space<vmem_shared>>
        tpu.wait_indirect_dma semaphore(%run_scoped3A : memref<!tpu.dma_semaphore, #tpu.memory_space<semaphore_mem>>) src(%arg11 : memref<128x128xf32, #tpu.memory_space<vmem>>) dst(%dma_wait3A_71 : memref<10240x128xf32, #tpu.memory_space<vmem_shared>>)
        tpu.yield
      }) : () -> ()
      "tpu.region"() ({
        %run_scoped3A = tpu.sem_alloc : memref<!tpu.dma_semaphore, #tpu.memory_space<semaphore_mem>>
        %dma_start3A = arith.constant 0 : i32
        %dma_start3A_68 = arith.constant 0 : i32
        %dma_start3A_69 = tpu.memref_slice %arg13[%dma_start3A, %dma_start3A_68] : memref<10240x128xf32, #tpu.memory_space<vmem_shared>> -> memref<10240x128xf32, #tpu.memory_space<vmem_shared>>
        tpu.enqueue_indirect_dma source(%arg12 : memref<128x128xf32, #tpu.memory_space<vmem>>) target(%dma_start3A_69 : memref<10240x128xf32, #tpu.memory_space<vmem_shared>>) offsets(%arg10 : memref<128xi32, #tpu.memory_space<vmem>>) semaphore(%run_scoped3A : memref<!tpu.dma_semaphore, #tpu.memory_space<semaphore_mem>>) {add = true}
        %dma_wait3A = arith.constant 0 : i32
        %dma_wait3A_70 = arith.constant 0 : i32
        %dma_wait3A_71 = tpu.memref_slice %arg13[%dma_wait3A, %dma_wait3A_70] : memref<10240x128xf32, #tpu.memory_space<vmem_shared>> -> memref<10240x128xf32, #tpu.memory_space<vmem_shared>>
        tpu.wait_indirect_dma semaphore(%run_scoped3A : memref<!tpu.dma_semaphore, #tpu.memory_space<semaphore_mem>>) src(%arg12 : memref<128x128xf32, #tpu.memory_space<vmem>>) dst(%dma_wait3A_71 : memref<10240x128xf32, #tpu.memory_space<vmem_shared>>)
        tpu.yield
      }) : () -> ()
    } else {
    }
    %barrier3A_59 = arith.constant 0 : index
    tpu.barrier barrier_id(%barrier3A_59)
    %eq3A_60 = arith.constant 0 : i32
    %eq3A_61 = arith.cmpi eq, %arg1, %eq3A_60 : i32
    %convert_element_type3A_62 = arith.extui %eq3A_61 : i1 to i32
    %cond3A_63 = arith.constant 0 : i32
    %cond3A_64 = arith.cmpi ne, %convert_element_type3A_62, %cond3A_63 : i32
    scf.if %cond3A_64 {
      "tpu.region"() ({
        %run_scoped3A = tpu.sem_alloc : memref<!tpu.dma_semaphore, #tpu.memory_space<semaphore_mem>>
        %dma_start3A = arith.constant 0 : i32
        %dma_start3A_65 = arith.constant 0 : i32
        %dma_start3A_66 = tpu.memref_slice %arg6[%arg0, %dma_start3A, %dma_start3A_65] : memref<2x10240x128xf32, #tpu.memory_space<hbm>> -> memref<1x10240x128xf32, #tpu.memory_space<hbm>>
        %dma_start3A_67 = tpu.memref_squeeze %dma_start3A_66 : memref<1x10240x128xf32, #tpu.memory_space<hbm>> -> memref<10240x128xf32, #tpu.memory_space<hbm>>
        tpu.enqueue_dma source(%arg13 : memref<10240x128xf32, #tpu.memory_space<vmem_shared>>) target(%dma_start3A_67 : memref<10240x128xf32, #tpu.memory_space<hbm>>) target_semaphore(%run_scoped3A : memref<!tpu.dma_semaphore, #tpu.memory_space<semaphore_mem>>)
        %dma_wait3A = arith.constant 0 : i32
        %dma_wait3A_68 = arith.constant 0 : i32
        %dma_wait3A_69 = tpu.memref_slice %arg6[%arg0, %dma_wait3A, %dma_wait3A_68] : memref<2x10240x128xf32, #tpu.memory_space<hbm>> -> memref<1x10240x128xf32, #tpu.memory_space<hbm>>
        %dma_wait3A_70 = tpu.memref_squeeze %dma_wait3A_69 : memref<1x10240x128xf32, #tpu.memory_space<hbm>> -> memref<10240x128xf32, #tpu.memory_space<hbm>>
        tpu.wait_dma2 semaphore(%run_scoped3A : memref<!tpu.dma_semaphore, #tpu.memory_space<semaphore_mem>>) src(%arg13 : memref<10240x128xf32, #tpu.memory_space<vmem_shared>>) dst(%dma_wait3A_70 : memref<10240x128xf32, #tpu.memory_space<hbm>>)
        tpu.yield
      }) : () -> ()
    } else {
    }
    return
  }
}

#map = affine_map<(d0, d1) -> (0, 0)>
#map1 = affine_map<(d0, d1) -> (0)>
#map2 = affine_map<(d0, d1) -> (0, 0, 0)>
module attributes {stable_mosaic.version = 14 : i64} {
  func.func @agg(%arg0: i32, %arg1: i32, %arg2: memref<10000x128xf32, #tpu.memory_space<hbm>>, %arg3: memref<320000xi32, #tpu.memory_space<hbm>>, %arg4: memref<2500x128xi32, #tpu.memory_space<hbm>>, %arg5: memref<512xi32, #tpu.memory_space<hbm>>, %arg6: memref<2x10240x128xf32, #tpu.memory_space<hbm>>, %arg7: memref<1024xi32, #tpu.memory_space<vmem>>, %arg8: memref<8x128xi32, #tpu.memory_space<vmem>>, %arg9: memref<128xi32, #tpu.memory_space<vmem>>, %arg10: memref<128x128xf32, #tpu.memory_space<vmem>>, %arg11: memref<128x128xf32, #tpu.memory_space<vmem>>, %arg12: memref<10240x128xf32, #tpu.memory_space<vmem_shared>>, %arg13: memref<!tpu.dma_semaphore, #tpu.memory_space<semaphore_mem>>, %arg14: memref<!tpu.dma_semaphore, #tpu.memory_space<semaphore_mem>>, %arg15: memref<!tpu.dma_semaphore, #tpu.memory_space<semaphore_mem>>, %arg16: memref<!tpu.dma_semaphore, #tpu.memory_space<semaphore_mem>>) attributes {dimension_semantics = [#tpu.dimension_semantics<core_parallel>, #tpu.dimension_semantics<subcore_parallel>], iteration_bounds = array<i64: 2, 16>, scalar_prefetch = 0 : i64, scratch_operands = 10 : i64, tpu.core_type = #tpu.core_type<sc_vector_subcore>, window_params = [{transform_indices = #map}, {transform_indices = #map1}, {transform_indices = #map}, {transform_indices = #map1}, {transform_indices = #map2}]} {
    %mul3A = arith.constant 16 : i32
    %mul3A_0 = arith.muli %arg0, %mul3A : i32
    %add3A = arith.addi %mul3A_0, %arg1 : i32
    %mul3A_1 = arith.constant 9 : i32
    %mul3A_2 = arith.muli %add3A, %mul3A_1 : i32
    %min3A = arith.constant 24 : i32
    %min3A_3 = arith.minsi %add3A, %min3A : i32
    %add3A_4 = arith.addi %mul3A_2, %min3A_3 : i32
    %broadcast_in_dim3A = arith.constant 0.000000e+00 : f32
    %broadcast_in_dim3A_5 = vector.broadcast %broadcast_in_dim3A : f32 to vector<16xf32>
    %scan3A = arith.constant 0 : i32
    %scan3A_6 = arith.constant 128 : i32
    %scan3A_7 = arith.addi %scan3A, %scan3A_6 : i32
    %scan3A_8 = arith.constant 1 : i32
    scf.for %scan3A_46 = %scan3A to %scan3A_7 step %scan3A_8  : i32 {
      %mul3A_47 = arith.constant 1 : i32
      %mul3A_48 = arith.muli %scan3A_46, %mul3A_47 : i32
      %add3A_49 = arith.constant 0 : i32
      %add3A_50 = arith.addi %add3A_49, %mul3A_48 : i32
      %swap3A = arith.index_cast %add3A_50 : i32 to index
      %swap3A_51 = arith.constant 0 : index
      %swap3A_52 = tpu.vector_load %arg10[%swap3A, %swap3A_51] {strides = array<i32>} : memref<128x128xf32, #tpu.memory_space<vmem>>, vector<1x16xf32>,
      %swap3A_53 = vector.shape_cast %swap3A_52 : vector<1x16xf32> to vector<16xf32>
      %swap3A_54 = vector.shape_cast %broadcast_in_dim3A_5 : vector<16xf32> to vector<1x16xf32>
      tpu.vector_store %arg10[%swap3A, %swap3A_51], %swap3A_54 {strides = array<i32>} : memref<128x128xf32, #tpu.memory_space<vmem>>, vector<1x16xf32>,
      %swap3A_55 = arith.index_cast %add3A_50 : i32 to index
      %swap3A_56 = arith.constant 16 : index
      %swap3A_57 = tpu.vector_load %arg10[%swap3A_55, %swap3A_56] {strides = array<i32>} : memref<128x128xf32, #tpu.memory_space<vmem>>, vector<1x16xf32>,
      %swap3A_58 = vector.shape_cast %swap3A_57 : vector<1x16xf32> to vector<16xf32>
      %swap3A_59 = vector.shape_cast %broadcast_in_dim3A_5 : vector<16xf32> to vector<1x16xf32>
      tpu.vector_store %arg10[%swap3A_55, %swap3A_56], %swap3A_59 {strides = array<i32>} : memref<128x128xf32, #tpu.memory_space<vmem>>, vector<1x16xf32>,
      %swap3A_60 = arith.index_cast %add3A_50 : i32 to index
      %swap3A_61 = arith.constant 32 : index
      %swap3A_62 = tpu.vector_load %arg10[%swap3A_60, %swap3A_61] {strides = array<i32>} : memref<128x128xf32, #tpu.memory_space<vmem>>, vector<1x16xf32>,
      %swap3A_63 = vector.shape_cast %swap3A_62 : vector<1x16xf32> to vector<16xf32>
      %swap3A_64 = vector.shape_cast %broadcast_in_dim3A_5 : vector<16xf32> to vector<1x16xf32>
      tpu.vector_store %arg10[%swap3A_60, %swap3A_61], %swap3A_64 {strides = array<i32>} : memref<128x128xf32, #tpu.memory_space<vmem>>, vector<1x16xf32>,
      %swap3A_65 = arith.index_cast %add3A_50 : i32 to index
      %swap3A_66 = arith.constant 48 : index
      %swap3A_67 = tpu.vector_load %arg10[%swap3A_65, %swap3A_66] {strides = array<i32>} : memref<128x128xf32, #tpu.memory_space<vmem>>, vector<1x16xf32>,
      %swap3A_68 = vector.shape_cast %swap3A_67 : vector<1x16xf32> to vector<16xf32>
      %swap3A_69 = vector.shape_cast %broadcast_in_dim3A_5 : vector<16xf32> to vector<1x16xf32>
      tpu.vector_store %arg10[%swap3A_65, %swap3A_66], %swap3A_69 {strides = array<i32>} : memref<128x128xf32, #tpu.memory_space<vmem>>, vector<1x16xf32>,
      %swap3A_70 = arith.index_cast %add3A_50 : i32 to index
      %swap3A_71 = arith.constant 64 : index
      %swap3A_72 = tpu.vector_load %arg10[%swap3A_70, %swap3A_71] {strides = array<i32>} : memref<128x128xf32, #tpu.memory_space<vmem>>, vector<1x16xf32>,
      %swap3A_73 = vector.shape_cast %swap3A_72 : vector<1x16xf32> to vector<16xf32>
      %swap3A_74 = vector.shape_cast %broadcast_in_dim3A_5 : vector<16xf32> to vector<1x16xf32>
      tpu.vector_store %arg10[%swap3A_70, %swap3A_71], %swap3A_74 {strides = array<i32>} : memref<128x128xf32, #tpu.memory_space<vmem>>, vector<1x16xf32>,
      %swap3A_75 = arith.index_cast %add3A_50 : i32 to index
      %swap3A_76 = arith.constant 80 : index
      %swap3A_77 = tpu.vector_load %arg10[%swap3A_75, %swap3A_76] {strides = array<i32>} : memref<128x128xf32, #tpu.memory_space<vmem>>, vector<1x16xf32>,
      %swap3A_78 = vector.shape_cast %swap3A_77 : vector<1x16xf32> to vector<16xf32>
      %swap3A_79 = vector.shape_cast %broadcast_in_dim3A_5 : vector<16xf32> to vector<1x16xf32>
      tpu.vector_store %arg10[%swap3A_75, %swap3A_76], %swap3A_79 {strides = array<i32>} : memref<128x128xf32, #tpu.memory_space<vmem>>, vector<1x16xf32>,
      %swap3A_80 = arith.index_cast %add3A_50 : i32 to index
      %swap3A_81 = arith.constant 96 : index
      %swap3A_82 = tpu.vector_load %arg10[%swap3A_80, %swap3A_81] {strides = array<i32>} : memref<128x128xf32, #tpu.memory_space<vmem>>, vector<1x16xf32>,
      %swap3A_83 = vector.shape_cast %swap3A_82 : vector<1x16xf32> to vector<16xf32>
      %swap3A_84 = vector.shape_cast %broadcast_in_dim3A_5 : vector<16xf32> to vector<1x16xf32>
      tpu.vector_store %arg10[%swap3A_80, %swap3A_81], %swap3A_84 {strides = array<i32>} : memref<128x128xf32, #tpu.memory_space<vmem>>, vector<1x16xf32>,
      %swap3A_85 = arith.index_cast %add3A_50 : i32 to index
      %swap3A_86 = arith.constant 112 : index
      %swap3A_87 = tpu.vector_load %arg10[%swap3A_85, %swap3A_86] {strides = array<i32>} : memref<128x128xf32, #tpu.memory_space<vmem>>, vector<1x16xf32>,
      %swap3A_88 = vector.shape_cast %swap3A_87 : vector<1x16xf32> to vector<16xf32>
      %swap3A_89 = vector.shape_cast %broadcast_in_dim3A_5 : vector<16xf32> to vector<1x16xf32>
      tpu.vector_store %arg10[%swap3A_85, %swap3A_86], %swap3A_89 {strides = array<i32>} : memref<128x128xf32, #tpu.memory_space<vmem>>, vector<1x16xf32>,
    }
    %scan3A_9 = arith.constant 128 : i32
    %mul3A_10 = arith.constant 640 : i32
    %mul3A_11 = arith.muli %arg1, %mul3A_10 : i32
    %add3A_12 = arith.constant 0 : i32
    %add3A_13 = arith.addi %mul3A_11, %add3A_12 : i32
    "tpu.region"() ({
      %run_scoped3A = tpu.sem_alloc : memref<!tpu.dma_semaphore, #tpu.memory_space<semaphore_mem>>
      %dma_start3A = arith.constant 0 : i32
      %dma_start3A_46 = tpu.memref_slice %arg12[%add3A_13, %dma_start3A] : memref<10240x128xf32, #tpu.memory_space<vmem_shared>> -> memref<128x128xf32, #tpu.memory_space<vmem_shared>>
      %dma_start3A_47 = arith.constant 0 : i32
      %dma_start3A_48 = tpu.memref_slice %arg12[%add3A_13, %dma_start3A_47] : memref<10240x128xf32, #tpu.memory_space<vmem_shared>> -> memref<128x128xf32, #tpu.memory_space<vmem_shared>>
      tpu.enqueue_dma source(%arg10 : memref<128x128xf32, #tpu.memory_space<vmem>>) target(%dma_start3A_48 : memref<128x128xf32, #tpu.memory_space<vmem_shared>>) target_semaphore(%run_scoped3A : memref<!tpu.dma_semaphore, #tpu.memory_space<semaphore_mem>>)
      %dma_wait3A = arith.constant 0 : i32
      %dma_wait3A_49 = tpu.memref_slice %arg12[%add3A_13, %dma_wait3A] : memref<10240x128xf32, #tpu.memory_space<vmem_shared>> -> memref<128x128xf32, #tpu.memory_space<vmem_shared>>
      %dma_wait3A_50 = arith.constant 0 : i32
      %dma_wait3A_51 = tpu.memref_slice %arg12[%add3A_13, %dma_wait3A_50] : memref<10240x128xf32, #tpu.memory_space<vmem_shared>> -> memref<128x128xf32, #tpu.memory_space<vmem_shared>>
      tpu.wait_dma2 semaphore(%run_scoped3A : memref<!tpu.dma_semaphore, #tpu.memory_space<semaphore_mem>>) src(%arg10 : memref<128x128xf32, #tpu.memory_space<vmem>>) dst(%dma_wait3A_51 : memref<128x128xf32, #tpu.memory_space<vmem_shared>>)
      tpu.yield
    }) : () -> ()
    %mul3A_14 = arith.constant 640 : i32
    %mul3A_15 = arith.muli %arg1, %mul3A_14 : i32
    %add3A_16 = arith.constant 128 : i32
    %add3A_17 = arith.addi %mul3A_15, %add3A_16 : i32
    "tpu.region"() ({
      %run_scoped3A = tpu.sem_alloc : memref<!tpu.dma_semaphore, #tpu.memory_space<semaphore_mem>>
      %dma_start3A = arith.constant 0 : i32
      %dma_start3A_46 = tpu.memref_slice %arg12[%add3A_17, %dma_start3A] : memref<10240x128xf32, #tpu.memory_space<vmem_shared>> -> memref<128x128xf32, #tpu.memory_space<vmem_shared>>
      %dma_start3A_47 = arith.constant 0 : i32
      %dma_start3A_48 = tpu.memref_slice %arg12[%add3A_17, %dma_start3A_47] : memref<10240x128xf32, #tpu.memory_space<vmem_shared>> -> memref<128x128xf32, #tpu.memory_space<vmem_shared>>
      tpu.enqueue_dma source(%arg10 : memref<128x128xf32, #tpu.memory_space<vmem>>) target(%dma_start3A_48 : memref<128x128xf32, #tpu.memory_space<vmem_shared>>) target_semaphore(%run_scoped3A : memref<!tpu.dma_semaphore, #tpu.memory_space<semaphore_mem>>)
      %dma_wait3A = arith.constant 0 : i32
      %dma_wait3A_49 = tpu.memref_slice %arg12[%add3A_17, %dma_wait3A] : memref<10240x128xf32, #tpu.memory_space<vmem_shared>> -> memref<128x128xf32, #tpu.memory_space<vmem_shared>>
      %dma_wait3A_50 = arith.constant 0 : i32
      %dma_wait3A_51 = tpu.memref_slice %arg12[%add3A_17, %dma_wait3A_50] : memref<10240x128xf32, #tpu.memory_space<vmem_shared>> -> memref<128x128xf32, #tpu.memory_space<vmem_shared>>
      tpu.wait_dma2 semaphore(%run_scoped3A : memref<!tpu.dma_semaphore, #tpu.memory_space<semaphore_mem>>) src(%arg10 : memref<128x128xf32, #tpu.memory_space<vmem>>) dst(%dma_wait3A_51 : memref<128x128xf32, #tpu.memory_space<vmem_shared>>)
      tpu.yield
    }) : () -> ()
    %mul3A_18 = arith.constant 640 : i32
    %mul3A_19 = arith.muli %arg1, %mul3A_18 : i32
    %add3A_20 = arith.constant 256 : i32
    %add3A_21 = arith.addi %mul3A_19, %add3A_20 : i32
    "tpu.region"() ({
      %run_scoped3A = tpu.sem_alloc : memref<!tpu.dma_semaphore, #tpu.memory_space<semaphore_mem>>
      %dma_start3A = arith.constant 0 : i32
      %dma_start3A_46 = tpu.memref_slice %arg12[%add3A_21, %dma_start3A] : memref<10240x128xf32, #tpu.memory_space<vmem_shared>> -> memref<128x128xf32, #tpu.memory_space<vmem_shared>>
      %dma_start3A_47 = arith.constant 0 : i32
      %dma_start3A_48 = tpu.memref_slice %arg12[%add3A_21, %dma_start3A_47] : memref<10240x128xf32, #tpu.memory_space<vmem_shared>> -> memref<128x128xf32, #tpu.memory_space<vmem_shared>>
      tpu.enqueue_dma source(%arg10 : memref<128x128xf32, #tpu.memory_space<vmem>>) target(%dma_start3A_48 : memref<128x128xf32, #tpu.memory_space<vmem_shared>>) target_semaphore(%run_scoped3A : memref<!tpu.dma_semaphore, #tpu.memory_space<semaphore_mem>>)
      %dma_wait3A = arith.constant 0 : i32
      %dma_wait3A_49 = tpu.memref_slice %arg12[%add3A_21, %dma_wait3A] : memref<10240x128xf32, #tpu.memory_space<vmem_shared>> -> memref<128x128xf32, #tpu.memory_space<vmem_shared>>
      %dma_wait3A_50 = arith.constant 0 : i32
      %dma_wait3A_51 = tpu.memref_slice %arg12[%add3A_21, %dma_wait3A_50] : memref<10240x128xf32, #tpu.memory_space<vmem_shared>> -> memref<128x128xf32, #tpu.memory_space<vmem_shared>>
      tpu.wait_dma2 semaphore(%run_scoped3A : memref<!tpu.dma_semaphore, #tpu.memory_space<semaphore_mem>>) src(%arg10 : memref<128x128xf32, #tpu.memory_space<vmem>>) dst(%dma_wait3A_51 : memref<128x128xf32, #tpu.memory_space<vmem_shared>>)
      tpu.yield
    }) : () -> ()
    %mul3A_22 = arith.constant 640 : i32
    %mul3A_23 = arith.muli %arg1, %mul3A_22 : i32
    %add3A_24 = arith.constant 384 : i32
    %add3A_25 = arith.addi %mul3A_23, %add3A_24 : i32
    "tpu.region"() ({
      %run_scoped3A = tpu.sem_alloc : memref<!tpu.dma_semaphore, #tpu.memory_space<semaphore_mem>>
      %dma_start3A = arith.constant 0 : i32
      %dma_start3A_46 = tpu.memref_slice %arg12[%add3A_25, %dma_start3A] : memref<10240x128xf32, #tpu.memory_space<vmem_shared>> -> memref<128x128xf32, #tpu.memory_space<vmem_shared>>
      %dma_start3A_47 = arith.constant 0 : i32
      %dma_start3A_48 = tpu.memref_slice %arg12[%add3A_25, %dma_start3A_47] : memref<10240x128xf32, #tpu.memory_space<vmem_shared>> -> memref<128x128xf32, #tpu.memory_space<vmem_shared>>
      tpu.enqueue_dma source(%arg10 : memref<128x128xf32, #tpu.memory_space<vmem>>) target(%dma_start3A_48 : memref<128x128xf32, #tpu.memory_space<vmem_shared>>) target_semaphore(%run_scoped3A : memref<!tpu.dma_semaphore, #tpu.memory_space<semaphore_mem>>)
      %dma_wait3A = arith.constant 0 : i32
      %dma_wait3A_49 = tpu.memref_slice %arg12[%add3A_25, %dma_wait3A] : memref<10240x128xf32, #tpu.memory_space<vmem_shared>> -> memref<128x128xf32, #tpu.memory_space<vmem_shared>>
      %dma_wait3A_50 = arith.constant 0 : i32
      %dma_wait3A_51 = tpu.memref_slice %arg12[%add3A_25, %dma_wait3A_50] : memref<10240x128xf32, #tpu.memory_space<vmem_shared>> -> memref<128x128xf32, #tpu.memory_space<vmem_shared>>
      tpu.wait_dma2 semaphore(%run_scoped3A : memref<!tpu.dma_semaphore, #tpu.memory_space<semaphore_mem>>) src(%arg10 : memref<128x128xf32, #tpu.memory_space<vmem>>) dst(%dma_wait3A_51 : memref<128x128xf32, #tpu.memory_space<vmem_shared>>)
      tpu.yield
    }) : () -> ()
    %mul3A_26 = arith.constant 640 : i32
    %mul3A_27 = arith.muli %arg1, %mul3A_26 : i32
    %add3A_28 = arith.constant 512 : i32
    %add3A_29 = arith.addi %mul3A_27, %add3A_28 : i32
    "tpu.region"() ({
      %run_scoped3A = tpu.sem_alloc : memref<!tpu.dma_semaphore, #tpu.memory_space<semaphore_mem>>
      %dma_start3A = arith.constant 0 : i32
      %dma_start3A_46 = tpu.memref_slice %arg12[%add3A_29, %dma_start3A] : memref<10240x128xf32, #tpu.memory_space<vmem_shared>> -> memref<128x128xf32, #tpu.memory_space<vmem_shared>>
      %dma_start3A_47 = arith.constant 0 : i32
      %dma_start3A_48 = tpu.memref_slice %arg12[%add3A_29, %dma_start3A_47] : memref<10240x128xf32, #tpu.memory_space<vmem_shared>> -> memref<128x128xf32, #tpu.memory_space<vmem_shared>>
      tpu.enqueue_dma source(%arg10 : memref<128x128xf32, #tpu.memory_space<vmem>>) target(%dma_start3A_48 : memref<128x128xf32, #tpu.memory_space<vmem_shared>>) target_semaphore(%run_scoped3A : memref<!tpu.dma_semaphore, #tpu.memory_space<semaphore_mem>>)
      %dma_wait3A = arith.constant 0 : i32
      %dma_wait3A_49 = tpu.memref_slice %arg12[%add3A_29, %dma_wait3A] : memref<10240x128xf32, #tpu.memory_space<vmem_shared>> -> memref<128x128xf32, #tpu.memory_space<vmem_shared>>
      %dma_wait3A_50 = arith.constant 0 : i32
      %dma_wait3A_51 = tpu.memref_slice %arg12[%add3A_29, %dma_wait3A_50] : memref<10240x128xf32, #tpu.memory_space<vmem_shared>> -> memref<128x128xf32, #tpu.memory_space<vmem_shared>>
      tpu.wait_dma2 semaphore(%run_scoped3A : memref<!tpu.dma_semaphore, #tpu.memory_space<semaphore_mem>>) src(%arg10 : memref<128x128xf32, #tpu.memory_space<vmem>>) dst(%dma_wait3A_51 : memref<128x128xf32, #tpu.memory_space<vmem_shared>>)
      tpu.yield
    }) : () -> ()
    %barrier3A = arith.constant 0 : index
    tpu.barrier barrier_id(%barrier3A)
    %scan3A_30 = arith.constant 0 : i32
    %scan3A_31 = arith.constant 9 : i32
    %scan3A_32 = arith.addi %scan3A_30, %scan3A_31 : i32
    %scan3A_33 = arith.constant 1 : i32
    scf.for %scan3A_46 = %scan3A_30 to %scan3A_32 step %scan3A_33  : i32 {
      %mul3A_47 = arith.constant 1 : i32
      %mul3A_48 = arith.muli %scan3A_46, %mul3A_47 : i32
      %add3A_49 = arith.constant 0 : i32
      %add3A_50 = arith.addi %add3A_49, %mul3A_48 : i32
      %add3A_51 = arith.addi %add3A_4, %add3A_50 : i32
      %mul3A_52 = arith.constant 8 : i32
      %mul3A_53 = arith.muli %add3A_51, %mul3A_52 : i32
      %mul3A_54 = arith.constant 128 : i32
      %mul3A_55 = arith.muli %mul3A_53, %mul3A_54 : i32
      "tpu.region"() ({
        %run_scoped3A = tpu.sem_alloc : memref<!tpu.dma_semaphore, #tpu.memory_space<semaphore_mem>>
        %dma_start3A = tpu.memref_slice %arg3[%mul3A_55] : memref<320000xi32, #tpu.memory_space<hbm>> -> memref<1024xi32, #tpu.memory_space<hbm>>
        %dma_start3A_61 = tpu.memref_slice %arg3[%mul3A_55] : memref<320000xi32, #tpu.memory_space<hbm>> -> memref<1024xi32, #tpu.memory_space<hbm>>
        tpu.enqueue_dma source(%dma_start3A_61 : memref<1024xi32, #tpu.memory_space<hbm>>) target(%arg7 : memref<1024xi32, #tpu.memory_space<vmem>>) target_semaphore(%run_scoped3A : memref<!tpu.dma_semaphore, #tpu.memory_space<semaphore_mem>>)
        %dma_wait3A = tpu.memref_slice %arg3[%mul3A_55] : memref<320000xi32, #tpu.memory_space<hbm>> -> memref<1024xi32, #tpu.memory_space<hbm>>
        %dma_wait3A_62 = tpu.memref_slice %arg3[%mul3A_55] : memref<320000xi32, #tpu.memory_space<hbm>> -> memref<1024xi32, #tpu.memory_space<hbm>>
        tpu.wait_dma2 semaphore(%run_scoped3A : memref<!tpu.dma_semaphore, #tpu.memory_space<semaphore_mem>>) src(%dma_wait3A_62 : memref<1024xi32, #tpu.memory_space<hbm>>) dst(%arg7 : memref<1024xi32, #tpu.memory_space<vmem>>)
        tpu.yield
      }) : () -> ()
      "tpu.region"() ({
        %run_scoped3A = tpu.sem_alloc : memref<!tpu.dma_semaphore, #tpu.memory_space<semaphore_mem>>
        %dma_start3A = arith.constant 0 : i32
        %dma_start3A_61 = tpu.memref_slice %arg4[%mul3A_53, %dma_start3A] : memref<2500x128xi32, #tpu.memory_space<hbm>> -> memref<8x128xi32, #tpu.memory_space<hbm>>
        %dma_start3A_62 = arith.constant 0 : i32
        %dma_start3A_63 = tpu.memref_slice %arg4[%mul3A_53, %dma_start3A_62] : memref<2500x128xi32, #tpu.memory_space<hbm>> -> memref<8x128xi32, #tpu.memory_space<hbm>>
        tpu.enqueue_dma source(%dma_start3A_63 : memref<8x128xi32, #tpu.memory_space<hbm>>) target(%arg8 : memref<8x128xi32, #tpu.memory_space<vmem>>) target_semaphore(%run_scoped3A : memref<!tpu.dma_semaphore, #tpu.memory_space<semaphore_mem>>)
        %dma_wait3A = arith.constant 0 : i32
        %dma_wait3A_64 = tpu.memref_slice %arg4[%mul3A_53, %dma_wait3A] : memref<2500x128xi32, #tpu.memory_space<hbm>> -> memref<8x128xi32, #tpu.memory_space<hbm>>
        %dma_wait3A_65 = arith.constant 0 : i32
        %dma_wait3A_66 = tpu.memref_slice %arg4[%mul3A_53, %dma_wait3A_65] : memref<2500x128xi32, #tpu.memory_space<hbm>> -> memref<8x128xi32, #tpu.memory_space<hbm>>
        tpu.wait_dma2 semaphore(%run_scoped3A : memref<!tpu.dma_semaphore, #tpu.memory_space<semaphore_mem>>) src(%dma_wait3A_66 : memref<8x128xi32, #tpu.memory_space<hbm>>) dst(%arg8 : memref<8x128xi32, #tpu.memory_space<vmem>>)
        tpu.yield
      }) : () -> ()
      %scan3A_56 = arith.constant 0 : i32
      %scan3A_57 = arith.constant 4 : i32
      %scan3A_58 = arith.addi %scan3A_56, %scan3A_57 : i32
      %scan3A_59 = arith.constant 1 : i32
      scf.for %scan3A_61 = %scan3A_56 to %scan3A_58 step %scan3A_59  : i32 {
        %mul3A_62 = arith.constant 1 : i32
        %mul3A_63 = arith.muli %scan3A_61, %mul3A_62 : i32
        %add3A_64 = arith.constant 0 : i32
        %add3A_65 = arith.addi %add3A_64, %mul3A_63 : i32
        %mul3A_66 = arith.constant 2 : i32
        %mul3A_67 = arith.muli %mul3A_66, %add3A_65 : i32
        %mul3A_68 = arith.constant 128 : i32
        %mul3A_69 = arith.muli %mul3A_67, %mul3A_68 : i32
        %dma_start3A = tpu.memref_slice %arg7[%mul3A_69] : memref<1024xi32, #tpu.memory_space<vmem>> -> memref<128xi32, #tpu.memory_space<vmem>>
        %dma_start3A_70 = arith.constant 0 : i32
        %dma_start3A_71 = arith.constant 0 : i32
        %dma_start3A_72 = tpu.memref_slice %arg2[%dma_start3A_70, %dma_start3A_71] : memref<10000x128xf32, #tpu.memory_space<hbm>> -> memref<10000x128xf32, #tpu.memory_space<hbm>>
        tpu.enqueue_indirect_dma source(%dma_start3A_72 : memref<10000x128xf32, #tpu.memory_space<hbm>>) target(%arg10 : memref<128x128xf32, #tpu.memory_space<vmem>>) offsets(%dma_start3A : memref<128xi32, #tpu.memory_space<vmem>>) semaphore(%arg13 : memref<!tpu.dma_semaphore, #tpu.memory_space<semaphore_mem>>)
        %add3A_73 = arith.constant 128 : i32
        %add3A_74 = arith.addi %mul3A_69, %add3A_73 : i32
        %dma_start3A_75 = tpu.memref_slice %arg7[%add3A_74] : memref<1024xi32, #tpu.memory_space<vmem>> -> memref<128xi32, #tpu.memory_space<vmem>>
        %dma_start3A_76 = arith.constant 0 : i32
        %dma_start3A_77 = arith.constant 0 : i32
        %dma_start3A_78 = tpu.memref_slice %arg2[%dma_start3A_76, %dma_start3A_77] : memref<10000x128xf32, #tpu.memory_space<hbm>> -> memref<10000x128xf32, #tpu.memory_space<hbm>>
        tpu.enqueue_indirect_dma source(%dma_start3A_78 : memref<10000x128xf32, #tpu.memory_space<hbm>>) target(%arg11 : memref<128x128xf32, #tpu.memory_space<vmem>>) offsets(%dma_start3A_75 : memref<128xi32, #tpu.memory_space<vmem>>) semaphore(%arg14 : memref<!tpu.dma_semaphore, #tpu.memory_space<semaphore_mem>>)
        %dma_wait3A = tpu.memref_slice %arg7[%mul3A_69] : memref<1024xi32, #tpu.memory_space<vmem>> -> memref<128xi32, #tpu.memory_space<vmem>>
        %dma_wait3A_79 = arith.constant 0 : i32
        %dma_wait3A_80 = arith.constant 0 : i32
        %dma_wait3A_81 = tpu.memref_slice %arg2[%dma_wait3A_79, %dma_wait3A_80] : memref<10000x128xf32, #tpu.memory_space<hbm>> -> memref<10000x128xf32, #tpu.memory_space<hbm>>
        tpu.wait_indirect_dma semaphore(%arg13 : memref<!tpu.dma_semaphore, #tpu.memory_space<semaphore_mem>>) src(%dma_wait3A_81 : memref<10000x128xf32, #tpu.memory_space<hbm>>) dst(%arg10 : memref<128x128xf32, #tpu.memory_space<vmem>>)
        %mul3A_82 = arith.constant 2 : i32
        %mul3A_83 = arith.muli %mul3A_82, %add3A_65 : i32
        %dma_start3A_84 = arith.constant 0 : i32
        %dma_start3A_85 = tpu.memref_slice %arg8[%mul3A_83, %dma_start3A_84] : memref<8x128xi32, #tpu.memory_space<vmem>> -> memref<1x128xi32, #tpu.memory_space<vmem>>
        %dma_start3A_86 = tpu.memref_squeeze %dma_start3A_85 : memref<1x128xi32, #tpu.memory_space<vmem>> -> memref<128xi32, #tpu.memory_space<vmem>>
        %dma_start3A_87 = arith.constant 0 : i32
        %dma_start3A_88 = arith.constant 0 : i32
        %dma_start3A_89 = tpu.memref_slice %arg12[%dma_start3A_87, %dma_start3A_88] : memref<10240x128xf32, #tpu.memory_space<vmem_shared>> -> memref<10240x128xf32, #tpu.memory_space<vmem_shared>>
        tpu.enqueue_indirect_dma source(%arg10 : memref<128x128xf32, #tpu.memory_space<vmem>>) target(%dma_start3A_89 : memref<10240x128xf32, #tpu.memory_space<vmem_shared>>) offsets(%dma_start3A_86 : memref<128xi32, #tpu.memory_space<vmem>>) semaphore(%arg15 : memref<!tpu.dma_semaphore, #tpu.memory_space<semaphore_mem>>) {add = true}
        %dma_wait3A_90 = tpu.memref_slice %arg7[%add3A_74] : memref<1024xi32, #tpu.memory_space<vmem>> -> memref<128xi32, #tpu.memory_space<vmem>>
        %dma_wait3A_91 = arith.constant 0 : i32
        %dma_wait3A_92 = arith.constant 0 : i32
        %dma_wait3A_93 = tpu.memref_slice %arg2[%dma_wait3A_91, %dma_wait3A_92] : memref<10000x128xf32, #tpu.memory_space<hbm>> -> memref<10000x128xf32, #tpu.memory_space<hbm>>
        tpu.wait_indirect_dma semaphore(%arg14 : memref<!tpu.dma_semaphore, #tpu.memory_space<semaphore_mem>>) src(%dma_wait3A_93 : memref<10000x128xf32, #tpu.memory_space<hbm>>) dst(%arg11 : memref<128x128xf32, #tpu.memory_space<vmem>>)
        %mul3A_94 = arith.constant 2 : i32
        %mul3A_95 = arith.muli %mul3A_94, %add3A_65 : i32
        %add3A_96 = arith.constant 1 : i32
        %add3A_97 = arith.addi %mul3A_95, %add3A_96 : i32
        %dma_start3A_98 = arith.constant 0 : i32
        %dma_start3A_99 = tpu.memref_slice %arg8[%add3A_97, %dma_start3A_98] : memref<8x128xi32, #tpu.memory_space<vmem>> -> memref<1x128xi32, #tpu.memory_space<vmem>>
        %dma_start3A_100 = tpu.memref_squeeze %dma_start3A_99 : memref<1x128xi32, #tpu.memory_space<vmem>> -> memref<128xi32, #tpu.memory_space<vmem>>
        %dma_start3A_101 = arith.constant 0 : i32
        %dma_start3A_102 = arith.constant 0 : i32
        %dma_start3A_103 = tpu.memref_slice %arg12[%dma_start3A_101, %dma_start3A_102] : memref<10240x128xf32, #tpu.memory_space<vmem_shared>> -> memref<10240x128xf32, #tpu.memory_space<vmem_shared>>
        tpu.enqueue_indirect_dma source(%arg11 : memref<128x128xf32, #tpu.memory_space<vmem>>) target(%dma_start3A_103 : memref<10240x128xf32, #tpu.memory_space<vmem_shared>>) offsets(%dma_start3A_100 : memref<128xi32, #tpu.memory_space<vmem>>) semaphore(%arg16 : memref<!tpu.dma_semaphore, #tpu.memory_space<semaphore_mem>>) {add = true}
        %dma_wait3A_104 = arith.constant 0 : i32
        %dma_wait3A_105 = tpu.memref_slice %arg8[%mul3A_83, %dma_wait3A_104] : memref<8x128xi32, #tpu.memory_space<vmem>> -> memref<1x128xi32, #tpu.memory_space<vmem>>
        %dma_wait3A_106 = tpu.memref_squeeze %dma_wait3A_105 : memref<1x128xi32, #tpu.memory_space<vmem>> -> memref<128xi32, #tpu.memory_space<vmem>>
        %dma_wait3A_107 = arith.constant 0 : i32
        %dma_wait3A_108 = arith.constant 0 : i32
        %dma_wait3A_109 = tpu.memref_slice %arg12[%dma_wait3A_107, %dma_wait3A_108] : memref<10240x128xf32, #tpu.memory_space<vmem_shared>> -> memref<10240x128xf32, #tpu.memory_space<vmem_shared>>
        tpu.wait_indirect_dma semaphore(%arg15 : memref<!tpu.dma_semaphore, #tpu.memory_space<semaphore_mem>>) src(%arg10 : memref<128x128xf32, #tpu.memory_space<vmem>>) dst(%dma_wait3A_109 : memref<10240x128xf32, #tpu.memory_space<vmem_shared>>)
        %dma_wait3A_110 = arith.constant 0 : i32
        %dma_wait3A_111 = tpu.memref_slice %arg8[%add3A_97, %dma_wait3A_110] : memref<8x128xi32, #tpu.memory_space<vmem>> -> memref<1x128xi32, #tpu.memory_space<vmem>>
        %dma_wait3A_112 = tpu.memref_squeeze %dma_wait3A_111 : memref<1x128xi32, #tpu.memory_space<vmem>> -> memref<128xi32, #tpu.memory_space<vmem>>
        %dma_wait3A_113 = arith.constant 0 : i32
        %dma_wait3A_114 = arith.constant 0 : i32
        %dma_wait3A_115 = tpu.memref_slice %arg12[%dma_wait3A_113, %dma_wait3A_114] : memref<10240x128xf32, #tpu.memory_space<vmem_shared>> -> memref<10240x128xf32, #tpu.memory_space<vmem_shared>>
        tpu.wait_indirect_dma semaphore(%arg16 : memref<!tpu.dma_semaphore, #tpu.memory_space<semaphore_mem>>) src(%arg11 : memref<128x128xf32, #tpu.memory_space<vmem>>) dst(%dma_wait3A_115 : memref<10240x128xf32, #tpu.memory_space<vmem_shared>>)
      }
      %scan3A_60 = arith.constant 4 : i32
    }
    %scan3A_34 = arith.constant 9 : i32
    %lt3A = arith.constant 24 : i32
    %lt3A_35 = arith.cmpi slt, %add3A, %lt3A : i32
    %convert_element_type3A = arith.extui %lt3A_35 : i1 to i32
    %cond3A = arith.constant 0 : i32
    %cond3A_36 = arith.cmpi ne, %convert_element_type3A, %cond3A : i32
    scf.if %cond3A_36 {
      %add3A_46 = arith.constant 9 : i32
      %add3A_47 = arith.addi %add3A_4, %add3A_46 : i32
      %mul3A_48 = arith.constant 8 : i32
      %mul3A_49 = arith.muli %add3A_47, %mul3A_48 : i32
      %mul3A_50 = arith.constant 128 : i32
      %mul3A_51 = arith.muli %mul3A_49, %mul3A_50 : i32
      "tpu.region"() ({
        %run_scoped3A = tpu.sem_alloc : memref<!tpu.dma_semaphore, #tpu.memory_space<semaphore_mem>>
        %dma_start3A = tpu.memref_slice %arg3[%mul3A_51] : memref<320000xi32, #tpu.memory_space<hbm>> -> memref<1024xi32, #tpu.memory_space<hbm>>
        %dma_start3A_57 = tpu.memref_slice %arg3[%mul3A_51] : memref<320000xi32, #tpu.memory_space<hbm>> -> memref<1024xi32, #tpu.memory_space<hbm>>
        tpu.enqueue_dma source(%dma_start3A_57 : memref<1024xi32, #tpu.memory_space<hbm>>) target(%arg7 : memref<1024xi32, #tpu.memory_space<vmem>>) target_semaphore(%run_scoped3A : memref<!tpu.dma_semaphore, #tpu.memory_space<semaphore_mem>>)
        %dma_wait3A = tpu.memref_slice %arg3[%mul3A_51] : memref<320000xi32, #tpu.memory_space<hbm>> -> memref<1024xi32, #tpu.memory_space<hbm>>
        %dma_wait3A_58 = tpu.memref_slice %arg3[%mul3A_51] : memref<320000xi32, #tpu.memory_space<hbm>> -> memref<1024xi32, #tpu.memory_space<hbm>>
        tpu.wait_dma2 semaphore(%run_scoped3A : memref<!tpu.dma_semaphore, #tpu.memory_space<semaphore_mem>>) src(%dma_wait3A_58 : memref<1024xi32, #tpu.memory_space<hbm>>) dst(%arg7 : memref<1024xi32, #tpu.memory_space<vmem>>)
        tpu.yield
      }) : () -> ()
      "tpu.region"() ({
        %run_scoped3A = tpu.sem_alloc : memref<!tpu.dma_semaphore, #tpu.memory_space<semaphore_mem>>
        %dma_start3A = arith.constant 0 : i32
        %dma_start3A_57 = tpu.memref_slice %arg4[%mul3A_49, %dma_start3A] : memref<2500x128xi32, #tpu.memory_space<hbm>> -> memref<8x128xi32, #tpu.memory_space<hbm>>
        %dma_start3A_58 = arith.constant 0 : i32
        %dma_start3A_59 = tpu.memref_slice %arg4[%mul3A_49, %dma_start3A_58] : memref<2500x128xi32, #tpu.memory_space<hbm>> -> memref<8x128xi32, #tpu.memory_space<hbm>>
        tpu.enqueue_dma source(%dma_start3A_59 : memref<8x128xi32, #tpu.memory_space<hbm>>) target(%arg8 : memref<8x128xi32, #tpu.memory_space<vmem>>) target_semaphore(%run_scoped3A : memref<!tpu.dma_semaphore, #tpu.memory_space<semaphore_mem>>)
        %dma_wait3A = arith.constant 0 : i32
        %dma_wait3A_60 = tpu.memref_slice %arg4[%mul3A_49, %dma_wait3A] : memref<2500x128xi32, #tpu.memory_space<hbm>> -> memref<8x128xi32, #tpu.memory_space<hbm>>
        %dma_wait3A_61 = arith.constant 0 : i32
        %dma_wait3A_62 = tpu.memref_slice %arg4[%mul3A_49, %dma_wait3A_61] : memref<2500x128xi32, #tpu.memory_space<hbm>> -> memref<8x128xi32, #tpu.memory_space<hbm>>
        tpu.wait_dma2 semaphore(%run_scoped3A : memref<!tpu.dma_semaphore, #tpu.memory_space<semaphore_mem>>) src(%dma_wait3A_62 : memref<8x128xi32, #tpu.memory_space<hbm>>) dst(%arg8 : memref<8x128xi32, #tpu.memory_space<vmem>>)
        tpu.yield
      }) : () -> ()
      %scan3A_52 = arith.constant 0 : i32
      %scan3A_53 = arith.constant 4 : i32
      %scan3A_54 = arith.addi %scan3A_52, %scan3A_53 : i32
      %scan3A_55 = arith.constant 1 : i32
      scf.for %scan3A_57 = %scan3A_52 to %scan3A_54 step %scan3A_55  : i32 {
        %mul3A_58 = arith.constant 1 : i32
        %mul3A_59 = arith.muli %scan3A_57, %mul3A_58 : i32
        %add3A_60 = arith.constant 0 : i32
        %add3A_61 = arith.addi %add3A_60, %mul3A_59 : i32
        %mul3A_62 = arith.constant 2 : i32
        %mul3A_63 = arith.muli %mul3A_62, %add3A_61 : i32
        %mul3A_64 = arith.constant 128 : i32
        %mul3A_65 = arith.muli %mul3A_63, %mul3A_64 : i32
        %dma_start3A = tpu.memref_slice %arg7[%mul3A_65] : memref<1024xi32, #tpu.memory_space<vmem>> -> memref<128xi32, #tpu.memory_space<vmem>>
        %dma_start3A_66 = arith.constant 0 : i32
        %dma_start3A_67 = arith.constant 0 : i32
        %dma_start3A_68 = tpu.memref_slice %arg2[%dma_start3A_66, %dma_start3A_67] : memref<10000x128xf32, #tpu.memory_space<hbm>> -> memref<10000x128xf32, #tpu.memory_space<hbm>>
        tpu.enqueue_indirect_dma source(%dma_start3A_68 : memref<10000x128xf32, #tpu.memory_space<hbm>>) target(%arg10 : memref<128x128xf32, #tpu.memory_space<vmem>>) offsets(%dma_start3A : memref<128xi32, #tpu.memory_space<vmem>>) semaphore(%arg13 : memref<!tpu.dma_semaphore, #tpu.memory_space<semaphore_mem>>)
        %add3A_69 = arith.constant 128 : i32
        %add3A_70 = arith.addi %mul3A_65, %add3A_69 : i32
        %dma_start3A_71 = tpu.memref_slice %arg7[%add3A_70] : memref<1024xi32, #tpu.memory_space<vmem>> -> memref<128xi32, #tpu.memory_space<vmem>>
        %dma_start3A_72 = arith.constant 0 : i32
        %dma_start3A_73 = arith.constant 0 : i32
        %dma_start3A_74 = tpu.memref_slice %arg2[%dma_start3A_72, %dma_start3A_73] : memref<10000x128xf32, #tpu.memory_space<hbm>> -> memref<10000x128xf32, #tpu.memory_space<hbm>>
        tpu.enqueue_indirect_dma source(%dma_start3A_74 : memref<10000x128xf32, #tpu.memory_space<hbm>>) target(%arg11 : memref<128x128xf32, #tpu.memory_space<vmem>>) offsets(%dma_start3A_71 : memref<128xi32, #tpu.memory_space<vmem>>) semaphore(%arg14 : memref<!tpu.dma_semaphore, #tpu.memory_space<semaphore_mem>>)
        %dma_wait3A = tpu.memref_slice %arg7[%mul3A_65] : memref<1024xi32, #tpu.memory_space<vmem>> -> memref<128xi32, #tpu.memory_space<vmem>>
        %dma_wait3A_75 = arith.constant 0 : i32
        %dma_wait3A_76 = arith.constant 0 : i32
        %dma_wait3A_77 = tpu.memref_slice %arg2[%dma_wait3A_75, %dma_wait3A_76] : memref<10000x128xf32, #tpu.memory_space<hbm>> -> memref<10000x128xf32, #tpu.memory_space<hbm>>
        tpu.wait_indirect_dma semaphore(%arg13 : memref<!tpu.dma_semaphore, #tpu.memory_space<semaphore_mem>>) src(%dma_wait3A_77 : memref<10000x128xf32, #tpu.memory_space<hbm>>) dst(%arg10 : memref<128x128xf32, #tpu.memory_space<vmem>>)
        %mul3A_78 = arith.constant 2 : i32
        %mul3A_79 = arith.muli %mul3A_78, %add3A_61 : i32
        %dma_start3A_80 = arith.constant 0 : i32
        %dma_start3A_81 = tpu.memref_slice %arg8[%mul3A_79, %dma_start3A_80] : memref<8x128xi32, #tpu.memory_space<vmem>> -> memref<1x128xi32, #tpu.memory_space<vmem>>
        %dma_start3A_82 = tpu.memref_squeeze %dma_start3A_81 : memref<1x128xi32, #tpu.memory_space<vmem>> -> memref<128xi32, #tpu.memory_space<vmem>>
        %dma_start3A_83 = arith.constant 0 : i32
        %dma_start3A_84 = arith.constant 0 : i32
        %dma_start3A_85 = tpu.memref_slice %arg12[%dma_start3A_83, %dma_start3A_84] : memref<10240x128xf32, #tpu.memory_space<vmem_shared>> -> memref<10240x128xf32, #tpu.memory_space<vmem_shared>>
        tpu.enqueue_indirect_dma source(%arg10 : memref<128x128xf32, #tpu.memory_space<vmem>>) target(%dma_start3A_85 : memref<10240x128xf32, #tpu.memory_space<vmem_shared>>) offsets(%dma_start3A_82 : memref<128xi32, #tpu.memory_space<vmem>>) semaphore(%arg15 : memref<!tpu.dma_semaphore, #tpu.memory_space<semaphore_mem>>) {add = true}
        %dma_wait3A_86 = tpu.memref_slice %arg7[%add3A_70] : memref<1024xi32, #tpu.memory_space<vmem>> -> memref<128xi32, #tpu.memory_space<vmem>>
        %dma_wait3A_87 = arith.constant 0 : i32
        %dma_wait3A_88 = arith.constant 0 : i32
        %dma_wait3A_89 = tpu.memref_slice %arg2[%dma_wait3A_87, %dma_wait3A_88] : memref<10000x128xf32, #tpu.memory_space<hbm>> -> memref<10000x128xf32, #tpu.memory_space<hbm>>
        tpu.wait_indirect_dma semaphore(%arg14 : memref<!tpu.dma_semaphore, #tpu.memory_space<semaphore_mem>>) src(%dma_wait3A_89 : memref<10000x128xf32, #tpu.memory_space<hbm>>) dst(%arg11 : memref<128x128xf32, #tpu.memory_space<vmem>>)
        %mul3A_90 = arith.constant 2 : i32
        %mul3A_91 = arith.muli %mul3A_90, %add3A_61 : i32
        %add3A_92 = arith.constant 1 : i32
        %add3A_93 = arith.addi %mul3A_91, %add3A_92 : i32
        %dma_start3A_94 = arith.constant 0 : i32
        %dma_start3A_95 = tpu.memref_slice %arg8[%add3A_93, %dma_start3A_94] : memref<8x128xi32, #tpu.memory_space<vmem>> -> memref<1x128xi32, #tpu.memory_space<vmem>>
        %dma_start3A_96 = tpu.memref_squeeze %dma_start3A_95 : memref<1x128xi32, #tpu.memory_space<vmem>> -> memref<128xi32, #tpu.memory_space<vmem>>
        %dma_start3A_97 = arith.constant 0 : i32
        %dma_start3A_98 = arith.constant 0 : i32
        %dma_start3A_99 = tpu.memref_slice %arg12[%dma_start3A_97, %dma_start3A_98] : memref<10240x128xf32, #tpu.memory_space<vmem_shared>> -> memref<10240x128xf32, #tpu.memory_space<vmem_shared>>
        tpu.enqueue_indirect_dma source(%arg11 : memref<128x128xf32, #tpu.memory_space<vmem>>) target(%dma_start3A_99 : memref<10240x128xf32, #tpu.memory_space<vmem_shared>>) offsets(%dma_start3A_96 : memref<128xi32, #tpu.memory_space<vmem>>) semaphore(%arg16 : memref<!tpu.dma_semaphore, #tpu.memory_space<semaphore_mem>>) {add = true}
        %dma_wait3A_100 = arith.constant 0 : i32
        %dma_wait3A_101 = tpu.memref_slice %arg8[%mul3A_79, %dma_wait3A_100] : memref<8x128xi32, #tpu.memory_space<vmem>> -> memref<1x128xi32, #tpu.memory_space<vmem>>
        %dma_wait3A_102 = tpu.memref_squeeze %dma_wait3A_101 : memref<1x128xi32, #tpu.memory_space<vmem>> -> memref<128xi32, #tpu.memory_space<vmem>>
        %dma_wait3A_103 = arith.constant 0 : i32
        %dma_wait3A_104 = arith.constant 0 : i32
        %dma_wait3A_105 = tpu.memref_slice %arg12[%dma_wait3A_103, %dma_wait3A_104] : memref<10240x128xf32, #tpu.memory_space<vmem_shared>> -> memref<10240x128xf32, #tpu.memory_space<vmem_shared>>
        tpu.wait_indirect_dma semaphore(%arg15 : memref<!tpu.dma_semaphore, #tpu.memory_space<semaphore_mem>>) src(%arg10 : memref<128x128xf32, #tpu.memory_space<vmem>>) dst(%dma_wait3A_105 : memref<10240x128xf32, #tpu.memory_space<vmem_shared>>)
        %dma_wait3A_106 = arith.constant 0 : i32
        %dma_wait3A_107 = tpu.memref_slice %arg8[%add3A_93, %dma_wait3A_106] : memref<8x128xi32, #tpu.memory_space<vmem>> -> memref<1x128xi32, #tpu.memory_space<vmem>>
        %dma_wait3A_108 = tpu.memref_squeeze %dma_wait3A_107 : memref<1x128xi32, #tpu.memory_space<vmem>> -> memref<128xi32, #tpu.memory_space<vmem>>
        %dma_wait3A_109 = arith.constant 0 : i32
        %dma_wait3A_110 = arith.constant 0 : i32
        %dma_wait3A_111 = tpu.memref_slice %arg12[%dma_wait3A_109, %dma_wait3A_110] : memref<10240x128xf32, #tpu.memory_space<vmem_shared>> -> memref<10240x128xf32, #tpu.memory_space<vmem_shared>>
        tpu.wait_indirect_dma semaphore(%arg16 : memref<!tpu.dma_semaphore, #tpu.memory_space<semaphore_mem>>) src(%arg11 : memref<128x128xf32, #tpu.memory_space<vmem>>) dst(%dma_wait3A_111 : memref<10240x128xf32, #tpu.memory_space<vmem_shared>>)
      }
      %scan3A_56 = arith.constant 4 : i32
    } else {
    }
    %ge3A = arith.constant 28 : i32
    %ge3A_37 = arith.cmpi sge, %add3A, %ge3A : i32
    %convert_element_type3A_38 = arith.extui %ge3A_37 : i1 to i32
    %cond3A_39 = arith.constant 0 : i32
    %cond3A_40 = arith.cmpi ne, %convert_element_type3A_38, %cond3A_39 : i32
    scf.if %cond3A_40 {
      %add3A_46 = arith.constant 2496 : i32
      %add3A_47 = arith.addi %add3A_46, %add3A : i32
      %sub3A = arith.constant 28 : i32
      %sub3A_48 = arith.subi %add3A_47, %sub3A : i32
      %sub3A_49 = arith.constant 28 : i32
      %sub3A_50 = arith.subi %add3A, %sub3A_49 : i32
      %mul3A_51 = arith.constant 128 : i32
      %mul3A_52 = arith.muli %sub3A_50, %mul3A_51 : i32
      %mul3A_53 = arith.constant 128 : i32
      %mul3A_54 = arith.muli %sub3A_48, %mul3A_53 : i32
      "tpu.region"() ({
        %run_scoped3A = tpu.sem_alloc : memref<!tpu.dma_semaphore, #tpu.memory_space<semaphore_mem>>
        %dma_start3A_63 = arith.constant 0 : i32
        %dma_start3A_64 = tpu.memref_slice %arg7[%dma_start3A_63] : memref<1024xi32, #tpu.memory_space<vmem>> -> memref<128xi32, #tpu.memory_space<vmem>>
        %dma_start3A_65 = tpu.memref_slice %arg3[%mul3A_54] : memref<320000xi32, #tpu.memory_space<hbm>> -> memref<128xi32, #tpu.memory_space<hbm>>
        %dma_start3A_66 = arith.constant 0 : i32
        %dma_start3A_67 = tpu.memref_slice %arg7[%dma_start3A_66] : memref<1024xi32, #tpu.memory_space<vmem>> -> memref<128xi32, #tpu.memory_space<vmem>>
        %dma_start3A_68 = tpu.memref_slice %arg3[%mul3A_54] : memref<320000xi32, #tpu.memory_space<hbm>> -> memref<128xi32, #tpu.memory_space<hbm>>
        tpu.enqueue_dma source(%dma_start3A_68 : memref<128xi32, #tpu.memory_space<hbm>>) target(%dma_start3A_67 : memref<128xi32, #tpu.memory_space<vmem>>) target_semaphore(%run_scoped3A : memref<!tpu.dma_semaphore, #tpu.memory_space<semaphore_mem>>)
        %dma_wait3A_69 = arith.constant 0 : i32
        %dma_wait3A_70 = tpu.memref_slice %arg7[%dma_wait3A_69] : memref<1024xi32, #tpu.memory_space<vmem>> -> memref<128xi32, #tpu.memory_space<vmem>>
        %dma_wait3A_71 = tpu.memref_slice %arg3[%mul3A_54] : memref<320000xi32, #tpu.memory_space<hbm>> -> memref<128xi32, #tpu.memory_space<hbm>>
        %dma_wait3A_72 = arith.constant 0 : i32
        %dma_wait3A_73 = tpu.memref_slice %arg7[%dma_wait3A_72] : memref<1024xi32, #tpu.memory_space<vmem>> -> memref<128xi32, #tpu.memory_space<vmem>>
        %dma_wait3A_74 = tpu.memref_slice %arg3[%mul3A_54] : memref<320000xi32, #tpu.memory_space<hbm>> -> memref<128xi32, #tpu.memory_space<hbm>>
        tpu.wait_dma2 semaphore(%run_scoped3A : memref<!tpu.dma_semaphore, #tpu.memory_space<semaphore_mem>>) src(%dma_wait3A_74 : memref<128xi32, #tpu.memory_space<hbm>>) dst(%dma_wait3A_73 : memref<128xi32, #tpu.memory_space<vmem>>)
        tpu.yield
      }) : () -> ()
      "tpu.region"() ({
        %run_scoped3A = tpu.sem_alloc : memref<!tpu.dma_semaphore, #tpu.memory_space<semaphore_mem>>
        %dma_start3A_63 = tpu.memref_slice %arg5[%mul3A_52] : memref<512xi32, #tpu.memory_space<hbm>> -> memref<128xi32, #tpu.memory_space<hbm>>
        %dma_start3A_64 = tpu.memref_slice %arg5[%mul3A_52] : memref<512xi32, #tpu.memory_space<hbm>> -> memref<128xi32, #tpu.memory_space<hbm>>
        tpu.enqueue_dma source(%dma_start3A_64 : memref<128xi32, #tpu.memory_space<hbm>>) target(%arg9 : memref<128xi32, #tpu.memory_space<vmem>>) target_semaphore(%run_scoped3A : memref<!tpu.dma_semaphore, #tpu.memory_space<semaphore_mem>>)
        %dma_wait3A_65 = tpu.memref_slice %arg5[%mul3A_52] : memref<512xi32, #tpu.memory_space<hbm>> -> memref<128xi32, #tpu.memory_space<hbm>>
        %dma_wait3A_66 = tpu.memref_slice %arg5[%mul3A_52] : memref<512xi32, #tpu.memory_space<hbm>> -> memref<128xi32, #tpu.memory_space<hbm>>
        tpu.wait_dma2 semaphore(%run_scoped3A : memref<!tpu.dma_semaphore, #tpu.memory_space<semaphore_mem>>) src(%dma_wait3A_66 : memref<128xi32, #tpu.memory_space<hbm>>) dst(%arg9 : memref<128xi32, #tpu.memory_space<vmem>>)
        tpu.yield
      }) : () -> ()
      %dma_start3A = arith.constant 0 : i32
      %dma_start3A_55 = tpu.memref_slice %arg7[%dma_start3A] : memref<1024xi32, #tpu.memory_space<vmem>> -> memref<128xi32, #tpu.memory_space<vmem>>
      %dma_start3A_56 = arith.constant 0 : i32
      %dma_start3A_57 = arith.constant 0 : i32
      %dma_start3A_58 = tpu.memref_slice %arg2[%dma_start3A_56, %dma_start3A_57] : memref<10000x128xf32, #tpu.memory_space<hbm>> -> memref<10000x128xf32, #tpu.memory_space<hbm>>
      tpu.enqueue_indirect_dma source(%dma_start3A_58 : memref<10000x128xf32, #tpu.memory_space<hbm>>) target(%arg10 : memref<128x128xf32, #tpu.memory_space<vmem>>) offsets(%dma_start3A_55 : memref<128xi32, #tpu.memory_space<vmem>>) semaphore(%arg13 : memref<!tpu.dma_semaphore, #tpu.memory_space<semaphore_mem>>)
      %dma_wait3A = arith.constant 0 : i32
      %dma_wait3A_59 = tpu.memref_slice %arg7[%dma_wait3A] : memref<1024xi32, #tpu.memory_space<vmem>> -> memref<128xi32, #tpu.memory_space<vmem>>
      %dma_wait3A_60 = arith.constant 0 : i32
      %dma_wait3A_61 = arith.constant 0 : i32
      %dma_wait3A_62 = tpu.memref_slice %arg2[%dma_wait3A_60, %dma_wait3A_61] : memref<10000x128xf32, #tpu.memory_space<hbm>> -> memref<10000x128xf32, #tpu.memory_space<hbm>>
      tpu.wait_indirect_dma semaphore(%arg13 : memref<!tpu.dma_semaphore, #tpu.memory_space<semaphore_mem>>) src(%dma_wait3A_62 : memref<10000x128xf32, #tpu.memory_space<hbm>>) dst(%arg10 : memref<128x128xf32, #tpu.memory_space<vmem>>)
      "tpu.region"() ({
        %run_scoped3A = tpu.sem_alloc : memref<!tpu.dma_semaphore, #tpu.memory_space<semaphore_mem>>
        %dma_start3A_63 = arith.constant 0 : i32
        %dma_start3A_64 = arith.constant 0 : i32
        %dma_start3A_65 = tpu.memref_slice %arg12[%dma_start3A_63, %dma_start3A_64] : memref<10240x128xf32, #tpu.memory_space<vmem_shared>> -> memref<10240x128xf32, #tpu.memory_space<vmem_shared>>
        tpu.enqueue_indirect_dma source(%arg10 : memref<128x128xf32, #tpu.memory_space<vmem>>) target(%dma_start3A_65 : memref<10240x128xf32, #tpu.memory_space<vmem_shared>>) offsets(%arg9 : memref<128xi32, #tpu.memory_space<vmem>>) semaphore(%run_scoped3A : memref<!tpu.dma_semaphore, #tpu.memory_space<semaphore_mem>>) {add = true}
        %dma_wait3A_66 = arith.constant 0 : i32
        %dma_wait3A_67 = arith.constant 0 : i32
        %dma_wait3A_68 = tpu.memref_slice %arg12[%dma_wait3A_66, %dma_wait3A_67] : memref<10240x128xf32, #tpu.memory_space<vmem_shared>> -> memref<10240x128xf32, #tpu.memory_space<vmem_shared>>
        tpu.wait_indirect_dma semaphore(%run_scoped3A : memref<!tpu.dma_semaphore, #tpu.memory_space<semaphore_mem>>) src(%arg10 : memref<128x128xf32, #tpu.memory_space<vmem>>) dst(%dma_wait3A_68 : memref<10240x128xf32, #tpu.memory_space<vmem_shared>>)
        tpu.yield
      }) : () -> ()
    } else {
    }
    %barrier3A_41 = arith.constant 0 : index
    tpu.barrier barrier_id(%barrier3A_41)
    %eq3A = arith.constant 0 : i32
    %eq3A_42 = arith.cmpi eq, %arg1, %eq3A : i32
    %convert_element_type3A_43 = arith.extui %eq3A_42 : i1 to i32
    %cond3A_44 = arith.constant 0 : i32
    %cond3A_45 = arith.cmpi ne, %convert_element_type3A_43, %cond3A_44 : i32
    scf.if %cond3A_45 {
      "tpu.region"() ({
        %run_scoped3A = tpu.sem_alloc : memref<!tpu.dma_semaphore, #tpu.memory_space<semaphore_mem>>
        %dma_start3A = arith.constant 0 : i32
        %dma_start3A_46 = arith.constant 0 : i32
        %dma_start3A_47 = tpu.memref_slice %arg6[%arg0, %dma_start3A, %dma_start3A_46] : memref<2x10240x128xf32, #tpu.memory_space<hbm>> -> memref<1x10240x128xf32, #tpu.memory_space<hbm>>
        %dma_start3A_48 = tpu.memref_squeeze %dma_start3A_47 : memref<1x10240x128xf32, #tpu.memory_space<hbm>> -> memref<10240x128xf32, #tpu.memory_space<hbm>>
        tpu.enqueue_dma source(%arg12 : memref<10240x128xf32, #tpu.memory_space<vmem_shared>>) target(%dma_start3A_48 : memref<10240x128xf32, #tpu.memory_space<hbm>>) target_semaphore(%run_scoped3A : memref<!tpu.dma_semaphore, #tpu.memory_space<semaphore_mem>>)
        %dma_wait3A = arith.constant 0 : i32
        %dma_wait3A_49 = arith.constant 0 : i32
        %dma_wait3A_50 = tpu.memref_slice %arg6[%arg0, %dma_wait3A, %dma_wait3A_49] : memref<2x10240x128xf32, #tpu.memory_space<hbm>> -> memref<1x10240x128xf32, #tpu.memory_space<hbm>>
        %dma_wait3A_51 = tpu.memref_squeeze %dma_wait3A_50 : memref<1x10240x128xf32, #tpu.memory_space<hbm>> -> memref<10240x128xf32, #tpu.memory_space<hbm>>
        tpu.wait_dma2 semaphore(%run_scoped3A : memref<!tpu.dma_semaphore, #tpu.memory_space<semaphore_mem>>) src(%arg12 : memref<10240x128xf32, #tpu.memory_space<vmem_shared>>) dst(%dma_wait3A_51 : memref<10240x128xf32, #tpu.memory_space<hbm>>)
        tpu.yield
      }) : () -> ()
    } else {
    }
    return
  }
}

#map = affine_map<(d0, d1) -> (0, 0)>
#map1 = affine_map<(d0, d1) -> (0)>
#map2 = affine_map<(d0, d1) -> (0, 0, 0)>
module attributes {stable_mosaic.version = 14 : i64} {
  func.func @agg(%arg0: i32, %arg1: i32, %arg2: memref<10240x128xf32, #tpu.memory_space<hbm>>, %arg3: memref<320000xi32, #tpu.memory_space<hbm>>, %arg4: memref<2500x128xi32, #tpu.memory_space<hbm>>, %arg5: memref<512xi32, #tpu.memory_space<hbm>>, %arg6: memref<2x10240x128xf32, #tpu.memory_space<hbm>>, %arg7: memref<1024xi32, #tpu.memory_space<vmem>>, %arg8: memref<8x128xi32, #tpu.memory_space<vmem>>, %arg9: memref<128xi32, #tpu.memory_space<vmem>>, %arg10: memref<128x128xf32, #tpu.memory_space<vmem>>, %arg11: memref<128x128xf32, #tpu.memory_space<vmem>>, %arg12: memref<10240x128xf32, #tpu.memory_space<vmem_shared>>, %arg13: memref<!tpu.dma_semaphore, #tpu.memory_space<semaphore_mem>>, %arg14: memref<!tpu.dma_semaphore, #tpu.memory_space<semaphore_mem>>, %arg15: memref<!tpu.dma_semaphore, #tpu.memory_space<semaphore_mem>>, %arg16: memref<!tpu.dma_semaphore, #tpu.memory_space<semaphore_mem>>) attributes {dimension_semantics = [#tpu.dimension_semantics<core_parallel>, #tpu.dimension_semantics<subcore_parallel>], iteration_bounds = array<i64: 2, 16>, scalar_prefetch = 0 : i64, scratch_operands = 10 : i64, tpu.core_type = #tpu.core_type<sc_vector_subcore>, window_params = [{transform_indices = #map}, {transform_indices = #map1}, {transform_indices = #map}, {transform_indices = #map1}, {transform_indices = #map2}]} {
    %mul3A = arith.constant 16 : i32
    %mul3A_0 = arith.muli %arg0, %mul3A : i32
    %add3A = arith.addi %mul3A_0, %arg1 : i32
    %mul3A_1 = arith.constant 9 : i32
    %mul3A_2 = arith.muli %add3A, %mul3A_1 : i32
    %min3A = arith.constant 24 : i32
    %min3A_3 = arith.minsi %add3A, %min3A : i32
    %add3A_4 = arith.addi %mul3A_2, %min3A_3 : i32
    %broadcast_in_dim3A = arith.constant 0.000000e+00 : f32
    %broadcast_in_dim3A_5 = vector.broadcast %broadcast_in_dim3A : f32 to vector<16xf32>
    %scan3A = arith.constant 0 : i32
    %scan3A_6 = arith.constant 128 : i32
    %scan3A_7 = arith.addi %scan3A, %scan3A_6 : i32
    %scan3A_8 = arith.constant 1 : i32
    scf.for %scan3A_46 = %scan3A to %scan3A_7 step %scan3A_8  : i32 {
      %mul3A_47 = arith.constant 1 : i32
      %mul3A_48 = arith.muli %scan3A_46, %mul3A_47 : i32
      %add3A_49 = arith.constant 0 : i32
      %add3A_50 = arith.addi %add3A_49, %mul3A_48 : i32
      %swap3A = arith.index_cast %add3A_50 : i32 to index
      %swap3A_51 = arith.constant 0 : index
      %swap3A_52 = tpu.vector_load %arg10[%swap3A, %swap3A_51] {strides = array<i32>} : memref<128x128xf32, #tpu.memory_space<vmem>>, vector<1x16xf32>,
      %swap3A_53 = vector.shape_cast %swap3A_52 : vector<1x16xf32> to vector<16xf32>
      %swap3A_54 = vector.shape_cast %broadcast_in_dim3A_5 : vector<16xf32> to vector<1x16xf32>
      tpu.vector_store %arg10[%swap3A, %swap3A_51], %swap3A_54 {strides = array<i32>} : memref<128x128xf32, #tpu.memory_space<vmem>>, vector<1x16xf32>,
      %swap3A_55 = arith.index_cast %add3A_50 : i32 to index
      %swap3A_56 = arith.constant 16 : index
      %swap3A_57 = tpu.vector_load %arg10[%swap3A_55, %swap3A_56] {strides = array<i32>} : memref<128x128xf32, #tpu.memory_space<vmem>>, vector<1x16xf32>,
      %swap3A_58 = vector.shape_cast %swap3A_57 : vector<1x16xf32> to vector<16xf32>
      %swap3A_59 = vector.shape_cast %broadcast_in_dim3A_5 : vector<16xf32> to vector<1x16xf32>
      tpu.vector_store %arg10[%swap3A_55, %swap3A_56], %swap3A_59 {strides = array<i32>} : memref<128x128xf32, #tpu.memory_space<vmem>>, vector<1x16xf32>,
      %swap3A_60 = arith.index_cast %add3A_50 : i32 to index
      %swap3A_61 = arith.constant 32 : index
      %swap3A_62 = tpu.vector_load %arg10[%swap3A_60, %swap3A_61] {strides = array<i32>} : memref<128x128xf32, #tpu.memory_space<vmem>>, vector<1x16xf32>,
      %swap3A_63 = vector.shape_cast %swap3A_62 : vector<1x16xf32> to vector<16xf32>
      %swap3A_64 = vector.shape_cast %broadcast_in_dim3A_5 : vector<16xf32> to vector<1x16xf32>
      tpu.vector_store %arg10[%swap3A_60, %swap3A_61], %swap3A_64 {strides = array<i32>} : memref<128x128xf32, #tpu.memory_space<vmem>>, vector<1x16xf32>,
      %swap3A_65 = arith.index_cast %add3A_50 : i32 to index
      %swap3A_66 = arith.constant 48 : index
      %swap3A_67 = tpu.vector_load %arg10[%swap3A_65, %swap3A_66] {strides = array<i32>} : memref<128x128xf32, #tpu.memory_space<vmem>>, vector<1x16xf32>,
      %swap3A_68 = vector.shape_cast %swap3A_67 : vector<1x16xf32> to vector<16xf32>
      %swap3A_69 = vector.shape_cast %broadcast_in_dim3A_5 : vector<16xf32> to vector<1x16xf32>
      tpu.vector_store %arg10[%swap3A_65, %swap3A_66], %swap3A_69 {strides = array<i32>} : memref<128x128xf32, #tpu.memory_space<vmem>>, vector<1x16xf32>,
      %swap3A_70 = arith.index_cast %add3A_50 : i32 to index
      %swap3A_71 = arith.constant 64 : index
      %swap3A_72 = tpu.vector_load %arg10[%swap3A_70, %swap3A_71] {strides = array<i32>} : memref<128x128xf32, #tpu.memory_space<vmem>>, vector<1x16xf32>,
      %swap3A_73 = vector.shape_cast %swap3A_72 : vector<1x16xf32> to vector<16xf32>
      %swap3A_74 = vector.shape_cast %broadcast_in_dim3A_5 : vector<16xf32> to vector<1x16xf32>
      tpu.vector_store %arg10[%swap3A_70, %swap3A_71], %swap3A_74 {strides = array<i32>} : memref<128x128xf32, #tpu.memory_space<vmem>>, vector<1x16xf32>,
      %swap3A_75 = arith.index_cast %add3A_50 : i32 to index
      %swap3A_76 = arith.constant 80 : index
      %swap3A_77 = tpu.vector_load %arg10[%swap3A_75, %swap3A_76] {strides = array<i32>} : memref<128x128xf32, #tpu.memory_space<vmem>>, vector<1x16xf32>,
      %swap3A_78 = vector.shape_cast %swap3A_77 : vector<1x16xf32> to vector<16xf32>
      %swap3A_79 = vector.shape_cast %broadcast_in_dim3A_5 : vector<16xf32> to vector<1x16xf32>
      tpu.vector_store %arg10[%swap3A_75, %swap3A_76], %swap3A_79 {strides = array<i32>} : memref<128x128xf32, #tpu.memory_space<vmem>>, vector<1x16xf32>,
      %swap3A_80 = arith.index_cast %add3A_50 : i32 to index
      %swap3A_81 = arith.constant 96 : index
      %swap3A_82 = tpu.vector_load %arg10[%swap3A_80, %swap3A_81] {strides = array<i32>} : memref<128x128xf32, #tpu.memory_space<vmem>>, vector<1x16xf32>,
      %swap3A_83 = vector.shape_cast %swap3A_82 : vector<1x16xf32> to vector<16xf32>
      %swap3A_84 = vector.shape_cast %broadcast_in_dim3A_5 : vector<16xf32> to vector<1x16xf32>
      tpu.vector_store %arg10[%swap3A_80, %swap3A_81], %swap3A_84 {strides = array<i32>} : memref<128x128xf32, #tpu.memory_space<vmem>>, vector<1x16xf32>,
      %swap3A_85 = arith.index_cast %add3A_50 : i32 to index
      %swap3A_86 = arith.constant 112 : index
      %swap3A_87 = tpu.vector_load %arg10[%swap3A_85, %swap3A_86] {strides = array<i32>} : memref<128x128xf32, #tpu.memory_space<vmem>>, vector<1x16xf32>,
      %swap3A_88 = vector.shape_cast %swap3A_87 : vector<1x16xf32> to vector<16xf32>
      %swap3A_89 = vector.shape_cast %broadcast_in_dim3A_5 : vector<16xf32> to vector<1x16xf32>
      tpu.vector_store %arg10[%swap3A_85, %swap3A_86], %swap3A_89 {strides = array<i32>} : memref<128x128xf32, #tpu.memory_space<vmem>>, vector<1x16xf32>,
    }
    %scan3A_9 = arith.constant 128 : i32
    %mul3A_10 = arith.constant 640 : i32
    %mul3A_11 = arith.muli %arg1, %mul3A_10 : i32
    %add3A_12 = arith.constant 0 : i32
    %add3A_13 = arith.addi %mul3A_11, %add3A_12 : i32
    "tpu.region"() ({
      %run_scoped3A = tpu.sem_alloc : memref<!tpu.dma_semaphore, #tpu.memory_space<semaphore_mem>>
      %dma_start3A = arith.constant 0 : i32
      %dma_start3A_46 = tpu.memref_slice %arg12[%add3A_13, %dma_start3A] : memref<10240x128xf32, #tpu.memory_space<vmem_shared>> -> memref<128x128xf32, #tpu.memory_space<vmem_shared>>
      %dma_start3A_47 = arith.constant 0 : i32
      %dma_start3A_48 = tpu.memref_slice %arg12[%add3A_13, %dma_start3A_47] : memref<10240x128xf32, #tpu.memory_space<vmem_shared>> -> memref<128x128xf32, #tpu.memory_space<vmem_shared>>
      tpu.enqueue_dma source(%arg10 : memref<128x128xf32, #tpu.memory_space<vmem>>) target(%dma_start3A_48 : memref<128x128xf32, #tpu.memory_space<vmem_shared>>) target_semaphore(%run_scoped3A : memref<!tpu.dma_semaphore, #tpu.memory_space<semaphore_mem>>)
      %dma_wait3A = arith.constant 0 : i32
      %dma_wait3A_49 = tpu.memref_slice %arg12[%add3A_13, %dma_wait3A] : memref<10240x128xf32, #tpu.memory_space<vmem_shared>> -> memref<128x128xf32, #tpu.memory_space<vmem_shared>>
      %dma_wait3A_50 = arith.constant 0 : i32
      %dma_wait3A_51 = tpu.memref_slice %arg12[%add3A_13, %dma_wait3A_50] : memref<10240x128xf32, #tpu.memory_space<vmem_shared>> -> memref<128x128xf32, #tpu.memory_space<vmem_shared>>
      tpu.wait_dma2 semaphore(%run_scoped3A : memref<!tpu.dma_semaphore, #tpu.memory_space<semaphore_mem>>) src(%arg10 : memref<128x128xf32, #tpu.memory_space<vmem>>) dst(%dma_wait3A_51 : memref<128x128xf32, #tpu.memory_space<vmem_shared>>)
      tpu.yield
    }) : () -> ()
    %mul3A_14 = arith.constant 640 : i32
    %mul3A_15 = arith.muli %arg1, %mul3A_14 : i32
    %add3A_16 = arith.constant 128 : i32
    %add3A_17 = arith.addi %mul3A_15, %add3A_16 : i32
    "tpu.region"() ({
      %run_scoped3A = tpu.sem_alloc : memref<!tpu.dma_semaphore, #tpu.memory_space<semaphore_mem>>
      %dma_start3A = arith.constant 0 : i32
      %dma_start3A_46 = tpu.memref_slice %arg12[%add3A_17, %dma_start3A] : memref<10240x128xf32, #tpu.memory_space<vmem_shared>> -> memref<128x128xf32, #tpu.memory_space<vmem_shared>>
      %dma_start3A_47 = arith.constant 0 : i32
      %dma_start3A_48 = tpu.memref_slice %arg12[%add3A_17, %dma_start3A_47] : memref<10240x128xf32, #tpu.memory_space<vmem_shared>> -> memref<128x128xf32, #tpu.memory_space<vmem_shared>>
      tpu.enqueue_dma source(%arg10 : memref<128x128xf32, #tpu.memory_space<vmem>>) target(%dma_start3A_48 : memref<128x128xf32, #tpu.memory_space<vmem_shared>>) target_semaphore(%run_scoped3A : memref<!tpu.dma_semaphore, #tpu.memory_space<semaphore_mem>>)
      %dma_wait3A = arith.constant 0 : i32
      %dma_wait3A_49 = tpu.memref_slice %arg12[%add3A_17, %dma_wait3A] : memref<10240x128xf32, #tpu.memory_space<vmem_shared>> -> memref<128x128xf32, #tpu.memory_space<vmem_shared>>
      %dma_wait3A_50 = arith.constant 0 : i32
      %dma_wait3A_51 = tpu.memref_slice %arg12[%add3A_17, %dma_wait3A_50] : memref<10240x128xf32, #tpu.memory_space<vmem_shared>> -> memref<128x128xf32, #tpu.memory_space<vmem_shared>>
      tpu.wait_dma2 semaphore(%run_scoped3A : memref<!tpu.dma_semaphore, #tpu.memory_space<semaphore_mem>>) src(%arg10 : memref<128x128xf32, #tpu.memory_space<vmem>>) dst(%dma_wait3A_51 : memref<128x128xf32, #tpu.memory_space<vmem_shared>>)
      tpu.yield
    }) : () -> ()
    %mul3A_18 = arith.constant 640 : i32
    %mul3A_19 = arith.muli %arg1, %mul3A_18 : i32
    %add3A_20 = arith.constant 256 : i32
    %add3A_21 = arith.addi %mul3A_19, %add3A_20 : i32
    "tpu.region"() ({
      %run_scoped3A = tpu.sem_alloc : memref<!tpu.dma_semaphore, #tpu.memory_space<semaphore_mem>>
      %dma_start3A = arith.constant 0 : i32
      %dma_start3A_46 = tpu.memref_slice %arg12[%add3A_21, %dma_start3A] : memref<10240x128xf32, #tpu.memory_space<vmem_shared>> -> memref<128x128xf32, #tpu.memory_space<vmem_shared>>
      %dma_start3A_47 = arith.constant 0 : i32
      %dma_start3A_48 = tpu.memref_slice %arg12[%add3A_21, %dma_start3A_47] : memref<10240x128xf32, #tpu.memory_space<vmem_shared>> -> memref<128x128xf32, #tpu.memory_space<vmem_shared>>
      tpu.enqueue_dma source(%arg10 : memref<128x128xf32, #tpu.memory_space<vmem>>) target(%dma_start3A_48 : memref<128x128xf32, #tpu.memory_space<vmem_shared>>) target_semaphore(%run_scoped3A : memref<!tpu.dma_semaphore, #tpu.memory_space<semaphore_mem>>)
      %dma_wait3A = arith.constant 0 : i32
      %dma_wait3A_49 = tpu.memref_slice %arg12[%add3A_21, %dma_wait3A] : memref<10240x128xf32, #tpu.memory_space<vmem_shared>> -> memref<128x128xf32, #tpu.memory_space<vmem_shared>>
      %dma_wait3A_50 = arith.constant 0 : i32
      %dma_wait3A_51 = tpu.memref_slice %arg12[%add3A_21, %dma_wait3A_50] : memref<10240x128xf32, #tpu.memory_space<vmem_shared>> -> memref<128x128xf32, #tpu.memory_space<vmem_shared>>
      tpu.wait_dma2 semaphore(%run_scoped3A : memref<!tpu.dma_semaphore, #tpu.memory_space<semaphore_mem>>) src(%arg10 : memref<128x128xf32, #tpu.memory_space<vmem>>) dst(%dma_wait3A_51 : memref<128x128xf32, #tpu.memory_space<vmem_shared>>)
      tpu.yield
    }) : () -> ()
    %mul3A_22 = arith.constant 640 : i32
    %mul3A_23 = arith.muli %arg1, %mul3A_22 : i32
    %add3A_24 = arith.constant 384 : i32
    %add3A_25 = arith.addi %mul3A_23, %add3A_24 : i32
    "tpu.region"() ({
      %run_scoped3A = tpu.sem_alloc : memref<!tpu.dma_semaphore, #tpu.memory_space<semaphore_mem>>
      %dma_start3A = arith.constant 0 : i32
      %dma_start3A_46 = tpu.memref_slice %arg12[%add3A_25, %dma_start3A] : memref<10240x128xf32, #tpu.memory_space<vmem_shared>> -> memref<128x128xf32, #tpu.memory_space<vmem_shared>>
      %dma_start3A_47 = arith.constant 0 : i32
      %dma_start3A_48 = tpu.memref_slice %arg12[%add3A_25, %dma_start3A_47] : memref<10240x128xf32, #tpu.memory_space<vmem_shared>> -> memref<128x128xf32, #tpu.memory_space<vmem_shared>>
      tpu.enqueue_dma source(%arg10 : memref<128x128xf32, #tpu.memory_space<vmem>>) target(%dma_start3A_48 : memref<128x128xf32, #tpu.memory_space<vmem_shared>>) target_semaphore(%run_scoped3A : memref<!tpu.dma_semaphore, #tpu.memory_space<semaphore_mem>>)
      %dma_wait3A = arith.constant 0 : i32
      %dma_wait3A_49 = tpu.memref_slice %arg12[%add3A_25, %dma_wait3A] : memref<10240x128xf32, #tpu.memory_space<vmem_shared>> -> memref<128x128xf32, #tpu.memory_space<vmem_shared>>
      %dma_wait3A_50 = arith.constant 0 : i32
      %dma_wait3A_51 = tpu.memref_slice %arg12[%add3A_25, %dma_wait3A_50] : memref<10240x128xf32, #tpu.memory_space<vmem_shared>> -> memref<128x128xf32, #tpu.memory_space<vmem_shared>>
      tpu.wait_dma2 semaphore(%run_scoped3A : memref<!tpu.dma_semaphore, #tpu.memory_space<semaphore_mem>>) src(%arg10 : memref<128x128xf32, #tpu.memory_space<vmem>>) dst(%dma_wait3A_51 : memref<128x128xf32, #tpu.memory_space<vmem_shared>>)
      tpu.yield
    }) : () -> ()
    %mul3A_26 = arith.constant 640 : i32
    %mul3A_27 = arith.muli %arg1, %mul3A_26 : i32
    %add3A_28 = arith.constant 512 : i32
    %add3A_29 = arith.addi %mul3A_27, %add3A_28 : i32
    "tpu.region"() ({
      %run_scoped3A = tpu.sem_alloc : memref<!tpu.dma_semaphore, #tpu.memory_space<semaphore_mem>>
      %dma_start3A = arith.constant 0 : i32
      %dma_start3A_46 = tpu.memref_slice %arg12[%add3A_29, %dma_start3A] : memref<10240x128xf32, #tpu.memory_space<vmem_shared>> -> memref<128x128xf32, #tpu.memory_space<vmem_shared>>
      %dma_start3A_47 = arith.constant 0 : i32
      %dma_start3A_48 = tpu.memref_slice %arg12[%add3A_29, %dma_start3A_47] : memref<10240x128xf32, #tpu.memory_space<vmem_shared>> -> memref<128x128xf32, #tpu.memory_space<vmem_shared>>
      tpu.enqueue_dma source(%arg10 : memref<128x128xf32, #tpu.memory_space<vmem>>) target(%dma_start3A_48 : memref<128x128xf32, #tpu.memory_space<vmem_shared>>) target_semaphore(%run_scoped3A : memref<!tpu.dma_semaphore, #tpu.memory_space<semaphore_mem>>)
      %dma_wait3A = arith.constant 0 : i32
      %dma_wait3A_49 = tpu.memref_slice %arg12[%add3A_29, %dma_wait3A] : memref<10240x128xf32, #tpu.memory_space<vmem_shared>> -> memref<128x128xf32, #tpu.memory_space<vmem_shared>>
      %dma_wait3A_50 = arith.constant 0 : i32
      %dma_wait3A_51 = tpu.memref_slice %arg12[%add3A_29, %dma_wait3A_50] : memref<10240x128xf32, #tpu.memory_space<vmem_shared>> -> memref<128x128xf32, #tpu.memory_space<vmem_shared>>
      tpu.wait_dma2 semaphore(%run_scoped3A : memref<!tpu.dma_semaphore, #tpu.memory_space<semaphore_mem>>) src(%arg10 : memref<128x128xf32, #tpu.memory_space<vmem>>) dst(%dma_wait3A_51 : memref<128x128xf32, #tpu.memory_space<vmem_shared>>)
      tpu.yield
    }) : () -> ()
    %barrier3A = arith.constant 0 : index
    tpu.barrier barrier_id(%barrier3A)
    %scan3A_30 = arith.constant 0 : i32
    %scan3A_31 = arith.constant 9 : i32
    %scan3A_32 = arith.addi %scan3A_30, %scan3A_31 : i32
    %scan3A_33 = arith.constant 1 : i32
    scf.for %scan3A_46 = %scan3A_30 to %scan3A_32 step %scan3A_33  : i32 {
      %mul3A_47 = arith.constant 1 : i32
      %mul3A_48 = arith.muli %scan3A_46, %mul3A_47 : i32
      %add3A_49 = arith.constant 0 : i32
      %add3A_50 = arith.addi %add3A_49, %mul3A_48 : i32
      %add3A_51 = arith.addi %add3A_4, %add3A_50 : i32
      %mul3A_52 = arith.constant 8 : i32
      %mul3A_53 = arith.muli %add3A_51, %mul3A_52 : i32
      %mul3A_54 = arith.constant 128 : i32
      %mul3A_55 = arith.muli %mul3A_53, %mul3A_54 : i32
      "tpu.region"() ({
        %run_scoped3A = tpu.sem_alloc : memref<!tpu.dma_semaphore, #tpu.memory_space<semaphore_mem>>
        %dma_start3A = tpu.memref_slice %arg3[%mul3A_55] : memref<320000xi32, #tpu.memory_space<hbm>> -> memref<1024xi32, #tpu.memory_space<hbm>>
        %dma_start3A_61 = tpu.memref_slice %arg3[%mul3A_55] : memref<320000xi32, #tpu.memory_space<hbm>> -> memref<1024xi32, #tpu.memory_space<hbm>>
        tpu.enqueue_dma source(%dma_start3A_61 : memref<1024xi32, #tpu.memory_space<hbm>>) target(%arg7 : memref<1024xi32, #tpu.memory_space<vmem>>) target_semaphore(%run_scoped3A : memref<!tpu.dma_semaphore, #tpu.memory_space<semaphore_mem>>)
        %dma_wait3A = tpu.memref_slice %arg3[%mul3A_55] : memref<320000xi32, #tpu.memory_space<hbm>> -> memref<1024xi32, #tpu.memory_space<hbm>>
        %dma_wait3A_62 = tpu.memref_slice %arg3[%mul3A_55] : memref<320000xi32, #tpu.memory_space<hbm>> -> memref<1024xi32, #tpu.memory_space<hbm>>
        tpu.wait_dma2 semaphore(%run_scoped3A : memref<!tpu.dma_semaphore, #tpu.memory_space<semaphore_mem>>) src(%dma_wait3A_62 : memref<1024xi32, #tpu.memory_space<hbm>>) dst(%arg7 : memref<1024xi32, #tpu.memory_space<vmem>>)
        tpu.yield
      }) : () -> ()
      "tpu.region"() ({
        %run_scoped3A = tpu.sem_alloc : memref<!tpu.dma_semaphore, #tpu.memory_space<semaphore_mem>>
        %dma_start3A = arith.constant 0 : i32
        %dma_start3A_61 = tpu.memref_slice %arg4[%mul3A_53, %dma_start3A] : memref<2500x128xi32, #tpu.memory_space<hbm>> -> memref<8x128xi32, #tpu.memory_space<hbm>>
        %dma_start3A_62 = arith.constant 0 : i32
        %dma_start3A_63 = tpu.memref_slice %arg4[%mul3A_53, %dma_start3A_62] : memref<2500x128xi32, #tpu.memory_space<hbm>> -> memref<8x128xi32, #tpu.memory_space<hbm>>
        tpu.enqueue_dma source(%dma_start3A_63 : memref<8x128xi32, #tpu.memory_space<hbm>>) target(%arg8 : memref<8x128xi32, #tpu.memory_space<vmem>>) target_semaphore(%run_scoped3A : memref<!tpu.dma_semaphore, #tpu.memory_space<semaphore_mem>>)
        %dma_wait3A = arith.constant 0 : i32
        %dma_wait3A_64 = tpu.memref_slice %arg4[%mul3A_53, %dma_wait3A] : memref<2500x128xi32, #tpu.memory_space<hbm>> -> memref<8x128xi32, #tpu.memory_space<hbm>>
        %dma_wait3A_65 = arith.constant 0 : i32
        %dma_wait3A_66 = tpu.memref_slice %arg4[%mul3A_53, %dma_wait3A_65] : memref<2500x128xi32, #tpu.memory_space<hbm>> -> memref<8x128xi32, #tpu.memory_space<hbm>>
        tpu.wait_dma2 semaphore(%run_scoped3A : memref<!tpu.dma_semaphore, #tpu.memory_space<semaphore_mem>>) src(%dma_wait3A_66 : memref<8x128xi32, #tpu.memory_space<hbm>>) dst(%arg8 : memref<8x128xi32, #tpu.memory_space<vmem>>)
        tpu.yield
      }) : () -> ()
      %scan3A_56 = arith.constant 0 : i32
      %scan3A_57 = arith.constant 4 : i32
      %scan3A_58 = arith.addi %scan3A_56, %scan3A_57 : i32
      %scan3A_59 = arith.constant 1 : i32
      scf.for %scan3A_61 = %scan3A_56 to %scan3A_58 step %scan3A_59  : i32 {
        %mul3A_62 = arith.constant 1 : i32
        %mul3A_63 = arith.muli %scan3A_61, %mul3A_62 : i32
        %add3A_64 = arith.constant 0 : i32
        %add3A_65 = arith.addi %add3A_64, %mul3A_63 : i32
        %mul3A_66 = arith.constant 2 : i32
        %mul3A_67 = arith.muli %mul3A_66, %add3A_65 : i32
        %mul3A_68 = arith.constant 128 : i32
        %mul3A_69 = arith.muli %mul3A_67, %mul3A_68 : i32
        %dma_start3A = tpu.memref_slice %arg7[%mul3A_69] : memref<1024xi32, #tpu.memory_space<vmem>> -> memref<128xi32, #tpu.memory_space<vmem>>
        %dma_start3A_70 = arith.constant 0 : i32
        %dma_start3A_71 = arith.constant 0 : i32
        %dma_start3A_72 = tpu.memref_slice %arg2[%dma_start3A_70, %dma_start3A_71] : memref<10240x128xf32, #tpu.memory_space<hbm>> -> memref<10240x128xf32, #tpu.memory_space<hbm>>
        tpu.enqueue_indirect_dma source(%dma_start3A_72 : memref<10240x128xf32, #tpu.memory_space<hbm>>) target(%arg10 : memref<128x128xf32, #tpu.memory_space<vmem>>) offsets(%dma_start3A : memref<128xi32, #tpu.memory_space<vmem>>) semaphore(%arg13 : memref<!tpu.dma_semaphore, #tpu.memory_space<semaphore_mem>>)
        %add3A_73 = arith.constant 128 : i32
        %add3A_74 = arith.addi %mul3A_69, %add3A_73 : i32
        %dma_start3A_75 = tpu.memref_slice %arg7[%add3A_74] : memref<1024xi32, #tpu.memory_space<vmem>> -> memref<128xi32, #tpu.memory_space<vmem>>
        %dma_start3A_76 = arith.constant 0 : i32
        %dma_start3A_77 = arith.constant 0 : i32
        %dma_start3A_78 = tpu.memref_slice %arg2[%dma_start3A_76, %dma_start3A_77] : memref<10240x128xf32, #tpu.memory_space<hbm>> -> memref<10240x128xf32, #tpu.memory_space<hbm>>
        tpu.enqueue_indirect_dma source(%dma_start3A_78 : memref<10240x128xf32, #tpu.memory_space<hbm>>) target(%arg11 : memref<128x128xf32, #tpu.memory_space<vmem>>) offsets(%dma_start3A_75 : memref<128xi32, #tpu.memory_space<vmem>>) semaphore(%arg14 : memref<!tpu.dma_semaphore, #tpu.memory_space<semaphore_mem>>)
        %dma_wait3A = tpu.memref_slice %arg7[%mul3A_69] : memref<1024xi32, #tpu.memory_space<vmem>> -> memref<128xi32, #tpu.memory_space<vmem>>
        %dma_wait3A_79 = arith.constant 0 : i32
        %dma_wait3A_80 = arith.constant 0 : i32
        %dma_wait3A_81 = tpu.memref_slice %arg2[%dma_wait3A_79, %dma_wait3A_80] : memref<10240x128xf32, #tpu.memory_space<hbm>> -> memref<10240x128xf32, #tpu.memory_space<hbm>>
        tpu.wait_indirect_dma semaphore(%arg13 : memref<!tpu.dma_semaphore, #tpu.memory_space<semaphore_mem>>) src(%dma_wait3A_81 : memref<10240x128xf32, #tpu.memory_space<hbm>>) dst(%arg10 : memref<128x128xf32, #tpu.memory_space<vmem>>)
        %mul3A_82 = arith.constant 2 : i32
        %mul3A_83 = arith.muli %mul3A_82, %add3A_65 : i32
        %dma_start3A_84 = arith.constant 0 : i32
        %dma_start3A_85 = tpu.memref_slice %arg8[%mul3A_83, %dma_start3A_84] : memref<8x128xi32, #tpu.memory_space<vmem>> -> memref<1x128xi32, #tpu.memory_space<vmem>>
        %dma_start3A_86 = tpu.memref_squeeze %dma_start3A_85 : memref<1x128xi32, #tpu.memory_space<vmem>> -> memref<128xi32, #tpu.memory_space<vmem>>
        %dma_start3A_87 = arith.constant 0 : i32
        %dma_start3A_88 = arith.constant 0 : i32
        %dma_start3A_89 = tpu.memref_slice %arg12[%dma_start3A_87, %dma_start3A_88] : memref<10240x128xf32, #tpu.memory_space<vmem_shared>> -> memref<10240x128xf32, #tpu.memory_space<vmem_shared>>
        tpu.enqueue_indirect_dma source(%arg10 : memref<128x128xf32, #tpu.memory_space<vmem>>) target(%dma_start3A_89 : memref<10240x128xf32, #tpu.memory_space<vmem_shared>>) offsets(%dma_start3A_86 : memref<128xi32, #tpu.memory_space<vmem>>) semaphore(%arg15 : memref<!tpu.dma_semaphore, #tpu.memory_space<semaphore_mem>>) {add = true}
        %dma_wait3A_90 = tpu.memref_slice %arg7[%add3A_74] : memref<1024xi32, #tpu.memory_space<vmem>> -> memref<128xi32, #tpu.memory_space<vmem>>
        %dma_wait3A_91 = arith.constant 0 : i32
        %dma_wait3A_92 = arith.constant 0 : i32
        %dma_wait3A_93 = tpu.memref_slice %arg2[%dma_wait3A_91, %dma_wait3A_92] : memref<10240x128xf32, #tpu.memory_space<hbm>> -> memref<10240x128xf32, #tpu.memory_space<hbm>>
        tpu.wait_indirect_dma semaphore(%arg14 : memref<!tpu.dma_semaphore, #tpu.memory_space<semaphore_mem>>) src(%dma_wait3A_93 : memref<10240x128xf32, #tpu.memory_space<hbm>>) dst(%arg11 : memref<128x128xf32, #tpu.memory_space<vmem>>)
        %mul3A_94 = arith.constant 2 : i32
        %mul3A_95 = arith.muli %mul3A_94, %add3A_65 : i32
        %add3A_96 = arith.constant 1 : i32
        %add3A_97 = arith.addi %mul3A_95, %add3A_96 : i32
        %dma_start3A_98 = arith.constant 0 : i32
        %dma_start3A_99 = tpu.memref_slice %arg8[%add3A_97, %dma_start3A_98] : memref<8x128xi32, #tpu.memory_space<vmem>> -> memref<1x128xi32, #tpu.memory_space<vmem>>
        %dma_start3A_100 = tpu.memref_squeeze %dma_start3A_99 : memref<1x128xi32, #tpu.memory_space<vmem>> -> memref<128xi32, #tpu.memory_space<vmem>>
        %dma_start3A_101 = arith.constant 0 : i32
        %dma_start3A_102 = arith.constant 0 : i32
        %dma_start3A_103 = tpu.memref_slice %arg12[%dma_start3A_101, %dma_start3A_102] : memref<10240x128xf32, #tpu.memory_space<vmem_shared>> -> memref<10240x128xf32, #tpu.memory_space<vmem_shared>>
        tpu.enqueue_indirect_dma source(%arg11 : memref<128x128xf32, #tpu.memory_space<vmem>>) target(%dma_start3A_103 : memref<10240x128xf32, #tpu.memory_space<vmem_shared>>) offsets(%dma_start3A_100 : memref<128xi32, #tpu.memory_space<vmem>>) semaphore(%arg16 : memref<!tpu.dma_semaphore, #tpu.memory_space<semaphore_mem>>) {add = true}
        %dma_wait3A_104 = arith.constant 0 : i32
        %dma_wait3A_105 = tpu.memref_slice %arg8[%mul3A_83, %dma_wait3A_104] : memref<8x128xi32, #tpu.memory_space<vmem>> -> memref<1x128xi32, #tpu.memory_space<vmem>>
        %dma_wait3A_106 = tpu.memref_squeeze %dma_wait3A_105 : memref<1x128xi32, #tpu.memory_space<vmem>> -> memref<128xi32, #tpu.memory_space<vmem>>
        %dma_wait3A_107 = arith.constant 0 : i32
        %dma_wait3A_108 = arith.constant 0 : i32
        %dma_wait3A_109 = tpu.memref_slice %arg12[%dma_wait3A_107, %dma_wait3A_108] : memref<10240x128xf32, #tpu.memory_space<vmem_shared>> -> memref<10240x128xf32, #tpu.memory_space<vmem_shared>>
        tpu.wait_indirect_dma semaphore(%arg15 : memref<!tpu.dma_semaphore, #tpu.memory_space<semaphore_mem>>) src(%arg10 : memref<128x128xf32, #tpu.memory_space<vmem>>) dst(%dma_wait3A_109 : memref<10240x128xf32, #tpu.memory_space<vmem_shared>>)
        %dma_wait3A_110 = arith.constant 0 : i32
        %dma_wait3A_111 = tpu.memref_slice %arg8[%add3A_97, %dma_wait3A_110] : memref<8x128xi32, #tpu.memory_space<vmem>> -> memref<1x128xi32, #tpu.memory_space<vmem>>
        %dma_wait3A_112 = tpu.memref_squeeze %dma_wait3A_111 : memref<1x128xi32, #tpu.memory_space<vmem>> -> memref<128xi32, #tpu.memory_space<vmem>>
        %dma_wait3A_113 = arith.constant 0 : i32
        %dma_wait3A_114 = arith.constant 0 : i32
        %dma_wait3A_115 = tpu.memref_slice %arg12[%dma_wait3A_113, %dma_wait3A_114] : memref<10240x128xf32, #tpu.memory_space<vmem_shared>> -> memref<10240x128xf32, #tpu.memory_space<vmem_shared>>
        tpu.wait_indirect_dma semaphore(%arg16 : memref<!tpu.dma_semaphore, #tpu.memory_space<semaphore_mem>>) src(%arg11 : memref<128x128xf32, #tpu.memory_space<vmem>>) dst(%dma_wait3A_115 : memref<10240x128xf32, #tpu.memory_space<vmem_shared>>)
      }
      %scan3A_60 = arith.constant 4 : i32
    }
    %scan3A_34 = arith.constant 9 : i32
    %lt3A = arith.constant 24 : i32
    %lt3A_35 = arith.cmpi slt, %add3A, %lt3A : i32
    %convert_element_type3A = arith.extui %lt3A_35 : i1 to i32
    %cond3A = arith.constant 0 : i32
    %cond3A_36 = arith.cmpi ne, %convert_element_type3A, %cond3A : i32
    scf.if %cond3A_36 {
      %add3A_46 = arith.constant 9 : i32
      %add3A_47 = arith.addi %add3A_4, %add3A_46 : i32
      %mul3A_48 = arith.constant 8 : i32
      %mul3A_49 = arith.muli %add3A_47, %mul3A_48 : i32
      %mul3A_50 = arith.constant 128 : i32
      %mul3A_51 = arith.muli %mul3A_49, %mul3A_50 : i32
      "tpu.region"() ({
        %run_scoped3A = tpu.sem_alloc : memref<!tpu.dma_semaphore, #tpu.memory_space<semaphore_mem>>
        %dma_start3A = tpu.memref_slice %arg3[%mul3A_51] : memref<320000xi32, #tpu.memory_space<hbm>> -> memref<1024xi32, #tpu.memory_space<hbm>>
        %dma_start3A_57 = tpu.memref_slice %arg3[%mul3A_51] : memref<320000xi32, #tpu.memory_space<hbm>> -> memref<1024xi32, #tpu.memory_space<hbm>>
        tpu.enqueue_dma source(%dma_start3A_57 : memref<1024xi32, #tpu.memory_space<hbm>>) target(%arg7 : memref<1024xi32, #tpu.memory_space<vmem>>) target_semaphore(%run_scoped3A : memref<!tpu.dma_semaphore, #tpu.memory_space<semaphore_mem>>)
        %dma_wait3A = tpu.memref_slice %arg3[%mul3A_51] : memref<320000xi32, #tpu.memory_space<hbm>> -> memref<1024xi32, #tpu.memory_space<hbm>>
        %dma_wait3A_58 = tpu.memref_slice %arg3[%mul3A_51] : memref<320000xi32, #tpu.memory_space<hbm>> -> memref<1024xi32, #tpu.memory_space<hbm>>
        tpu.wait_dma2 semaphore(%run_scoped3A : memref<!tpu.dma_semaphore, #tpu.memory_space<semaphore_mem>>) src(%dma_wait3A_58 : memref<1024xi32, #tpu.memory_space<hbm>>) dst(%arg7 : memref<1024xi32, #tpu.memory_space<vmem>>)
        tpu.yield
      }) : () -> ()
      "tpu.region"() ({
        %run_scoped3A = tpu.sem_alloc : memref<!tpu.dma_semaphore, #tpu.memory_space<semaphore_mem>>
        %dma_start3A = arith.constant 0 : i32
        %dma_start3A_57 = tpu.memref_slice %arg4[%mul3A_49, %dma_start3A] : memref<2500x128xi32, #tpu.memory_space<hbm>> -> memref<8x128xi32, #tpu.memory_space<hbm>>
        %dma_start3A_58 = arith.constant 0 : i32
        %dma_start3A_59 = tpu.memref_slice %arg4[%mul3A_49, %dma_start3A_58] : memref<2500x128xi32, #tpu.memory_space<hbm>> -> memref<8x128xi32, #tpu.memory_space<hbm>>
        tpu.enqueue_dma source(%dma_start3A_59 : memref<8x128xi32, #tpu.memory_space<hbm>>) target(%arg8 : memref<8x128xi32, #tpu.memory_space<vmem>>) target_semaphore(%run_scoped3A : memref<!tpu.dma_semaphore, #tpu.memory_space<semaphore_mem>>)
        %dma_wait3A = arith.constant 0 : i32
        %dma_wait3A_60 = tpu.memref_slice %arg4[%mul3A_49, %dma_wait3A] : memref<2500x128xi32, #tpu.memory_space<hbm>> -> memref<8x128xi32, #tpu.memory_space<hbm>>
        %dma_wait3A_61 = arith.constant 0 : i32
        %dma_wait3A_62 = tpu.memref_slice %arg4[%mul3A_49, %dma_wait3A_61] : memref<2500x128xi32, #tpu.memory_space<hbm>> -> memref<8x128xi32, #tpu.memory_space<hbm>>
        tpu.wait_dma2 semaphore(%run_scoped3A : memref<!tpu.dma_semaphore, #tpu.memory_space<semaphore_mem>>) src(%dma_wait3A_62 : memref<8x128xi32, #tpu.memory_space<hbm>>) dst(%arg8 : memref<8x128xi32, #tpu.memory_space<vmem>>)
        tpu.yield
      }) : () -> ()
      %scan3A_52 = arith.constant 0 : i32
      %scan3A_53 = arith.constant 4 : i32
      %scan3A_54 = arith.addi %scan3A_52, %scan3A_53 : i32
      %scan3A_55 = arith.constant 1 : i32
      scf.for %scan3A_57 = %scan3A_52 to %scan3A_54 step %scan3A_55  : i32 {
        %mul3A_58 = arith.constant 1 : i32
        %mul3A_59 = arith.muli %scan3A_57, %mul3A_58 : i32
        %add3A_60 = arith.constant 0 : i32
        %add3A_61 = arith.addi %add3A_60, %mul3A_59 : i32
        %mul3A_62 = arith.constant 2 : i32
        %mul3A_63 = arith.muli %mul3A_62, %add3A_61 : i32
        %mul3A_64 = arith.constant 128 : i32
        %mul3A_65 = arith.muli %mul3A_63, %mul3A_64 : i32
        %dma_start3A = tpu.memref_slice %arg7[%mul3A_65] : memref<1024xi32, #tpu.memory_space<vmem>> -> memref<128xi32, #tpu.memory_space<vmem>>
        %dma_start3A_66 = arith.constant 0 : i32
        %dma_start3A_67 = arith.constant 0 : i32
        %dma_start3A_68 = tpu.memref_slice %arg2[%dma_start3A_66, %dma_start3A_67] : memref<10240x128xf32, #tpu.memory_space<hbm>> -> memref<10240x128xf32, #tpu.memory_space<hbm>>
        tpu.enqueue_indirect_dma source(%dma_start3A_68 : memref<10240x128xf32, #tpu.memory_space<hbm>>) target(%arg10 : memref<128x128xf32, #tpu.memory_space<vmem>>) offsets(%dma_start3A : memref<128xi32, #tpu.memory_space<vmem>>) semaphore(%arg13 : memref<!tpu.dma_semaphore, #tpu.memory_space<semaphore_mem>>)
        %add3A_69 = arith.constant 128 : i32
        %add3A_70 = arith.addi %mul3A_65, %add3A_69 : i32
        %dma_start3A_71 = tpu.memref_slice %arg7[%add3A_70] : memref<1024xi32, #tpu.memory_space<vmem>> -> memref<128xi32, #tpu.memory_space<vmem>>
        %dma_start3A_72 = arith.constant 0 : i32
        %dma_start3A_73 = arith.constant 0 : i32
        %dma_start3A_74 = tpu.memref_slice %arg2[%dma_start3A_72, %dma_start3A_73] : memref<10240x128xf32, #tpu.memory_space<hbm>> -> memref<10240x128xf32, #tpu.memory_space<hbm>>
        tpu.enqueue_indirect_dma source(%dma_start3A_74 : memref<10240x128xf32, #tpu.memory_space<hbm>>) target(%arg11 : memref<128x128xf32, #tpu.memory_space<vmem>>) offsets(%dma_start3A_71 : memref<128xi32, #tpu.memory_space<vmem>>) semaphore(%arg14 : memref<!tpu.dma_semaphore, #tpu.memory_space<semaphore_mem>>)
        %dma_wait3A = tpu.memref_slice %arg7[%mul3A_65] : memref<1024xi32, #tpu.memory_space<vmem>> -> memref<128xi32, #tpu.memory_space<vmem>>
        %dma_wait3A_75 = arith.constant 0 : i32
        %dma_wait3A_76 = arith.constant 0 : i32
        %dma_wait3A_77 = tpu.memref_slice %arg2[%dma_wait3A_75, %dma_wait3A_76] : memref<10240x128xf32, #tpu.memory_space<hbm>> -> memref<10240x128xf32, #tpu.memory_space<hbm>>
        tpu.wait_indirect_dma semaphore(%arg13 : memref<!tpu.dma_semaphore, #tpu.memory_space<semaphore_mem>>) src(%dma_wait3A_77 : memref<10240x128xf32, #tpu.memory_space<hbm>>) dst(%arg10 : memref<128x128xf32, #tpu.memory_space<vmem>>)
        %mul3A_78 = arith.constant 2 : i32
        %mul3A_79 = arith.muli %mul3A_78, %add3A_61 : i32
        %dma_start3A_80 = arith.constant 0 : i32
        %dma_start3A_81 = tpu.memref_slice %arg8[%mul3A_79, %dma_start3A_80] : memref<8x128xi32, #tpu.memory_space<vmem>> -> memref<1x128xi32, #tpu.memory_space<vmem>>
        %dma_start3A_82 = tpu.memref_squeeze %dma_start3A_81 : memref<1x128xi32, #tpu.memory_space<vmem>> -> memref<128xi32, #tpu.memory_space<vmem>>
        %dma_start3A_83 = arith.constant 0 : i32
        %dma_start3A_84 = arith.constant 0 : i32
        %dma_start3A_85 = tpu.memref_slice %arg12[%dma_start3A_83, %dma_start3A_84] : memref<10240x128xf32, #tpu.memory_space<vmem_shared>> -> memref<10240x128xf32, #tpu.memory_space<vmem_shared>>
        tpu.enqueue_indirect_dma source(%arg10 : memref<128x128xf32, #tpu.memory_space<vmem>>) target(%dma_start3A_85 : memref<10240x128xf32, #tpu.memory_space<vmem_shared>>) offsets(%dma_start3A_82 : memref<128xi32, #tpu.memory_space<vmem>>) semaphore(%arg15 : memref<!tpu.dma_semaphore, #tpu.memory_space<semaphore_mem>>) {add = true}
        %dma_wait3A_86 = tpu.memref_slice %arg7[%add3A_70] : memref<1024xi32, #tpu.memory_space<vmem>> -> memref<128xi32, #tpu.memory_space<vmem>>
        %dma_wait3A_87 = arith.constant 0 : i32
        %dma_wait3A_88 = arith.constant 0 : i32
        %dma_wait3A_89 = tpu.memref_slice %arg2[%dma_wait3A_87, %dma_wait3A_88] : memref<10240x128xf32, #tpu.memory_space<hbm>> -> memref<10240x128xf32, #tpu.memory_space<hbm>>
        tpu.wait_indirect_dma semaphore(%arg14 : memref<!tpu.dma_semaphore, #tpu.memory_space<semaphore_mem>>) src(%dma_wait3A_89 : memref<10240x128xf32, #tpu.memory_space<hbm>>) dst(%arg11 : memref<128x128xf32, #tpu.memory_space<vmem>>)
        %mul3A_90 = arith.constant 2 : i32
        %mul3A_91 = arith.muli %mul3A_90, %add3A_61 : i32
        %add3A_92 = arith.constant 1 : i32
        %add3A_93 = arith.addi %mul3A_91, %add3A_92 : i32
        %dma_start3A_94 = arith.constant 0 : i32
        %dma_start3A_95 = tpu.memref_slice %arg8[%add3A_93, %dma_start3A_94] : memref<8x128xi32, #tpu.memory_space<vmem>> -> memref<1x128xi32, #tpu.memory_space<vmem>>
        %dma_start3A_96 = tpu.memref_squeeze %dma_start3A_95 : memref<1x128xi32, #tpu.memory_space<vmem>> -> memref<128xi32, #tpu.memory_space<vmem>>
        %dma_start3A_97 = arith.constant 0 : i32
        %dma_start3A_98 = arith.constant 0 : i32
        %dma_start3A_99 = tpu.memref_slice %arg12[%dma_start3A_97, %dma_start3A_98] : memref<10240x128xf32, #tpu.memory_space<vmem_shared>> -> memref<10240x128xf32, #tpu.memory_space<vmem_shared>>
        tpu.enqueue_indirect_dma source(%arg11 : memref<128x128xf32, #tpu.memory_space<vmem>>) target(%dma_start3A_99 : memref<10240x128xf32, #tpu.memory_space<vmem_shared>>) offsets(%dma_start3A_96 : memref<128xi32, #tpu.memory_space<vmem>>) semaphore(%arg16 : memref<!tpu.dma_semaphore, #tpu.memory_space<semaphore_mem>>) {add = true}
        %dma_wait3A_100 = arith.constant 0 : i32
        %dma_wait3A_101 = tpu.memref_slice %arg8[%mul3A_79, %dma_wait3A_100] : memref<8x128xi32, #tpu.memory_space<vmem>> -> memref<1x128xi32, #tpu.memory_space<vmem>>
        %dma_wait3A_102 = tpu.memref_squeeze %dma_wait3A_101 : memref<1x128xi32, #tpu.memory_space<vmem>> -> memref<128xi32, #tpu.memory_space<vmem>>
        %dma_wait3A_103 = arith.constant 0 : i32
        %dma_wait3A_104 = arith.constant 0 : i32
        %dma_wait3A_105 = tpu.memref_slice %arg12[%dma_wait3A_103, %dma_wait3A_104] : memref<10240x128xf32, #tpu.memory_space<vmem_shared>> -> memref<10240x128xf32, #tpu.memory_space<vmem_shared>>
        tpu.wait_indirect_dma semaphore(%arg15 : memref<!tpu.dma_semaphore, #tpu.memory_space<semaphore_mem>>) src(%arg10 : memref<128x128xf32, #tpu.memory_space<vmem>>) dst(%dma_wait3A_105 : memref<10240x128xf32, #tpu.memory_space<vmem_shared>>)
        %dma_wait3A_106 = arith.constant 0 : i32
        %dma_wait3A_107 = tpu.memref_slice %arg8[%add3A_93, %dma_wait3A_106] : memref<8x128xi32, #tpu.memory_space<vmem>> -> memref<1x128xi32, #tpu.memory_space<vmem>>
        %dma_wait3A_108 = tpu.memref_squeeze %dma_wait3A_107 : memref<1x128xi32, #tpu.memory_space<vmem>> -> memref<128xi32, #tpu.memory_space<vmem>>
        %dma_wait3A_109 = arith.constant 0 : i32
        %dma_wait3A_110 = arith.constant 0 : i32
        %dma_wait3A_111 = tpu.memref_slice %arg12[%dma_wait3A_109, %dma_wait3A_110] : memref<10240x128xf32, #tpu.memory_space<vmem_shared>> -> memref<10240x128xf32, #tpu.memory_space<vmem_shared>>
        tpu.wait_indirect_dma semaphore(%arg16 : memref<!tpu.dma_semaphore, #tpu.memory_space<semaphore_mem>>) src(%arg11 : memref<128x128xf32, #tpu.memory_space<vmem>>) dst(%dma_wait3A_111 : memref<10240x128xf32, #tpu.memory_space<vmem_shared>>)
      }
      %scan3A_56 = arith.constant 4 : i32
    } else {
    }
    %ge3A = arith.constant 28 : i32
    %ge3A_37 = arith.cmpi sge, %add3A, %ge3A : i32
    %convert_element_type3A_38 = arith.extui %ge3A_37 : i1 to i32
    %cond3A_39 = arith.constant 0 : i32
    %cond3A_40 = arith.cmpi ne, %convert_element_type3A_38, %cond3A_39 : i32
    scf.if %cond3A_40 {
      %add3A_46 = arith.constant 2496 : i32
      %add3A_47 = arith.addi %add3A_46, %add3A : i32
      %sub3A = arith.constant 28 : i32
      %sub3A_48 = arith.subi %add3A_47, %sub3A : i32
      %sub3A_49 = arith.constant 28 : i32
      %sub3A_50 = arith.subi %add3A, %sub3A_49 : i32
      %mul3A_51 = arith.constant 128 : i32
      %mul3A_52 = arith.muli %sub3A_50, %mul3A_51 : i32
      %mul3A_53 = arith.constant 128 : i32
      %mul3A_54 = arith.muli %sub3A_48, %mul3A_53 : i32
      "tpu.region"() ({
        %run_scoped3A = tpu.sem_alloc : memref<!tpu.dma_semaphore, #tpu.memory_space<semaphore_mem>>
        %dma_start3A_63 = arith.constant 0 : i32
        %dma_start3A_64 = tpu.memref_slice %arg7[%dma_start3A_63] : memref<1024xi32, #tpu.memory_space<vmem>> -> memref<128xi32, #tpu.memory_space<vmem>>
        %dma_start3A_65 = tpu.memref_slice %arg3[%mul3A_54] : memref<320000xi32, #tpu.memory_space<hbm>> -> memref<128xi32, #tpu.memory_space<hbm>>
        %dma_start3A_66 = arith.constant 0 : i32
        %dma_start3A_67 = tpu.memref_slice %arg7[%dma_start3A_66] : memref<1024xi32, #tpu.memory_space<vmem>> -> memref<128xi32, #tpu.memory_space<vmem>>
        %dma_start3A_68 = tpu.memref_slice %arg3[%mul3A_54] : memref<320000xi32, #tpu.memory_space<hbm>> -> memref<128xi32, #tpu.memory_space<hbm>>
        tpu.enqueue_dma source(%dma_start3A_68 : memref<128xi32, #tpu.memory_space<hbm>>) target(%dma_start3A_67 : memref<128xi32, #tpu.memory_space<vmem>>) target_semaphore(%run_scoped3A : memref<!tpu.dma_semaphore, #tpu.memory_space<semaphore_mem>>)
        %dma_wait3A_69 = arith.constant 0 : i32
        %dma_wait3A_70 = tpu.memref_slice %arg7[%dma_wait3A_69] : memref<1024xi32, #tpu.memory_space<vmem>> -> memref<128xi32, #tpu.memory_space<vmem>>
        %dma_wait3A_71 = tpu.memref_slice %arg3[%mul3A_54] : memref<320000xi32, #tpu.memory_space<hbm>> -> memref<128xi32, #tpu.memory_space<hbm>>
        %dma_wait3A_72 = arith.constant 0 : i32
        %dma_wait3A_73 = tpu.memref_slice %arg7[%dma_wait3A_72] : memref<1024xi32, #tpu.memory_space<vmem>> -> memref<128xi32, #tpu.memory_space<vmem>>
        %dma_wait3A_74 = tpu.memref_slice %arg3[%mul3A_54] : memref<320000xi32, #tpu.memory_space<hbm>> -> memref<128xi32, #tpu.memory_space<hbm>>
        tpu.wait_dma2 semaphore(%run_scoped3A : memref<!tpu.dma_semaphore, #tpu.memory_space<semaphore_mem>>) src(%dma_wait3A_74 : memref<128xi32, #tpu.memory_space<hbm>>) dst(%dma_wait3A_73 : memref<128xi32, #tpu.memory_space<vmem>>)
        tpu.yield
      }) : () -> ()
      "tpu.region"() ({
        %run_scoped3A = tpu.sem_alloc : memref<!tpu.dma_semaphore, #tpu.memory_space<semaphore_mem>>
        %dma_start3A_63 = tpu.memref_slice %arg5[%mul3A_52] : memref<512xi32, #tpu.memory_space<hbm>> -> memref<128xi32, #tpu.memory_space<hbm>>
        %dma_start3A_64 = tpu.memref_slice %arg5[%mul3A_52] : memref<512xi32, #tpu.memory_space<hbm>> -> memref<128xi32, #tpu.memory_space<hbm>>
        tpu.enqueue_dma source(%dma_start3A_64 : memref<128xi32, #tpu.memory_space<hbm>>) target(%arg9 : memref<128xi32, #tpu.memory_space<vmem>>) target_semaphore(%run_scoped3A : memref<!tpu.dma_semaphore, #tpu.memory_space<semaphore_mem>>)
        %dma_wait3A_65 = tpu.memref_slice %arg5[%mul3A_52] : memref<512xi32, #tpu.memory_space<hbm>> -> memref<128xi32, #tpu.memory_space<hbm>>
        %dma_wait3A_66 = tpu.memref_slice %arg5[%mul3A_52] : memref<512xi32, #tpu.memory_space<hbm>> -> memref<128xi32, #tpu.memory_space<hbm>>
        tpu.wait_dma2 semaphore(%run_scoped3A : memref<!tpu.dma_semaphore, #tpu.memory_space<semaphore_mem>>) src(%dma_wait3A_66 : memref<128xi32, #tpu.memory_space<hbm>>) dst(%arg9 : memref<128xi32, #tpu.memory_space<vmem>>)
        tpu.yield
      }) : () -> ()
      %dma_start3A = arith.constant 0 : i32
      %dma_start3A_55 = tpu.memref_slice %arg7[%dma_start3A] : memref<1024xi32, #tpu.memory_space<vmem>> -> memref<128xi32, #tpu.memory_space<vmem>>
      %dma_start3A_56 = arith.constant 0 : i32
      %dma_start3A_57 = arith.constant 0 : i32
      %dma_start3A_58 = tpu.memref_slice %arg2[%dma_start3A_56, %dma_start3A_57] : memref<10240x128xf32, #tpu.memory_space<hbm>> -> memref<10240x128xf32, #tpu.memory_space<hbm>>
      tpu.enqueue_indirect_dma source(%dma_start3A_58 : memref<10240x128xf32, #tpu.memory_space<hbm>>) target(%arg10 : memref<128x128xf32, #tpu.memory_space<vmem>>) offsets(%dma_start3A_55 : memref<128xi32, #tpu.memory_space<vmem>>) semaphore(%arg13 : memref<!tpu.dma_semaphore, #tpu.memory_space<semaphore_mem>>)
      %dma_wait3A = arith.constant 0 : i32
      %dma_wait3A_59 = tpu.memref_slice %arg7[%dma_wait3A] : memref<1024xi32, #tpu.memory_space<vmem>> -> memref<128xi32, #tpu.memory_space<vmem>>
      %dma_wait3A_60 = arith.constant 0 : i32
      %dma_wait3A_61 = arith.constant 0 : i32
      %dma_wait3A_62 = tpu.memref_slice %arg2[%dma_wait3A_60, %dma_wait3A_61] : memref<10240x128xf32, #tpu.memory_space<hbm>> -> memref<10240x128xf32, #tpu.memory_space<hbm>>
      tpu.wait_indirect_dma semaphore(%arg13 : memref<!tpu.dma_semaphore, #tpu.memory_space<semaphore_mem>>) src(%dma_wait3A_62 : memref<10240x128xf32, #tpu.memory_space<hbm>>) dst(%arg10 : memref<128x128xf32, #tpu.memory_space<vmem>>)
      "tpu.region"() ({
        %run_scoped3A = tpu.sem_alloc : memref<!tpu.dma_semaphore, #tpu.memory_space<semaphore_mem>>
        %dma_start3A_63 = arith.constant 0 : i32
        %dma_start3A_64 = arith.constant 0 : i32
        %dma_start3A_65 = tpu.memref_slice %arg12[%dma_start3A_63, %dma_start3A_64] : memref<10240x128xf32, #tpu.memory_space<vmem_shared>> -> memref<10240x128xf32, #tpu.memory_space<vmem_shared>>
        tpu.enqueue_indirect_dma source(%arg10 : memref<128x128xf32, #tpu.memory_space<vmem>>) target(%dma_start3A_65 : memref<10240x128xf32, #tpu.memory_space<vmem_shared>>) offsets(%arg9 : memref<128xi32, #tpu.memory_space<vmem>>) semaphore(%run_scoped3A : memref<!tpu.dma_semaphore, #tpu.memory_space<semaphore_mem>>) {add = true}
        %dma_wait3A_66 = arith.constant 0 : i32
        %dma_wait3A_67 = arith.constant 0 : i32
        %dma_wait3A_68 = tpu.memref_slice %arg12[%dma_wait3A_66, %dma_wait3A_67] : memref<10240x128xf32, #tpu.memory_space<vmem_shared>> -> memref<10240x128xf32, #tpu.memory_space<vmem_shared>>
        tpu.wait_indirect_dma semaphore(%run_scoped3A : memref<!tpu.dma_semaphore, #tpu.memory_space<semaphore_mem>>) src(%arg10 : memref<128x128xf32, #tpu.memory_space<vmem>>) dst(%dma_wait3A_68 : memref<10240x128xf32, #tpu.memory_space<vmem_shared>>)
        tpu.yield
      }) : () -> ()
    } else {
    }
    %barrier3A_41 = arith.constant 0 : index
    tpu.barrier barrier_id(%barrier3A_41)
    %eq3A = arith.constant 0 : i32
    %eq3A_42 = arith.cmpi eq, %arg1, %eq3A : i32
    %convert_element_type3A_43 = arith.extui %eq3A_42 : i1 to i32
    %cond3A_44 = arith.constant 0 : i32
    %cond3A_45 = arith.cmpi ne, %convert_element_type3A_43, %cond3A_44 : i32
    scf.if %cond3A_45 {
      "tpu.region"() ({
        %run_scoped3A = tpu.sem_alloc : memref<!tpu.dma_semaphore, #tpu.memory_space<semaphore_mem>>
        %dma_start3A = arith.constant 0 : i32
        %dma_start3A_46 = arith.constant 0 : i32
        %dma_start3A_47 = tpu.memref_slice %arg6[%arg0, %dma_start3A, %dma_start3A_46] : memref<2x10240x128xf32, #tpu.memory_space<hbm>> -> memref<1x10240x128xf32, #tpu.memory_space<hbm>>
        %dma_start3A_48 = tpu.memref_squeeze %dma_start3A_47 : memref<1x10240x128xf32, #tpu.memory_space<hbm>> -> memref<10240x128xf32, #tpu.memory_space<hbm>>
        tpu.enqueue_dma source(%arg12 : memref<10240x128xf32, #tpu.memory_space<vmem_shared>>) target(%dma_start3A_48 : memref<10240x128xf32, #tpu.memory_space<hbm>>) target_semaphore(%run_scoped3A : memref<!tpu.dma_semaphore, #tpu.memory_space<semaphore_mem>>)
        %dma_wait3A = arith.constant 0 : i32
        %dma_wait3A_49 = arith.constant 0 : i32
        %dma_wait3A_50 = tpu.memref_slice %arg6[%arg0, %dma_wait3A, %dma_wait3A_49] : memref<2x10240x128xf32, #tpu.memory_space<hbm>> -> memref<1x10240x128xf32, #tpu.memory_space<hbm>>
        %dma_wait3A_51 = tpu.memref_squeeze %dma_wait3A_50 : memref<1x10240x128xf32, #tpu.memory_space<hbm>> -> memref<10240x128xf32, #tpu.memory_space<hbm>>
        tpu.wait_dma2 semaphore(%run_scoped3A : memref<!tpu.dma_semaphore, #tpu.memory_space<semaphore_mem>>) src(%arg12 : memref<10240x128xf32, #tpu.memory_space<vmem_shared>>) dst(%dma_wait3A_51 : memref<10240x128xf32, #tpu.memory_space<hbm>>)
        tpu.yield
      }) : () -> ()
    } else {
    }
    return
  }
}

module attributes {stable_mosaic.version = 14 : i64} {
  func.func @_mm1_body(%arg0: i32, %arg1: memref<1000x128xf32, #tpu.memory_space<vmem>>, %arg2: memref<128x128xf32, #tpu.memory_space<vmem>>, %arg3: memref<2x1000x128xf32, #tpu.memory_space<vmem>>, %arg4: memref<1000x128xf32, #tpu.memory_space<vmem>>) attributes {dimension_semantics = [#tpu.dimension_semantics<arbitrary>], iteration_bounds = array<i64: 10>, scalar_prefetch = 0 : i64, scratch_operands = 0 : i64, tpu.core_type = #tpu.core_type<tc>, window_params = [{transform_indices = @transform_0, window_bounds = array<i64: 1000, 128>}, {pipeline_mode = #tpu.pipeline_mode<synchronous>, transform_indices = @transform_1, window_bounds = array<i64: 128, 128>}, {transform_indices = @transform_2, window_bounds = array<i64: 2, 1000, 128>}, {transform_indices = @transform_3, window_bounds = array<i64: 1000, 128>}]} {
    %get3A = arith.constant 0 : index
    %get3A_0 = arith.constant 0 : index
    %get3A_1 = arith.constant 0 : index
    %get3A_2 = vector.load %arg3[%get3A, %get3A_0, %get3A_1] : memref<2x1000x128xf32, #tpu.memory_space<vmem>>, vector<1x1000x128xf32>
    %get3A_3 = vector.shape_cast %get3A_2 : vector<1x1000x128xf32> to vector<1000x128xf32>
    %get3A_4 = arith.constant 1 : index
    %get3A_5 = arith.constant 0 : index
    %get3A_6 = arith.constant 0 : index
    %get3A_7 = vector.load %arg3[%get3A_4, %get3A_5, %get3A_6] : memref<2x1000x128xf32, #tpu.memory_space<vmem>>, vector<1x1000x128xf32>
    %get3A_8 = vector.shape_cast %get3A_7 : vector<1x1000x128xf32> to vector<1000x128xf32>
    %add3A = arith.addf %get3A_3, %get3A_8 : vector<1000x128xf32>
    %slice3A = vector.extract_strided_slice %add3A {offsets = [0, 0], sizes = [1000, 1], strides = [1, 1]} : vector<1000x128xf32> to vector<1000x1xf32>
    %gt3A = arith.constant 0.000000e+00 : f32
    %gt3A_9 = vector.broadcast %gt3A : f32 to vector<1000x1xf32>
    %gt3A_10 = arith.cmpf ogt, %slice3A, %gt3A_9 : vector<1000x1xf32>
    %max3A = arith.constant 1.000000e+00 : f32
    %max3A_11 = vector.broadcast %max3A : f32 to vector<1000x1xf32>
    %max3A_12 = arith.maximumf %slice3A, %max3A_11 : vector<1000x1xf32>
    %rsqrt3A = math.rsqrt %max3A_12 : vector<1000x1xf32>
    %jit3A = arith.constant 0.000000e+00 : f32
    %broadcast_in_dim3A = vector.broadcast %jit3A : f32 to vector<1000x1xf32>
    %select_n3A = arith.select %gt3A_10, %rsqrt3A, %broadcast_in_dim3A : vector<1000x1xi1>, vector<1000x1xf32>
    %get3A_13 = arith.constant 0 : index
    %get3A_14 = arith.constant 0 : index
    %get3A_15 = vector.load %arg1[%get3A_13, %get3A_14] : memref<1000x128xf32, #tpu.memory_space<vmem>>, vector<1000x128xf32>
    %get3A_16 = arith.constant 0 : index
    %get3A_17 = arith.constant 0 : index
    %get3A_18 = vector.load %arg2[%get3A_16, %get3A_17] : memref<128x128xf32, #tpu.memory_space<vmem>>, vector<128x128xf32>
    %dot_general3A = arith.constant dense<0.000000e+00> : vector<1000x128xf32>
    %dot_general3A_19 = tpu.matmul %get3A_15, %get3A_18, %dot_general3A {dimension_numbers = #tpu.dot_dimension_numbers<[1], [0], [0], [1], [0, 0, 1, 1], [], []>, transpose_lhs_hint = false} : vector<1000x128xf32>, vector<128x128xf32>, vector<1000x128xf32> -> vector<1000x128xf32>
    %mul3A = vector.broadcast %select_n3A : vector<1000x1xf32> to vector<1000x128xf32>
    %mul3A_20 = arith.mulf %dot_general3A_19, %mul3A : vector<1000x128xf32>
    %swap3A = arith.constant 0 : index
    %swap3A_21 = arith.constant 0 : index
    %swap3A_22 = vector.load %arg4[%swap3A, %swap3A_21] : memref<1000x128xf32, #tpu.memory_space<vmem>>, vector<1000x128xf32>
    tpu.vector_store %arg4[%swap3A, %swap3A_21], %mul3A_20 {strides = array<i32>} : memref<1000x128xf32, #tpu.memory_space<vmem>>, vector<1000x128xf32>,
    return
  }
  func.func @transform_0(%arg0: i32) -> (i32, i32) {
    %c0_i32 = arith.constant 0 : i32
    %c0_i32_0 = arith.constant 0 : i32
    return %arg0, %c0_i32 : i32, i32
  }
  func.func @transform_1(%arg0: i32) -> (i32, i32) {
    %c0_i32 = arith.constant 0 : i32
    %c0_i32_0 = arith.constant 0 : i32
    %c0_i32_1 = arith.constant 0 : i32
    return %c0_i32, %c0_i32_0 : i32, i32
  }
  func.func @transform_2(%arg0: i32) -> (i32, i32, i32) {
    %c0_i32 = arith.constant 0 : i32
    %c0_i32_0 = arith.constant 0 : i32
    %c0_i32_1 = arith.constant 0 : i32
    return %c0_i32, %arg0, %c0_i32_0 : i32, i32, i32
  }
  func.func @transform_3(%arg0: i32) -> (i32, i32) {
    %c0_i32 = arith.constant 0 : i32
    %c0_i32_0 = arith.constant 0 : i32
    return %arg0, %c0_i32 : i32, i32
  }
}

module attributes {stable_mosaic.version = 14 : i64} {
  func.func @_mm2_body(%arg0: i32, %arg1: memref<2x1024x128xf32, #tpu.memory_space<vmem>>, %arg2: memref<2x1024x128xf32, #tpu.memory_space<vmem>>, %arg3: memref<128x128xf32, #tpu.memory_space<vmem>>, %arg4: memref<1024x128xf32, #tpu.memory_space<vmem>>) attributes {dimension_semantics = [#tpu.dimension_semantics<arbitrary>], iteration_bounds = array<i64: 10>, scalar_prefetch = 0 : i64, scratch_operands = 0 : i64, tpu.core_type = #tpu.core_type<tc>, window_params = [{transform_indices = @transform_0, window_bounds = array<i64: 2, 1024, 128>}, {transform_indices = @transform_1, window_bounds = array<i64: 2, 1024, 128>}, {pipeline_mode = #tpu.pipeline_mode<synchronous>, transform_indices = @transform_2, window_bounds = array<i64: 128, 128>}, {transform_indices = @transform_3, window_bounds = array<i64: 1024, 128>}]} {
    %get3A = arith.constant 0 : index
    %get3A_0 = arith.constant 0 : index
    %get3A_1 = arith.constant 0 : index
    %get3A_2 = vector.load %arg2[%get3A, %get3A_0, %get3A_1] : memref<2x1024x128xf32, #tpu.memory_space<vmem>>, vector<1x1024x128xf32>
    %get3A_3 = vector.shape_cast %get3A_2 : vector<1x1024x128xf32> to vector<1024x128xf32>
    %get3A_4 = arith.constant 1 : index
    %get3A_5 = arith.constant 0 : index
    %get3A_6 = arith.constant 0 : index
    %get3A_7 = vector.load %arg2[%get3A_4, %get3A_5, %get3A_6] : memref<2x1024x128xf32, #tpu.memory_space<vmem>>, vector<1x1024x128xf32>
    %get3A_8 = vector.shape_cast %get3A_7 : vector<1x1024x128xf32> to vector<1024x128xf32>
    %add3A = arith.addf %get3A_3, %get3A_8 : vector<1024x128xf32>
    %slice3A = vector.extract_strided_slice %add3A {offsets = [0, 0], sizes = [1024, 1], strides = [1, 1]} : vector<1024x128xf32> to vector<1024x1xf32>
    %gt3A = arith.constant 0.000000e+00 : f32
    %gt3A_9 = vector.broadcast %gt3A : f32 to vector<1024x1xf32>
    %gt3A_10 = arith.cmpf ogt, %slice3A, %gt3A_9 : vector<1024x1xf32>
    %max3A = arith.constant 1.000000e+00 : f32
    %max3A_11 = vector.broadcast %max3A : f32 to vector<1024x1xf32>
    %max3A_12 = arith.maximumf %slice3A, %max3A_11 : vector<1024x1xf32>
    %rsqrt3A = math.rsqrt %max3A_12 : vector<1024x1xf32>
    %jit3A = arith.constant 0.000000e+00 : f32
    %broadcast_in_dim3A = vector.broadcast %jit3A : f32 to vector<1024x1xf32>
    %select_n3A = arith.select %gt3A_10, %rsqrt3A, %broadcast_in_dim3A : vector<1024x1xi1>, vector<1024x1xf32>
    %slice3A_13 = vector.extract_strided_slice %add3A {offsets = [0, 1], sizes = [1024, 1], strides = [1, 1]} : vector<1024x128xf32> to vector<1024x1xf32>
    %gt3A_14 = arith.constant 0.000000e+00 : f32
    %gt3A_15 = vector.broadcast %gt3A_14 : f32 to vector<1024x1xf32>
    %gt3A_16 = arith.cmpf ogt, %slice3A_13, %gt3A_15 : vector<1024x1xf32>
    %max3A_17 = arith.constant 1.000000e+00 : f32
    %max3A_18 = vector.broadcast %max3A_17 : f32 to vector<1024x1xf32>
    %max3A_19 = arith.maximumf %slice3A_13, %max3A_18 : vector<1024x1xf32>
    %rsqrt3A_20 = math.rsqrt %max3A_19 : vector<1024x1xf32>
    %jit3A_21 = arith.constant 0.000000e+00 : f32
    %broadcast_in_dim3A_22 = vector.broadcast %jit3A_21 : f32 to vector<1024x1xf32>
    %select_n3A_23 = arith.select %gt3A_16, %rsqrt3A_20, %broadcast_in_dim3A_22 : vector<1024x1xi1>, vector<1024x1xf32>
    %get3A_24 = arith.constant 0 : index
    %get3A_25 = arith.constant 0 : index
    %get3A_26 = arith.constant 0 : index
    %get3A_27 = vector.load %arg1[%get3A_24, %get3A_25, %get3A_26] : memref<2x1024x128xf32, #tpu.memory_space<vmem>>, vector<1x1024x128xf32>
    %get3A_28 = vector.shape_cast %get3A_27 : vector<1x1024x128xf32> to vector<1024x128xf32>
    %get3A_29 = arith.constant 1 : index
    %get3A_30 = arith.constant 0 : index
    %get3A_31 = arith.constant 0 : index
    %get3A_32 = vector.load %arg1[%get3A_29, %get3A_30, %get3A_31] : memref<2x1024x128xf32, #tpu.memory_space<vmem>>, vector<1x1024x128xf32>
    %get3A_33 = vector.shape_cast %get3A_32 : vector<1x1024x128xf32> to vector<1024x128xf32>
    %add3A_34 = arith.addf %get3A_28, %get3A_33 : vector<1024x128xf32>
    %mul3A = vector.broadcast %select_n3A_23 : vector<1024x1xf32> to vector<1024x128xf32>
    %mul3A_35 = arith.mulf %add3A_34, %mul3A : vector<1024x128xf32>
    %max3A_36 = arith.constant 0.000000e+00 : f32
    %max3A_37 = vector.broadcast %max3A_36 : f32 to vector<1024x128xf32>
    %max3A_38 = arith.maximumf %mul3A_35, %max3A_37 : vector<1024x128xf32>
    %get3A_39 = arith.constant 0 : index
    %get3A_40 = arith.constant 0 : index
    %get3A_41 = vector.load %arg3[%get3A_39, %get3A_40] : memref<128x128xf32, #tpu.memory_space<vmem>>, vector<128x128xf32>
    %dot_general3A = arith.constant dense<0.000000e+00> : vector<1024x128xf32>
    %dot_general3A_42 = tpu.matmul %max3A_38, %get3A_41, %dot_general3A {dimension_numbers = #tpu.dot_dimension_numbers<[1], [0], [0], [1], [0, 0, 1, 1], [], []>, transpose_lhs_hint = false} : vector<1024x128xf32>, vector<128x128xf32>, vector<1024x128xf32> -> vector<1024x128xf32>
    %mul3A_43 = vector.broadcast %select_n3A : vector<1024x1xf32> to vector<1024x128xf32>
    %mul3A_44 = arith.mulf %dot_general3A_42, %mul3A_43 : vector<1024x128xf32>
    %swap3A = arith.constant 0 : index
    %swap3A_45 = arith.constant 0 : index
    %swap3A_46 = vector.load %arg4[%swap3A, %swap3A_45] : memref<1024x128xf32, #tpu.memory_space<vmem>>, vector<1024x128xf32>
    tpu.vector_store %arg4[%swap3A, %swap3A_45], %mul3A_44 {strides = array<i32>} : memref<1024x128xf32, #tpu.memory_space<vmem>>, vector<1024x128xf32>,
    return
  }
  func.func @transform_0(%arg0: i32) -> (i32, i32, i32) {
    %c0_i32 = arith.constant 0 : i32
    %c0_i32_0 = arith.constant 0 : i32
    %c0_i32_1 = arith.constant 0 : i32
    return %c0_i32, %arg0, %c0_i32_0 : i32, i32, i32
  }
  func.func @transform_1(%arg0: i32) -> (i32, i32, i32) {
    %c0_i32 = arith.constant 0 : i32
    %c0_i32_0 = arith.constant 0 : i32
    %c0_i32_1 = arith.constant 0 : i32
    return %c0_i32, %arg0, %c0_i32_0 : i32, i32, i32
  }
  func.func @transform_2(%arg0: i32) -> (i32, i32) {
    %c0_i32 = arith.constant 0 : i32
    %c0_i32_0 = arith.constant 0 : i32
    %c0_i32_1 = arith.constant 0 : i32
    return %c0_i32, %c0_i32_0 : i32, i32
  }
  func.func @transform_3(%arg0: i32) -> (i32, i32) {
    %c0_i32 = arith.constant 0 : i32
    %c0_i32_0 = arith.constant 0 : i32
    return %arg0, %c0_i32 : i32, i32
  }
}

module attributes {stable_mosaic.version = 14 : i64} {
  func.func @_fin_body(%arg0: i32, %arg1: memref<2x1024x128xf32, #tpu.memory_space<vmem>>, %arg2: memref<2x1024x128xf32, #tpu.memory_space<vmem>>, %arg3: memref<1024x64xf32, #tpu.memory_space<vmem>>) attributes {dimension_semantics = [#tpu.dimension_semantics<arbitrary>], iteration_bounds = array<i64: 10>, scalar_prefetch = 0 : i64, scratch_operands = 0 : i64, tpu.core_type = #tpu.core_type<tc>, window_params = [{transform_indices = @transform_0, window_bounds = array<i64: 2, 1024, 128>}, {transform_indices = @transform_1, window_bounds = array<i64: 2, 1024, 128>}, {transform_indices = @transform_2, window_bounds = array<i64: 1024, 64>}]} {
    %get3A = arith.constant 0 : index
    %get3A_0 = arith.constant 0 : index
    %get3A_1 = arith.constant 0 : index
    %get3A_2 = vector.load %arg2[%get3A, %get3A_0, %get3A_1] : memref<2x1024x128xf32, #tpu.memory_space<vmem>>, vector<1x1024x128xf32>
    %get3A_3 = vector.shape_cast %get3A_2 : vector<1x1024x128xf32> to vector<1024x128xf32>
    %get3A_4 = arith.constant 1 : index
    %get3A_5 = arith.constant 0 : index
    %get3A_6 = arith.constant 0 : index
    %get3A_7 = vector.load %arg2[%get3A_4, %get3A_5, %get3A_6] : memref<2x1024x128xf32, #tpu.memory_space<vmem>>, vector<1x1024x128xf32>
    %get3A_8 = vector.shape_cast %get3A_7 : vector<1x1024x128xf32> to vector<1024x128xf32>
    %add3A = arith.addf %get3A_3, %get3A_8 : vector<1024x128xf32>
    %slice3A = vector.extract_strided_slice %add3A {offsets = [0, 1], sizes = [1024, 1], strides = [1, 1]} : vector<1024x128xf32> to vector<1024x1xf32>
    %gt3A = arith.constant 0.000000e+00 : f32
    %gt3A_9 = vector.broadcast %gt3A : f32 to vector<1024x1xf32>
    %gt3A_10 = arith.cmpf ogt, %slice3A, %gt3A_9 : vector<1024x1xf32>
    %max3A = arith.constant 1.000000e+00 : f32
    %max3A_11 = vector.broadcast %max3A : f32 to vector<1024x1xf32>
    %max3A_12 = arith.maximumf %slice3A, %max3A_11 : vector<1024x1xf32>
    %rsqrt3A = math.rsqrt %max3A_12 : vector<1024x1xf32>
    %jit3A = arith.constant 0.000000e+00 : f32
    %broadcast_in_dim3A = vector.broadcast %jit3A : f32 to vector<1024x1xf32>
    %select_n3A = arith.select %gt3A_10, %rsqrt3A, %broadcast_in_dim3A : vector<1024x1xi1>, vector<1024x1xf32>
    %get3A_13 = arith.constant 0 : index
    %get3A_14 = arith.constant 0 : index
    %get3A_15 = arith.constant 0 : index
    %get3A_16 = vector.load %arg1[%get3A_13, %get3A_14, %get3A_15] : memref<2x1024x128xf32, #tpu.memory_space<vmem>>, vector<1x1024x64xf32>
    %get3A_17 = vector.shape_cast %get3A_16 : vector<1x1024x64xf32> to vector<1024x64xf32>
    %get3A_18 = arith.constant 1 : index
    %get3A_19 = arith.constant 0 : index
    %get3A_20 = arith.constant 0 : index
    %get3A_21 = vector.load %arg1[%get3A_18, %get3A_19, %get3A_20] : memref<2x1024x128xf32, #tpu.memory_space<vmem>>, vector<1x1024x64xf32>
    %get3A_22 = vector.shape_cast %get3A_21 : vector<1x1024x64xf32> to vector<1024x64xf32>
    %add3A_23 = arith.addf %get3A_17, %get3A_22 : vector<1024x64xf32>
    %mul3A = vector.broadcast %select_n3A : vector<1024x1xf32> to vector<1024x64xf32>
    %mul3A_24 = arith.mulf %add3A_23, %mul3A : vector<1024x64xf32>
    %swap3A = arith.constant 0 : index
    %swap3A_25 = arith.constant 0 : index
    %swap3A_26 = vector.load %arg3[%swap3A, %swap3A_25] : memref<1024x64xf32, #tpu.memory_space<vmem>>, vector<1024x64xf32>
    tpu.vector_store %arg3[%swap3A, %swap3A_25], %mul3A_24 {strides = array<i32>} : memref<1024x64xf32, #tpu.memory_space<vmem>>, vector<1024x64xf32>,
    return
  }
  func.func @transform_0(%arg0: i32) -> (i32, i32, i32) {
    %c0_i32 = arith.constant 0 : i32
    %c0_i32_0 = arith.constant 0 : i32
    %c0_i32_1 = arith.constant 0 : i32
    return %c0_i32, %arg0, %c0_i32_0 : i32, i32, i32
  }
  func.func @transform_1(%arg0: i32) -> (i32, i32, i32) {
    %c0_i32 = arith.constant 0 : i32
    %c0_i32_0 = arith.constant 0 : i32
    %c0_i32_1 = arith.constant 0 : i32
    return %c0_i32, %arg0, %c0_i32_0 : i32, i32, i32
  }
  func.func @transform_2(%arg0: i32) -> (i32, i32) {
    %c0_i32 = arith.constant 0 : i32
    %c0_i32_0 = arith.constant 0 : i32
    return %arg0, %c0_i32 : i32, i32
  }
}

</mosaic_0001>

<sc_bundles>
// kernel: kernel.11.cloned.1.call-start
scs
__scs_entry_jumppad:
0x0: {  	(pc) =	sbr.rel $0x88, $3  }
0x1: {  	(tag) =	ssettag $0x0;
	lr =	simm.s32 $0x1  }
0x2: {  	[smem:$0x3F9D] =	sst lr;
	_ =	strace $0xD0000000  }
0x3: {  	_ = 	snop  }
0x4: {  	_ = 	snop  }
0x5: {  	_ = 	snop  }
0x6: {  	_ = 	snop  }
0x7: {  	_ = 	snop  }
__scs_overlays_trampoline_lowered:
0x8: {  	[smem:$0x3FAC] =	sst s0  }
0x9: {  	[smem:$0x3FAD] =	sst s1  }
0xa: {  	[smem:$0x3FAE] =	sst s2  }
0xb: {  	[smem:$0x3FAF] =	sst s3  }
0xc: {  	[smem:$0x3FB0] =	sst s4  }
0xd: {  	[smem:$0x3FB1] =	sst s5  }
0xe: {  	[smem:$0x3FB2] =	sst s6  }
0xf: {  	[smem:$0x3FB3] =	sst s7  }
0x10: {  	[smem:$0x3FB4] =	sst s8  }
0x11: {  	[smem:$0x3FB5] =	sst s9;
	s0 =	simm.s32 @!p0 $0x0  }
0x12: {  	s1 =	sld [smem:$0x3F9B];
	s0 =	simm.s32 @p0 $0x1  }
0x13: {  	[smem:$0x3FB6] =	sst s0;
	s0 =	simm.s32 @!p1 $0x0  }
0x14: {  	s2 =	sld [smem:$0x3F9A];
	s0 =	simm.s32 @p1 $0x1  }
0x15: {  	[smem:$0x3FB7] =	sst s0;
	s0 =	simm.s32 @!p2 $0x0  }
0x16: {  	s3 =	sld [smem:$0x3FDB];
	s0 =	simm.s32 @p2 $0x1  }
0x17: {  	s4 =	simm.s32 $0x1BF5;
	[smem:$0x3FB9] =	sst s0  }
0x18: {  	s0 =	sld [smem:$0x3F9C];
	_ =	swait.ge [sflag:s4], $0x0  }
0x19: {  	s7 =	sld [smem:$0x3F9D]  }
0x1a: {  	s8 =	sadd.s32 $0xFFFFE003, lr  }
0x1b: {  	s9 =	sadd.s32 $0xFFFFFEF7, lr;
	s5 =	simm.s32 $0xFFFFFFFF;
	p2 =	slt.u32 s8, $0xFFFFF086  }
0x1c: {  	p1 =	slt.u32 s9, $0xF7A;
	s5 =	simm.s32 @!p2 $0x0  }
0x1d: {  	s5 =	simm.s32 @p1 $0x1;
	p0 =	seq.s32 s7, s2  }
0x1e: {  	s7 =	smul.u32 @!p0 $0xF7A, s2;
	p2 =	seq.s32 @!p0 s5, $0x0  }
0x1f: {  	s9 =	smul.u32 $0xF7A, s1;
	s8 =	simm.s32 @!p0 $0x1BF5;
	p2 =	por !p2, p0  }
0x20: {  	[sflag:s8] =	ssyncset.s32 @!p0 $0xFFFFF086;
	s6 =	sadd.s32 @!p0 s3, s7;
	s7 =	simm.s32 @!p0 $0x108  }
0x21: {  	s3 =	sadd.s32 s3, s9;
	s6 =	sadd.s32 @!p0 $0x88, s6;
	s7 =	simm.s32 @p2 $0x1082  }
0x22: {  	[simem:s7], [sflag:s8] =	dma.local @!p0 [hbm:s6], $0xF7A  }
0x23: {  	s9 =	sor.u32 $0xD0000000, s2;
	s6 =	simm.s32 $0x108;
	_ =	swait.ge @!p0 [sflag:s8], $0x0  }
0x24: {  	s3 =	sadd.s32 $0x88, s3;
	s6 =	simm.s32 @!p1 $0x1082;
	[sflag:s4] =	ssyncset.s32 $0xFFFFF086  }
0x25: {  	[simem:s6], [sflag:s4] =	dma.local [hbm:s3], $0xF7A  }
0x26: {  	[smem:$0x3F9D] =	sst s1;
	(tag) =	ssettag s2;
	_ =	strace s9  }
0x27: {  	s1 =	sld [smem:$0x3FAD]  }
0x28: {  	s2 =	sld [smem:$0x3FAE]  }
0x29: {  	s4 =	sld [smem:$0x3FB0]  }
0x2a: {  	p0 =	seq.s32 s5, $0x0;
	s5 =	sld [smem:$0x3FB1]  }
0x2b: {  	s6 =	sld [smem:$0x3FB2]  }
0x2c: {  	s7 =	sld [smem:$0x3FB3]  }
0x2d: {  	s3 =	simm.s32 $0x108;
	s8 =	sld [smem:$0x3FB4]  }
0x2e: {  	s3 =	simm.s32 @!p0 $0x1082;
	s9 =	sld [smem:$0x3FB5]  }
0x2f: {  	lr =	sadd.s32 s0, s3;
	s0 =	sld [smem:$0x3FAC]  }
0x30: {  	s3 =	sld [smem:$0x3FAF]  }
0x31: {  	[smem:$0x3FB8] =	sst s10  }
0x32: {  	s10 =	sld [smem:$0x3FB6];
	_ =	sdelay $0x3  }
0x33: {  	p0 =	seq.s32 s10, $0x1;
	s10 =	sld [smem:$0x3FB8];
	_ =	sdelay $0x3  }
0x34: {  	[smem:$0x3FB8] =	sst s10  }
0x35: {  	s10 =	sld [smem:$0x3FB7];
	_ =	sdelay $0x3  }
0x36: {  	p1 =	seq.s32 s10, $0x1;
	s10 =	sld [smem:$0x3FB8];
	_ =	sdelay $0x3  }
0x37: {  	[smem:$0x3FB8] =	sst s10  }
0x38: {  	s10 =	sld [smem:$0x3FB9]  }
0x39: {  	_ = 	snop;
	(pc) =	sbr.ind lr, $3  }
0x3a: {  	_ = 	snop  }
0x3b: {  	_ = 	snop  }
0x3c: {  	p2 =	seq.s32 s10, $0x1;
	s10 =	sld [smem:$0x3FB8]  }
0x3d: {  	_ =	shalt  }
0x3e: {  	_ =	shalt  }
0x3f: {  	_ =	shalt  }
0x40: {  	_ =	shalt  }
0x41: {  	_ =	shalt  }
0x42: {  	_ =	shalt  }
0x43: {  	_ =	shalt  }
0x44: {  	_ =	shalt  }
0x45: {  	_ =	shalt  }
0x46: {  	_ =	shalt  }
0x47: {  	_ =	shalt  }
0x48: {  	_ =	shalt  }
0x49: {  	_ =	shalt  }
0x4a: {  	_ =	shalt  }
0x4b: {  	_ =	shalt  }
0x4c: {  	_ =	shalt  }
0x4d: {  	_ =	shalt  }
0x4e: {  	_ =	shalt  }
0x4f: {  	_ =	shalt  }
0x50: {  	_ =	shalt  }
0x51: {  	_ =	shalt  }
0x52: {  	_ =	shalt  }
0x53: {  	_ =	shalt  }
0x54: {  	_ =	shalt  }
0x55: {  	_ =	shalt  }
0x56: {  	_ =	shalt  }
0x57: {  	_ =	shalt  }
0x58: {  	_ =	shalt  }
0x59: {  	_ =	shalt  }
0x5a: {  	_ =	shalt  }
0x5b: {  	_ =	shalt  }
0x5c: {  	_ =	shalt  }
0x5d: {  	_ =	shalt  }
0x5e: {  	_ =	shalt  }
0x5f: {  	_ =	shalt  }
0x60: {  	_ =	shalt  }
0x61: {  	_ =	shalt  }
0x62: {  	_ =	shalt  }
0x63: {  	_ =	shalt  }
0x64: {  	_ =	shalt  }
0x65: {  	_ =	shalt  }
0x66: {  	_ =	shalt  }
0x67: {  	_ =	shalt  }
0x68: {  	_ =	shalt  }
0x69: {  	_ =	shalt  }
0x6a: {  	_ =	shalt  }
0x6b: {  	_ =	shalt  }
0x6c: {  	_ =	shalt  }
0x6d: {  	_ =	shalt  }
0x6e: {  	_ =	shalt  }
0x6f: {  	_ =	shalt  }
0x70: {  	_ =	shalt  }
0x71: {  	_ =	shalt  }
0x72: {  	_ =	shalt  }
0x73: {  	_ =	shalt  }
0x74: {  	_ =	shalt  }
0x75: {  	_ =	shalt  }
0x76: {  	_ =	shalt  }
0x77: {  	_ =	shalt  }
0x78: {  	_ =	shalt  }
0x79: {  	_ =	shalt  }
0x7a: {  	_ =	shalt  }
0x7b: {  	_ =	shalt  }
0x7c: {  	_ =	shalt  }
0x7d: {  	_ =	shalt  }
0x7e: {  	_ =	shalt  }
0x7f: {  	_ =	shalt  }
0x80: {  	_ =	shalt  }
0x81: {  	_ =	shalt  }
0x82: {  	_ =	shalt  }
0x83: {  	_ =	shalt  }
0x84: {  	_ =	shalt  }
0x85: {  	_ =	shalt  }
0x86: {  	_ =	shalt  }
0x87: {  	_ =	shalt  }
.Lfunc_end0:
.L_simem_size_0:
called_computation.1_lowered:
.L_overlay_start_0:
0x88: {  	s2 =	sld [smem:$0x3FD9]  }
0x89: {  	s3 =	sld [smem:$0x3FFE];
	_ =	sdelay $0x1  }
0x8a: {  	s1 =	srdreg.scid  }
0x8b: {  	s0 =	sand.u32 $0x1, s1  }
0x8c: {  	s17 =	sshll.u32 s0, $0xA;
	s2 =	sadd.s32 s3, s2  }
0x8d: {  	s2 =	sadd.s32 s2, s17  }
0x8e: {  	[smem:$0x3FC4] =	sst s2  }
0x8f: {  	_ = 	snop  }
0x90: {  	s2 =	sld [smem:$0x3FD0];
	(tm) =	ssettm $0x1  }
0x91: {  	s18 =	sld [smem:$0x3FFB];
	_ =	sdelay $0x3  }
0x92: {  	_ =	strace s18  }
0x93: {  	s3 =	sld [smem:$0x3FFC];
	_ =	sdelay $0x3  }
0x94: {  	_ =	strace s3  }
0x95: {  	s3 =	sld [smem:$0x3FFD];
	_ =	sdelay $0x3  }
0x96: {  	_ =	strace s3  }
0x97: {  	_ =	strace $0x8FFFFFFF  }
0x98: {  	s19 =	sld [smem:$0x3FDB];
	_ =	sdelay $0x1  }
0x99: {  	s4 =	simm.s32 $_scs_section_size  }
0x9a: {  	s5 =	simm.s32 $_size__tile_overlayer_lowered;
	s6 =	simm.s32 $_tile_overlayer_lowered  }
0x9b: {  	s22 =	simm.s32 $0x1BFF;
	s21 =	sshll.u32 s6, $0x1;
	s3 =	sadd.s32 s4, s19  }
0x9c: {  	s7 =	simm.s32 $0x0;
	s20 =	sshll.u32 s5, $0x1;
	s5 =	sadd.s32 s21, s3  }
0x9d: {  	[timem:s7], [sflag:s22] =	dma.local [hbm:s5], s20  }
0x9e: {  	_ =	swait.ge [sflag:s22], s20  }
0x9f: {  	s4 =	ssub.s32 $0x0, s20;
	[sflag:s22] =	ssyncset.done $0x0  }
0xa0: {  	[sflag:s22] =	ssyncadd.s32 s4;
	_ =	sdelay $0x1  }
0xa1: {  	s23 =	simm.s32 $0x1B8B  }
0xa2: {  	_ =	swait.ge [sflag:s23], $0x1  }
0xa3: {  	[sflag:s23] =	ssyncset.done $0x0  }
0xa4: {  	s25 =	simm.s32 $0x1B8E;
	s24 =	sld [smem:$0x3FFE];
	[sflag:s23] =	ssyncadd.s32 $0xFFFFFFFF  }
0xa5: {  	s26 =	simm.s32 $execute0_lowered;
	[smem:$0x3FD2] =	sst s25  }
0xa6: {  	s5 =	sshll.u32 s26, $0x1;
	_ =	strace $0x80000049;
	[dreg:$0x1] =	wrdreg $0xFFFFFFFF  }
0xa7: {  	s28 =	simm.s32 $_size_execute0_lowered;
	s3 =	sadd.s32 s3, s5;
	[dreg:$0x0] =	wrdreg $0x0  }
0xa8: {  	s5 =	sshll.u32 s28, $0x1;
	[dreg:$0x2] =	wrdreg s3  }
0xa9: {  	[dreg:$0x3] =	wrdreg s5  }
0xaa: {  	[dreg:$0x4] =	wrdreg $0xC0  }
0xab: {  	_ =	task [dreg:s7], $0x5FFFF  }
0xac: {  	[dreg:$0x1] =	wrdreg $0xFFFFFFFF  }
0xad: {  	[dreg:$0x0] =	wrdreg $0x60  }
0xae: {  	[dreg:$0x2] =	wrdreg s24  }
0xaf: {  	[dreg:$0x3] =	wrdreg s2  }
0xb0: {  	[dreg:$0x4] =	wrdreg $0x88800  }
0xb1: {  	[dreg:$0x5] =	wrdreg $0x9  }
0xb2: {  	_ =	task.clear_ibuf [dreg:s7], $0x6FFFF;
	_ =	strace $0x90000049  }
0xb3: {  	s29 =	simm.s32 $0x9;
	_ =	strace $0x8000004B  }
0xb4: {  	_ =	swait.ge [sflag:s29], $0x1  }
0xb5: {  	[sflag:s29] =	ssyncadd.s32 $0xFFFFFFFF  }
0xb6: {  	_ =	strace $0x9000004B  }
0xb7: {  	_ =	sfence  }
0xb8: {  	s30 =	sld [smem:$0x0];
	_ =	sdelay $0x2  }
0xb9: {  	s31 =	sshll.u32 s1, $0xD;
	s1 =	sshrl.u32 s1, $0x2  }
0xba: {  	s3 =	sand.u32 $0x4000, s31;
	s1 =	sadd.s32 s1, s30  }
0xbb: {  	s0 =	sor.u32 s3, s0;
	s1 =	sshll.u32 s1, $0x11  }
0xbc: {  	s0 =	sor.u32 s1, s0  }
0xbd: {  	s0 =	sadd.s32 $0x8F2B, s0  }
0xbe: {  	[sflag:s0] =	ssyncadd.remote.s32 $0x1  }
0xbf: {  	_ =	sfence.sel $0xFFFF  }
0xc0: {  	[dreg:$0x0] =	wrdreg $0xFFFFFFFF;
	(pc) =	sbr.abs _section_cstart, $3  }
0xc1: {  	[dreg:$0x1] =	wrdreg $0xFFFFFFFF  }
0xc2: {  	_ =	task.clear_ibuf [dreg:s7], $0x2FFFF;
	_ =	strace $0x9FFFFFFF  }
0xc3: {  	(tm) =	ssettm $0x7FFFFFFF  }
tec
execute0_lowered:
.L_overlay_start_1:
0x0: {  	(tag) =	ssettag $0x1  }
0x1: {  	s0 =	rddreg [dreg:$0x0];
	s1 =	srdreg.scid  }
0x2: {  	s5 =	rddreg [dreg:$0x1];
	s7 =	stileid.u32  }
0x3: {  	s2 =	simm.s32 $0x0;
	s28 =	simm.s32 $0x180;
	s29 =	simm.s32 $0x500  }
0x4: {  	s30 =	simm.s32 $0x580;
	s6 =	sand.u32 $0x1, s1;
	s1 =	rddreg [dreg:$0x2]  }
0x5: {  	s31 =	simm.s32 $0x200;
	[smem:$0x7FF] =	sst s2;
	s13 =	smul.u32 $0x50000, s7  }
0x6: {  	s10 =	sadd.s32 $0x1E00, s0;
	s20 =	smul.u32 $0x9, s7;
	p0 =	sne.s32 s7, $0x0  }
0x7: {  	s3 =	sshll.u32 s6, $0x4;
	_ =	strace $0x8000004A;
	s11 =	smul.u32 $0x28000, s6  }
0x8: {  	s26 =	ssub.s32 $0x2, s6;
	s6 =	smul.u32 $0x90, s6;
	s8 =	sor.u32 s7, s3  }
0x9: {  	s3 =	sadd.s32 $0x5C000, s0;
	s15 =	sshrl.u32 s26, $0x1;
	s16 =	sshrl.u32 s13, $0x2  }
0xa: {  	s9 =	sshll.u32 s8, $0x7;
	s14 =	smul.u32 $0x9, s8;
	s6 =	sadd.s32 s20, s6  }
0xb: {  	s20 =	simm.s32 $0x4880;
	p1 =	sgt.u32 s8, $0x17;
	s4 =	sadd.s32 $0xFFFFF200, s9  }
0xc: {  	p2 =	slt.u32 s8, $0x1C;
	s9 =	sshrl.u32 s9, $0x3;
	s4 =	sshrl.u32 s4, $0x3  }
0xd: {  	s9 =	sadd.s32 s5, s9;
	s12 =	sadd.s32 s4, s0;
	s0 =	sadd.s32 s11, s0  }
0xe: {  	s11 =	ssub.s32 s26, s15;
	s15 =	smin.u32 s8, $0x18;
	s4 =	sadd.s32 s16, s1  }
0xf: {  	s23 =	sadd.s32 $0x9A40, s9;
	s9 =	simm.s32 $0x300;
	[dreg:$0x5] =	wrdreg s4  }
0x10: {  	s17 =	sadd.s32 s15, s14;
	s18 =	sadd.s32 $0x4000, s4;
	[dreg:$0xc] =	wrdreg s23  }
0x11: {  	s19 =	sadd.s32 $0x8000, s4;
	s16 =	sadd.s32 $0xC000, s4;
	[dreg:$0x6] =	wrdreg s18  }
0x12: {  	s4 =	sadd.s32 $0x10000, s4;
	s6 =	sadd.s32 s15, s6;
	[dreg:$0x7] =	wrdreg s19  }
0x13: {  	s24 =	sadd.s32 $0xBC00, s12;
	s0 =	sadd.s32 $0x83200, s0;
	[dreg:$0x8] =	wrdreg s16  }
0x14: {  	s26 =	smax.u32 s11, $0x1;
	s23 =	simm.s32 $0x480;
	[dreg:$0x9] =	wrdreg s4  }
0x15: {  	s11 =	simm.s32 $0x600;
	s12 =	simm.s32 $0x680;
	[dreg:$0xd] =	wrdreg s24  }
0x16: {  	s13 =	sshll.u32 s17, $0x7;
	s6 =	sshll.u32 s6, $0x7;
	[dreg:$0xe] =	wrdreg s0  }
0x17: {  	[dreg:$0xf] =	wrdreg s26;
	s16 =	simm.s32 $0x880;
	s17 =	simm.s32 $0x5  }
0x18: {  	s18 =	simm.s32 $0x400;
	s19 =	simm.s32 $0x80;
	s24 =	simm.s32 $0x3  }
0x19: {  	s26 =	simm.s32 $0x100;
	s0 =	simm.s32 $0x280;
	s13 =	sadd.s32 $0x480, s13  }
.Ltmp0:
0x1a: {  	s25 =	sadd.s32 s6, s10;
	s15 =	sadd.s32 s6, s5;
	(pc) =	sbr.rel .LBB2_1-.Ltmp0, $4  }
0x1b: {  	s6 =	simm.s32 $0x780;
	s21 =	sadd.s32 s5, s13;
	s22 =	sadd.s32 s10, s13  }
0x1c: {  	[dreg:$0x4] =	wrdreg s25;
	s25 =	simm.s32 $0x4;
	s10 =	simm.s32 $0x380  }
0x1d: {  	s5 =	simm.s32 $0x700;
	s13 =	simm.s32 $0x0;
	[dreg:$0xa] =	wrdreg s21  }
0x1e: {  	v0 =	vimm.f32 $0.0e+00;
	[dreg:$0xb] =	wrdreg s22;
	s21 =	simm.s32 $0x1;
	s22 =	simm.s32 $0x2  }
.LBB2_6:
0x1f: {  	s4 =	rddreg [dreg:$0xa]  }
0x20: {  	[tilespmem:s2], [sflag:$0x5] =	stream.linear.gather [hbm4b:s4+s2], $0x400, $0x38;
	[tilespmem:$0x1C880] =	vst v63  }
0x21: {  	_ =	swait.ge [sflag:s17], $0x400  }
0x22: {  	[sflag:s17] =	ssyncset.done $0x0  }
0x23: {  	s14 =	rddreg [dreg:$0xb];
	[sflag:s17] =	ssyncadd.s32 $0xFFFFFC00  }
0x24: {  	[tilespmem:s18], [sflag:$0x5] =	stream.linear.gather [hbm4b:s14+s2], $0x400, $0x38;
	[tilespmem:$0x1C880] =	vst v63  }
0x25: {  	_ =	swait.ge [sflag:s17], $0x400  }
0x26: {  	[sflag:s17] =	ssyncset.done $0x0  }
0x27: {  	[sflag:s17] =	ssyncadd.s32 $0xFFFFFC00  }
0x28: {  	[tilespmem:s16], [sflag:$0x1] =	stream.indirect.gather [hbm4b:s3+s19], $0x80, s2, s19, $0xb8;
	[tilespmem:$0x1C880] =	vst v63  }
0x29: {  	_ = 	snop  }
0x2a: {  	[tilespmem:s20], [sflag:$0x2] =	stream.indirect.gather [hbm4b:s3+s19], $0x80, s19, s19, $0xb8;
	[tilespmem:$0x1C880] =	vst v63  }
0x2b: {  	_ =	swait.ge [sflag:s21], $0x4000  }
0x2c: {  	[sflag:s21] =	ssyncset.done $0x0  }
0x2d: {  	[sflag:s21] =	ssyncadd.s32 $0xFFFFC000  }
0x2e: {  	[spmem:s1] =	stream.indirect.scatter.add.f32 [tilespmem:s16], [sflag:$0x3], $0x80, s18, s19, $0xb8;
	[tilespmem:$0x1C880] =	vst v63  }
0x2f: {  	_ =	swait.ge [sflag:s22], $0x4000  }
0x30: {  	[sflag:s22] =	ssyncset.done $0x0  }
0x31: {  	[sflag:s22] =	ssyncadd.s32 $0xFFFFC000  }
0x32: {  	[spmem:s1] =	stream.indirect.scatter.add.f32 [tilespmem:s20], [sflag:$0x4], $0x80, s23, s19, $0xb8;
	[tilespmem:$0x1C880] =	vst v63  }
0x33: {  	_ =	swait.ge [sflag:s24], $0x4000  }
0x34: {  	[sflag:s24] =	ssyncset.done $0x0  }
0x35: {  	s8 =	simm.s32 $0x4;
	[sflag:s24] =	ssyncadd.s32 $0xFFFFC000  }
0x36: {  	_ =	swait.ge [sflag:s8], $0x4000  }
0x37: {  	[sflag:s8] =	ssyncset.done $0x0  }
0x38: {  	[sflag:s8] =	ssyncadd.s32 $0xFFFFC000  }
0x39: {  	[tilespmem:s16], [sflag:$0x1] =	stream.indirect.gather [hbm4b:s3+s19], $0x80, s26, s19, $0xb8;
	[tilespmem:$0x1C880] =	vst v63  }
0x3a: {  	_ = 	snop  }
0x3b: {  	[tilespmem:s20], [sflag:$0x2] =	stream.indirect.gather [hbm4b:s3+s19], $0x80, s28, s19, $0xb8;
	[tilespmem:$0x1C880] =	vst v63  }
0x3c: {  	_ =	swait.ge [sflag:s21], $0x4000  }
0x3d: {  	[sflag:s21] =	ssyncset.done $0x0  }
0x3e: {  	[sflag:s21] =	ssyncadd.s32 $0xFFFFC000  }
0x3f: {  	[spmem:s1] =	stream.indirect.scatter.add.f32 [tilespmem:s16], [sflag:$0x3], $0x80, s29, s19, $0xb8;
	[tilespmem:$0x1C880] =	vst v63  }
0x40: {  	_ =	swait.ge [sflag:s22], $0x4000  }
0x41: {  	[sflag:s22] =	ssyncset.done $0x0  }
0x42: {  	[sflag:s22] =	ssyncadd.s32 $0xFFFFC000  }
0x43: {  	[spmem:s1] =	stream.indirect.scatter.add.f32 [tilespmem:s20], [sflag:$0x4], $0x80, s30, s19, $0xb8;
	[tilespmem:$0x1C880] =	vst v63  }
0x44: {  	_ =	swait.ge [sflag:s24], $0x4000  }
0x45: {  	[sflag:s24] =	ssyncset.done $0x0  }
0x46: {  	[sflag:s24] =	ssyncadd.s32 $0xFFFFC000  }
0x47: {  	_ =	swait.ge [sflag:s8], $0x4000  }
0x48: {  	[sflag:s8] =	ssyncset.done $0x0  }
0x49: {  	[sflag:s8] =	ssyncadd.s32 $0xFFFFC000  }
0x4a: {  	[tilespmem:s16], [sflag:$0x1] =	stream.indirect.gather [hbm4b:s3+s19], $0x80, s31, s19, $0xb8;
	[tilespmem:$0x1C880] =	vst v63  }
0x4b: {  	_ = 	snop  }
0x4c: {  	[tilespmem:s20], [sflag:$0x2] =	stream.indirect.gather [hbm4b:s3+s19], $0x80, s0, s19, $0xb8;
	[tilespmem:$0x1C880] =	vst v63  }
0x4d: {  	_ =	swait.ge [sflag:s21], $0x4000  }
0x4e: {  	[sflag:s21] =	ssyncset.done $0x0  }
0x4f: {  	[sflag:s21] =	ssyncadd.s32 $0xFFFFC000  }
0x50: {  	[spmem:s1] =	stream.indirect.scatter.add.f32 [tilespmem:s16], [sflag:$0x3], $0x80, s11, s19, $0xb8;
	[tilespmem:$0x1C880] =	vst v63  }
0x51: {  	_ =	swait.ge [sflag:s22], $0x4000  }
0x52: {  	[sflag:s22] =	ssyncset.done $0x0  }
0x53: {  	[sflag:s22] =	ssyncadd.s32 $0xFFFFC000  }
0x54: {  	[spmem:s1] =	stream.indirect.scatter.add.f32 [tilespmem:s20], [sflag:$0x4], $0x80, s12, s19, $0xb8;
	[tilespmem:$0x1C880] =	vst v63  }
0x55: {  	_ =	swait.ge [sflag:s24], $0x4000  }
0x56: {  	[sflag:s24] =	ssyncset.done $0x0  }
0x57: {  	[sflag:s24] =	ssyncadd.s32 $0xFFFFC000  }
0x58: {  	_ =	swait.ge [sflag:s8], $0x4000  }
0x59: {  	[sflag:s8] =	ssyncset.done $0x0  }
0x5a: {  	[sflag:s8] =	ssyncadd.s32 $0xFFFFC000  }
0x5b: {  	[tilespmem:s16], [sflag:$0x1] =	stream.indirect.gather [hbm4b:s3+s19], $0x80, s9, s19, $0xb8;
	[tilespmem:$0x1C880] =	vst v63  }
0x5c: {  	_ = 	snop  }
0x5d: {  	[tilespmem:s20], [sflag:$0x2] =	stream.indirect.gather [hbm4b:s3+s19], $0x80, s10, s19, $0xb8;
	[tilespmem:$0x1C880] =	vst v63  }
0x5e: {  	_ =	swait.ge [sflag:s21], $0x4000  }
0x5f: {  	[sflag:s21] =	ssyncset.done $0x0  }
0x60: {  	[sflag:s21] =	ssyncadd.s32 $0xFFFFC000  }
0x61: {  	[spmem:s1] =	stream.indirect.scatter.add.f32 [tilespmem:s16], [sflag:$0x3], $0x80, s5, s19, $0xb8;
	[tilespmem:$0x1C880] =	vst v63  }
0x62: {  	_ =	swait.ge [sflag:s22], $0x4000  }
0x63: {  	[sflag:s22] =	ssyncset.done $0x0  }
0x64: {  	[sflag:s22] =	ssyncadd.s32 $0xFFFFC000  }
0x65: {  	[spmem:s1] =	stream.indirect.scatter.add.f32 [tilespmem:s20], [sflag:$0x4], $0x80, s6, s19, $0xb8;
	[tilespmem:$0x1C880] =	vst v63  }
0x66: {  	_ =	swait.ge [sflag:s24], $0x4000  }
0x67: {  	[sflag:s24] =	ssyncset.done $0x0  }
0x68: {  	[sflag:s24] =	ssyncadd.s32 $0xFFFFC000  }
.LBB2_9:
0x69: {  	_ =	swait.ge [sflag:s8], $0x4000  }
0x6a: {  	[sflag:s8] =	ssyncset.done $0x0  }
0x6b: {  	s13 =	rddreg [dreg:$0x10];
	[sflag:s8] =	ssyncadd.s32 $0xFFFFC000  }
.LBB2_10:
0x6c: {  	[bflag:$0x0] =	sbarrier.arrive $0xFFFF  }
0x6d: {  	s4 =	sshrl.u32 @!p0 s1, $0x3;
	s7 =	simm.s32 @!p0 $0x1C05;
	s8 =	rddreg [dreg:$0xe]  }
0x6e: {  	[hbm:s8], [sflag:s7] =	dma.local @!p0 [spmem:s4], $0x28000  }
0x6f: {  	s4 =	simm.s32 @!p0 $0x5  }
0x70: {  	_ =	swait.ge @!p0 [sflag:s4], $0x28000  }
0x71: {  	s13 =	sadd.s32 $0x1, s13;
	s14 =	rddreg [dreg:$0xf]  }
0x72: {  	p3 =	sne.s32 s13, s14  }
.Ltmp1:
0x73: {  	_ = 	snop;
	(pc) =	sbr.rel @!p3 .LBB2_11-.Ltmp1, $3  }
0x74: {  	_ =	sdelay $0x1  }
0x75: {  	[sflag:s4] =	ssyncset.done @!p0 $0x0  }
0x76: {  	[sflag:s4] =	ssyncadd.s32 @!p0 $0xFFFD8000  }
.LBB2_1:
0x77: {  	[dreg:$0x10] =	wrdreg s13;
	s8 =	simm.s32 $0x0;
	s13 =	simm.s32 $0x200  }
.LBB2_2:
0x78: {  	p3 =	sne.s32 s13, $0xFE00;
	[tilespmem:s8+$0x8F0] =	vst v0  }
0x79: {  	[tilespmem:s8+$0x880] =	vst v0  }
0x7a: {  	[tilespmem:s8+$0x890] =	vst v0  }
.Ltmp2:
0x7b: {  	[tilespmem:s8+$0x8A0] =	vst v0;
	(pc) =	sbr.rel @p3 .LBB2_2-.Ltmp2, $4  }
0x7c: {  	[tilespmem:s8+$0x8B0] =	vst v0  }
0x7d: {  	[tilespmem:s8+$0x8C0] =	vst v0  }
0x7e: {  	[tilespmem:s8+$0x8D0] =	vst v0  }
0x7f: {  	[tilespmem:s8+$0x8E0] =	vst v0;
	s8 =	sshra.s32 s13, $0x2;
	s13 =	sadd.s32 $0x200, s13  }
0x80: {  	[tilespmem:s8+$0x8F0] =	vst v0  }
0x81: {  	[tilespmem:s8+$0x880] =	vst v0  }
0x82: {  	[tilespmem:s8+$0x890] =	vst v0  }
0x83: {  	[tilespmem:s8+$0x8A0] =	vst v0  }
0x84: {  	[tilespmem:s8+$0x8B0] =	vst v0  }
0x85: {  	[tilespmem:s8+$0x8C0] =	vst v0  }
0x86: {  	[tilespmem:s8+$0x8D0] =	vst v0  }
0x87: {  	[tilespmem:s8+$0x8E0] =	vst v0;
	s4 =	rddreg [dreg:$0x5]  }
0x88: {  	[spmem:s4] =	stream.linear.scatter [tilespmem:s16], [sflag:$0x5], $0x4000, $0x38;
	[tilespmem:$0x1C880] =	vst v63  }
0x89: {  	_ =	swait.ge [sflag:s17], $0x4000  }
0x8a: {  	[sflag:s17] =	ssyncset.done $0x0  }
0x8b: {  	s13 =	rddreg [dreg:$0x6];
	[sflag:s17] =	ssyncadd.s32 $0xFFFFC000  }
0x8c: {  	[spmem:s13] =	stream.linear.scatter [tilespmem:s16], [sflag:$0x5], $0x4000, $0x38;
	[tilespmem:$0x1C880] =	vst v63  }
0x8d: {  	_ =	swait.ge [sflag:s17], $0x4000  }
0x8e: {  	[sflag:s17] =	ssyncset.done $0x0  }
0x8f: {  	s14 =	rddreg [dreg:$0x7];
	[sflag:s17] =	ssyncadd.s32 $0xFFFFC000  }
0x90: {  	[spmem:s14] =	stream.linear.scatter [tilespmem:s16], [sflag:$0x5], $0x4000, $0x38;
	[tilespmem:$0x1C880] =	vst v63  }
0x91: {  	_ =	swait.ge [sflag:s17], $0x4000  }
0x92: {  	[sflag:s17] =	ssyncset.done $0x0  }
0x93: {  	s7 =	rddreg [dreg:$0x8];
	[sflag:s17] =	ssyncadd.s32 $0xFFFFC000  }
0x94: {  	[spmem:s7] =	stream.linear.scatter [tilespmem:s16], [sflag:$0x5], $0x4000, $0x38;
	[tilespmem:$0x1C880] =	vst v63  }
0x95: {  	_ =	swait.ge [sflag:s17], $0x4000  }
0x96: {  	[sflag:s17] =	ssyncset.done $0x0  }
0x97: {  	s8 =	rddreg [dreg:$0x9];
	[sflag:s17] =	ssyncadd.s32 $0xFFFFC000  }
0x98: {  	[spmem:s8] =	stream.linear.scatter [tilespmem:s16], [sflag:$0x5], $0x4000, $0x38;
	[tilespmem:$0x1C880] =	vst v63  }
0x99: {  	_ =	swait.ge [sflag:s17], $0x4000  }
0x9a: {  	[sflag:s17] =	ssyncset.done $0x0  }
0x9b: {  	[sflag:s17] =	ssyncadd.s32 $0xFFFFC000  }
0x9c: {  	s13 =	sadd.s32 $0x0, s15;
	[bflag:$0x0] =	sbarrier.arrive $0xFFFF  }
0x9d: {  	[tilespmem:s2], [sflag:$0x5] =	stream.linear.gather [hbm4b:s13+s2], $0x400, $0x38;
	[tilespmem:$0x1C880] =	vst v63  }
0x9e: {  	_ =	swait.ge [sflag:s17], $0x400  }
0x9f: {  	s14 =	rddreg [dreg:$0x4];
	[sflag:s17] =	ssyncset.done $0x0  }
0xa0: {  	[sflag:s17] =	ssyncadd.s32 $0xFFFFFC00;
	s8 =	sadd.s32 $0x0, s14  }
0xa1: {  	[tilespmem:s18], [sflag:$0x5] =	stream.linear.gather [hbm4b:s8+s2], $0x400, $0x38;
	[tilespmem:$0x1C880] =	vst v63  }
0xa2: {  	_ =	swait.ge [sflag:s17], $0x400  }
0xa3: {  	[sflag:s17] =	ssyncset.done $0x0  }
0xa4: {  	[sflag:s17] =	ssyncadd.s32 $0xFFFFFC00  }
0xa5: {  	[tilespmem:s16], [sflag:$0x1] =	stream.indirect.gather [hbm4b:s3+s19], $0x80, s2, s19, $0xb8;
	[tilespmem:$0x1C880] =	vst v63  }
0xa6: {  	_ = 	snop  }
0xa7: {  	[tilespmem:s20], [sflag:$0x2] =	stream.indirect.gather [hbm4b:s3+s19], $0x80, s19, s19, $0xb8;
	[tilespmem:$0x1C880] =	vst v63  }
0xa8: {  	_ =	swait.ge [sflag:s21], $0x4000  }
0xa9: {  	[sflag:s21] =	ssyncset.done $0x0  }
0xaa: {  	[sflag:s21] =	ssyncadd.s32 $0xFFFFC000  }
0xab: {  	[spmem:s1] =	stream.indirect.scatter.add.f32 [tilespmem:s16], [sflag:$0x3], $0x80, s18, s19, $0xb8;
	[tilespmem:$0x1C880] =	vst v63  }
0xac: {  	_ =	swait.ge [sflag:s22], $0x4000  }
0xad: {  	[sflag:s22] =	ssyncset.done $0x0  }
0xae: {  	[sflag:s22] =	ssyncadd.s32 $0xFFFFC000  }
0xaf: {  	[spmem:s1] =	stream.indirect.scatter.add.f32 [tilespmem:s20], [sflag:$0x4], $0x80, s23, s19, $0xb8;
	[tilespmem:$0x1C880] =	vst v63  }
0xb0: {  	_ =	swait.ge [sflag:s24], $0x4000  }
0xb1: {  	[sflag:s24] =	ssyncset.done $0x0  }
0xb2: {  	[sflag:s24] =	ssyncadd.s32 $0xFFFFC000  }
0xb3: {  	_ =	swait.ge [sflag:s25], $0x4000  }
0xb4: {  	[sflag:s25] =	ssyncset.done $0x0  }
0xb5: {  	[sflag:s25] =	ssyncadd.s32 $0xFFFFC000  }
0xb6: {  	[tilespmem:s16], [sflag:$0x1] =	stream.indirect.gather [hbm4b:s3+s19], $0x80, s26, s19, $0xb8;
	[tilespmem:$0x1C880] =	vst v63  }
0xb7: {  	_ = 	snop  }
0xb8: {  	[tilespmem:s20], [sflag:$0x2] =	stream.indirect.gather [hbm4b:s3+s19], $0x80, s28, s19, $0xb8;
	[tilespmem:$0x1C880] =	vst v63  }
0xb9: {  	_ =	swait.ge [sflag:s21], $0x4000  }
0xba: {  	[sflag:s21] =	ssyncset.done $0x0  }
0xbb: {  	[sflag:s21] =	ssyncadd.s32 $0xFFFFC000  }
0xbc: {  	[spmem:s1] =	stream.indirect.scatter.add.f32 [tilespmem:s16], [sflag:$0x3], $0x80, s29, s19, $0xb8;
	[tilespmem:$0x1C880] =	vst v63  }
0xbd: {  	_ =	swait.ge [sflag:s22], $0x4000  }
0xbe: {  	[sflag:s22] =	ssyncset.done $0x0  }
0xbf: {  	[sflag:s22] =	ssyncadd.s32 $0xFFFFC000  }
0xc0: {  	[spmem:s1] =	stream.indirect.scatter.add.f32 [tilespmem:s20], [sflag:$0x4], $0x80, s30, s19, $0xb8;
	[tilespmem:$0x1C880] =	vst v63  }
0xc1: {  	_ =	swait.ge [sflag:s24], $0x4000  }
0xc2: {  	[sflag:s24] =	ssyncset.done $0x0  }
0xc3: {  	[sflag:s24] =	ssyncadd.s32 $0xFFFFC000  }
0xc4: {  	_ =	swait.ge [sflag:s25], $0x4000  }
0xc5: {  	[sflag:s25] =	ssyncset.done $0x0  }
0xc6: {  	[sflag:s25] =	ssyncadd.s32 $0xFFFFC000  }
0xc7: {  	[tilespmem:s16], [sflag:$0x1] =	stream.indirect.gather [hbm4b:s3+s19], $0x80, s31, s19, $0xb8;
	[tilespmem:$0x1C880] =	vst v63  }
0xc8: {  	_ = 	snop  }
0xc9: {  	[tilespmem:s20], [sflag:$0x2] =	stream.indirect.gather [hbm4b:s3+s19], $0x80, s0, s19, $0xb8;
	[tilespmem:$0x1C880] =	vst v63  }
0xca: {  	_ =	swait.ge [sflag:s21], $0x4000  }
0xcb: {  	[sflag:s21] =	ssyncset.done $0x0  }
0xcc: {  	[sflag:s21] =	ssyncadd.s32 $0xFFFFC000  }
0xcd: {  	[spmem:s1] =	stream.indirect.scatter.add.f32 [tilespmem:s16], [sflag:$0x3], $0x80, s11, s19, $0xb8;
	[tilespmem:$0x1C880] =	vst v63  }
0xce: {  	_ =	swait.ge [sflag:s22], $0x4000  }
0xcf: {  	[sflag:s22] =	ssyncset.done $0x0  }
0xd0: {  	[sflag:s22] =	ssyncadd.s32 $0xFFFFC000  }
0xd1: {  	[spmem:s1] =	stream.indirect.scatter.add.f32 [tilespmem:s20], [sflag:$0x4], $0x80, s12, s19, $0xb8;
	[tilespmem:$0x1C880] =	vst v63  }
0xd2: {  	_ =	swait.ge [sflag:s24], $0x4000  }
0xd3: {  	[sflag:s24] =	ssyncset.done $0x0  }
0xd4: {  	[sflag:s24] =	ssyncadd.s32 $0xFFFFC000  }
0xd5: {  	_ =	swait.ge [sflag:s25], $0x4000  }
0xd6: {  	[sflag:s25] =	ssyncset.done $0x0  }
0xd7: {  	[sflag:s25] =	ssyncadd.s32 $0xFFFFC000  }
0xd8: {  	[tilespmem:s16], [sflag:$0x1] =	stream.indirect.gather [hbm4b:s3+s19], $0x80, s9, s19, $0xb8;
	[tilespmem:$0x1C880] =	vst v63  }
0xd9: {  	_ = 	snop  }
0xda: {  	[tilespmem:s20], [sflag:$0x2] =	stream.indirect.gather [hbm4b:s3+s19], $0x80, s10, s19, $0xb8;
	[tilespmem:$0x1C880] =	vst v63  }
0xdb: {  	_ =	swait.ge [sflag:s21], $0x4000  }
0xdc: {  	[sflag:s21] =	ssyncset.done $0x0  }
0xdd: {  	[sflag:s21] =	ssyncadd.s32 $0xFFFFC000  }
0xde: {  	[spmem:s1] =	stream.indirect.scatter.add.f32 [tilespmem:s16], [sflag:$0x3], $0x80, s5, s19, $0xb8;
	[tilespmem:$0x1C880] =	vst v63  }
0xdf: {  	_ =	swait.ge [sflag:s22], $0x4000  }
0xe0: {  	[sflag:s22] =	ssyncset.done $0x0  }
0xe1: {  	[sflag:s22] =	ssyncadd.s32 $0xFFFFC000  }
0xe2: {  	[spmem:s1] =	stream.indirect.scatter.add.f32 [tilespmem:s20], [sflag:$0x4], $0x80, s6, s19, $0xb8;
	[tilespmem:$0x1C880] =	vst v63  }
0xe3: {  	_ =	swait.ge [sflag:s24], $0x4000  }
0xe4: {  	[sflag:s24] =	ssyncset.done $0x0  }
0xe5: {  	[sflag:s24] =	ssyncadd.s32 $0xFFFFC000  }
0xe6: {  	_ =	swait.ge [sflag:s25], $0x4000  }
0xe7: {  	s13 =	simm.s32 $0x100;
	s8 =	simm.s32 $0x80;
	[sflag:s25] =	ssyncset.done $0x0  }
.LBB2_4:
0xe8: {  	s4 =	sadd.s32 s8, s15;
	[sflag:s25] =	ssyncadd.s32 $0xFFFFC000  }
0xe9: {  	[tilespmem:s2], [sflag:$0x5] =	stream.linear.gather [hbm4b:s4+s2], $0x400, $0x38;
	[tilespmem:$0x1C880] =	vst v63  }
0xea: {  	s7 =	smov.u32 s13;
	s14 =	sadd.s32 $0x80, s13;
	_ =	swait.ge [sflag:s17], $0x400  }
0xeb: {  	p3 =	sne.s32 s13, $0x400;
	s13 =	rddreg [dreg:$0x4];
	[sflag:s17] =	ssyncset.done $0x0  }
0xec: {  	[sflag:s17] =	ssyncadd.s32 $0xFFFFFC00;
	s4 =	sadd.s32 s8, s13  }
0xed: {  	[tilespmem:s18], [sflag:$0x5] =	stream.linear.gather [hbm4b:s4+s2], $0x400, $0x38;
	[tilespmem:$0x1C880] =	vst v63  }
0xee: {  	_ =	swait.ge [sflag:s17], $0x400  }
0xef: {  	[sflag:s17] =	ssyncset.done $0x0  }
0xf0: {  	[sflag:s17] =	ssyncadd.s32 $0xFFFFFC00  }
0xf1: {  	[tilespmem:s16], [sflag:$0x1] =	stream.indirect.gather [hbm4b:s3+s19], $0x80, s2, s19, $0xb8;
	[tilespmem:$0x1C880] =	vst v63  }
0xf2: {  	_ = 	snop  }
0xf3: {  	[tilespmem:s20], [sflag:$0x2] =	stream.indirect.gather [hbm4b:s3+s19], $0x80, s19, s19, $0xb8;
	[tilespmem:$0x1C880] =	vst v63  }
0xf4: {  	_ =	swait.ge [sflag:s21], $0x4000  }
0xf5: {  	[sflag:s21] =	ssyncset.done $0x0  }
0xf6: {  	[sflag:s21] =	ssyncadd.s32 $0xFFFFC000  }
0xf7: {  	[spmem:s1] =	stream.indirect.scatter.add.f32 [tilespmem:s16], [sflag:$0x3], $0x80, s18, s19, $0xb8;
	[tilespmem:$0x1C880] =	vst v63  }
0xf8: {  	_ =	swait.ge [sflag:s22], $0x4000  }
0xf9: {  	[sflag:s22] =	ssyncset.done $0x0  }
0xfa: {  	[sflag:s22] =	ssyncadd.s32 $0xFFFFC000  }
0xfb: {  	[spmem:s1] =	stream.indirect.scatter.add.f32 [tilespmem:s20], [sflag:$0x4], $0x80, s23, s19, $0xb8;
	[tilespmem:$0x1C880] =	vst v63  }
0xfc: {  	_ =	swait.ge [sflag:s24], $0x4000  }
0xfd: {  	[sflag:s24] =	ssyncset.done $0x0  }
0xfe: {  	[sflag:s24] =	ssyncadd.s32 $0xFFFFC000  }
0xff: {  	_ =	swait.ge [sflag:s25], $0x4000  }
0x100: {  	[sflag:s25] =	ssyncset.done $0x0  }
0x101: {  	[sflag:s25] =	ssyncadd.s32 $0xFFFFC000  }
0x102: {  	[tilespmem:s16], [sflag:$0x1] =	stream.indirect.gather [hbm4b:s3+s19], $0x80, s26, s19, $0xb8;
	[tilespmem:$0x1C880] =	vst v63  }
0x103: {  	_ = 	snop  }
0x104: {  	[tilespmem:s20], [sflag:$0x2] =	stream.indirect.gather [hbm4b:s3+s19], $0x80, s28, s19, $0xb8;
	[tilespmem:$0x1C880] =	vst v63  }
0x105: {  	_ =	swait.ge [sflag:s21], $0x4000  }
0x106: {  	[sflag:s21] =	ssyncset.done $0x0  }
0x107: {  	[sflag:s21] =	ssyncadd.s32 $0xFFFFC000  }
0x108: {  	[spmem:s1] =	stream.indirect.scatter.add.f32 [tilespmem:s16], [sflag:$0x3], $0x80, s29, s19, $0xb8;
	[tilespmem:$0x1C880] =	vst v63  }
0x109: {  	_ =	swait.ge [sflag:s22], $0x4000  }
0x10a: {  	[sflag:s22] =	ssyncset.done $0x0  }
0x10b: {  	[sflag:s22] =	ssyncadd.s32 $0xFFFFC000  }
0x10c: {  	[spmem:s1] =	stream.indirect.scatter.add.f32 [tilespmem:s20], [sflag:$0x4], $0x80, s30, s19, $0xb8;
	[tilespmem:$0x1C880] =	vst v63  }
0x10d: {  	_ =	swait.ge [sflag:s24], $0x4000  }
0x10e: {  	[sflag:s24] =	ssyncset.done $0x0  }
0x10f: {  	[sflag:s24] =	ssyncadd.s32 $0xFFFFC000  }
0x110: {  	_ =	swait.ge [sflag:s25], $0x4000  }
0x111: {  	[sflag:s25] =	ssyncset.done $0x0  }
0x112: {  	[sflag:s25] =	ssyncadd.s32 $0xFFFFC000  }
0x113: {  	[tilespmem:s16], [sflag:$0x1] =	stream.indirect.gather [hbm4b:s3+s19], $0x80, s31, s19, $0xb8;
	[tilespmem:$0x1C880] =	vst v63  }
0x114: {  	_ = 	snop  }
0x115: {  	[tilespmem:s20], [sflag:$0x2] =	stream.indirect.gather [hbm4b:s3+s19], $0x80, s0, s19, $0xb8;
	[tilespmem:$0x1C880] =	vst v63  }
0x116: {  	_ =	swait.ge [sflag:s21], $0x4000  }
0x117: {  	[sflag:s21] =	ssyncset.done $0x0  }
0x118: {  	[sflag:s21] =	ssyncadd.s32 $0xFFFFC000  }
0x119: {  	[spmem:s1] =	stream.indirect.scatter.add.f32 [tilespmem:s16], [sflag:$0x3], $0x80, s11, s19, $0xb8;
	[tilespmem:$0x1C880] =	vst v63  }
0x11a: {  	_ =	swait.ge [sflag:s22], $0x4000  }
0x11b: {  	[sflag:s22] =	ssyncset.done $0x0  }
0x11c: {  	[sflag:s22] =	ssyncadd.s32 $0xFFFFC000  }
0x11d: {  	[spmem:s1] =	stream.indirect.scatter.add.f32 [tilespmem:s20], [sflag:$0x4], $0x80, s12, s19, $0xb8;
	[tilespmem:$0x1C880] =	vst v63  }
0x11e: {  	_ =	swait.ge [sflag:s24], $0x4000  }
0x11f: {  	[sflag:s24] =	ssyncset.done $0x0  }
0x120: {  	[sflag:s24] =	ssyncadd.s32 $0xFFFFC000  }
0x121: {  	_ =	swait.ge [sflag:s25], $0x4000  }
0x122: {  	[sflag:s25] =	ssyncset.done $0x0  }
0x123: {  	[sflag:s25] =	ssyncadd.s32 $0xFFFFC000  }
0x124: {  	[tilespmem:s16], [sflag:$0x1] =	stream.indirect.gather [hbm4b:s3+s19], $0x80, s9, s19, $0xb8;
	[tilespmem:$0x1C880] =	vst v63  }
0x125: {  	_ = 	snop  }
0x126: {  	[tilespmem:s20], [sflag:$0x2] =	stream.indirect.gather [hbm4b:s3+s19], $0x80, s10, s19, $0xb8;
	[tilespmem:$0x1C880] =	vst v63  }
0x127: {  	_ =	swait.ge [sflag:s21], $0x4000  }
0x128: {  	[sflag:s21] =	ssyncset.done $0x0  }
0x129: {  	[sflag:s21] =	ssyncadd.s32 $0xFFFFC000  }
0x12a: {  	[spmem:s1] =	stream.indirect.scatter.add.f32 [tilespmem:s16], [sflag:$0x3], $0x80, s5, s19, $0xb8;
	[tilespmem:$0x1C880] =	vst v63  }
0x12b: {  	_ =	swait.ge [sflag:s22], $0x4000  }
0x12c: {  	[sflag:s22] =	ssyncset.done $0x0  }
0x12d: {  	[sflag:s22] =	ssyncadd.s32 $0xFFFFC000  }
0x12e: {  	[spmem:s1] =	stream.indirect.scatter.add.f32 [tilespmem:s20], [sflag:$0x4], $0x80, s6, s19, $0xb8;
	[tilespmem:$0x1C880] =	vst v63  }
.Ltmp3:
0x12f: {  	_ =	swait.ge [sflag:s24], $0x4000;
	(pc) =	sbr.rel @p3 .LBB2_4-.Ltmp3, $4  }
0x130: {  	[sflag:s24] =	ssyncset.done $0x0  }
0x131: {  	[sflag:s24] =	ssyncadd.s32 $0xFFFFC000  }
0x132: {  	_ =	swait.ge [sflag:s25], $0x4000  }
0x133: {  	s8 =	smov.u32 s7;
	s13 =	smov.u32 s14;
	[sflag:s25] =	ssyncset.done $0x0  }
0x134: {  	s4 =	sadd.s32 s8, s15;
	[sflag:s25] =	ssyncadd.s32 $0xFFFFC000  }
0x135: {  	[tilespmem:s2], [sflag:$0x5] =	stream.linear.gather [hbm4b:s4+s2], $0x400, $0x38;
	[tilespmem:$0x1C880] =	vst v63  }
0x136: {  	_ =	swait.ge [sflag:s17], $0x400  }
0x137: {  	s14 =	rddreg [dreg:$0x4];
	[sflag:s17] =	ssyncset.done $0x0  }
0x138: {  	s4 =	sadd.s32 s8, s14;
	[sflag:s17] =	ssyncadd.s32 $0xFFFFFC00  }
0x139: {  	[tilespmem:s18], [sflag:$0x5] =	stream.linear.gather [hbm4b:s4+s2], $0x400, $0x38;
	[tilespmem:$0x1C880] =	vst v63  }
0x13a: {  	_ =	swait.ge [sflag:s17], $0x400  }
0x13b: {  	[sflag:s17] =	ssyncset.done $0x0  }
0x13c: {  	[sflag:s17] =	ssyncadd.s32 $0xFFFFFC00  }
0x13d: {  	[tilespmem:s16], [sflag:$0x1] =	stream.indirect.gather [hbm4b:s3+s19], $0x80, s2, s19, $0xb8;
	[tilespmem:$0x1C880] =	vst v63  }
0x13e: {  	_ = 	snop  }
0x13f: {  	[tilespmem:s20], [sflag:$0x2] =	stream.indirect.gather [hbm4b:s3+s19], $0x80, s19, s19, $0xb8;
	[tilespmem:$0x1C880] =	vst v63  }
0x140: {  	_ =	swait.ge [sflag:s21], $0x4000  }
0x141: {  	[sflag:s21] =	ssyncset.done $0x0  }
0x142: {  	[sflag:s21] =	ssyncadd.s32 $0xFFFFC000  }
0x143: {  	[spmem:s1] =	stream.indirect.scatter.add.f32 [tilespmem:s16], [sflag:$0x3], $0x80, s18, s19, $0xb8;
	[tilespmem:$0x1C880] =	vst v63  }
0x144: {  	_ =	swait.ge [sflag:s22], $0x4000  }
0x145: {  	[sflag:s22] =	ssyncset.done $0x0  }
0x146: {  	[sflag:s22] =	ssyncadd.s32 $0xFFFFC000  }
0x147: {  	[spmem:s1] =	stream.indirect.scatter.add.f32 [tilespmem:s20], [sflag:$0x4], $0x80, s23, s19, $0xb8;
	[tilespmem:$0x1C880] =	vst v63  }
0x148: {  	_ =	swait.ge [sflag:s24], $0x4000  }
0x149: {  	[sflag:s24] =	ssyncset.done $0x0  }
0x14a: {  	[sflag:s24] =	ssyncadd.s32 $0xFFFFC000  }
0x14b: {  	_ =	swait.ge [sflag:s25], $0x4000  }
0x14c: {  	[sflag:s25] =	ssyncset.done $0x0  }
0x14d: {  	[sflag:s25] =	ssyncadd.s32 $0xFFFFC000  }
0x14e: {  	[tilespmem:s16], [sflag:$0x1] =	stream.indirect.gather [hbm4b:s3+s19], $0x80, s26, s19, $0xb8;
	[tilespmem:$0x1C880] =	vst v63  }
0x14f: {  	_ = 	snop  }
0x150: {  	[tilespmem:s20], [sflag:$0x2] =	stream.indirect.gather [hbm4b:s3+s19], $0x80, s28, s19, $0xb8;
	[tilespmem:$0x1C880] =	vst v63  }
0x151: {  	_ =	swait.ge [sflag:s21], $0x4000  }
0x152: {  	[sflag:s21] =	ssyncset.done $0x0  }
0x153: {  	[sflag:s21] =	ssyncadd.s32 $0xFFFFC000  }
0x154: {  	[spmem:s1] =	stream.indirect.scatter.add.f32 [tilespmem:s16], [sflag:$0x3], $0x80, s29, s19, $0xb8;
	[tilespmem:$0x1C880] =	vst v63  }
0x155: {  	_ =	swait.ge [sflag:s22], $0x4000  }
0x156: {  	[sflag:s22] =	ssyncset.done $0x0  }
0x157: {  	[sflag:s22] =	ssyncadd.s32 $0xFFFFC000  }
0x158: {  	[spmem:s1] =	stream.indirect.scatter.add.f32 [tilespmem:s20], [sflag:$0x4], $0x80, s30, s19, $0xb8;
	[tilespmem:$0x1C880] =	vst v63  }
0x159: {  	_ =	swait.ge [sflag:s24], $0x4000  }
0x15a: {  	[sflag:s24] =	ssyncset.done $0x0  }
0x15b: {  	[sflag:s24] =	ssyncadd.s32 $0xFFFFC000  }
0x15c: {  	_ =	swait.ge [sflag:s25], $0x4000  }
0x15d: {  	[sflag:s25] =	ssyncset.done $0x0  }
0x15e: {  	[sflag:s25] =	ssyncadd.s32 $0xFFFFC000  }
0x15f: {  	[tilespmem:s16], [sflag:$0x1] =	stream.indirect.gather [hbm4b:s3+s19], $0x80, s31, s19, $0xb8;
	[tilespmem:$0x1C880] =	vst v63  }
0x160: {  	_ = 	snop  }
0x161: {  	[tilespmem:s20], [sflag:$0x2] =	stream.indirect.gather [hbm4b:s3+s19], $0x80, s0, s19, $0xb8;
	[tilespmem:$0x1C880] =	vst v63  }
0x162: {  	_ =	swait.ge [sflag:s21], $0x4000  }
0x163: {  	[sflag:s21] =	ssyncset.done $0x0  }
0x164: {  	[sflag:s21] =	ssyncadd.s32 $0xFFFFC000  }
0x165: {  	[spmem:s1] =	stream.indirect.scatter.add.f32 [tilespmem:s16], [sflag:$0x3], $0x80, s11, s19, $0xb8;
	[tilespmem:$0x1C880] =	vst v63  }
0x166: {  	_ =	swait.ge [sflag:s22], $0x4000  }
0x167: {  	[sflag:s22] =	ssyncset.done $0x0  }
0x168: {  	[sflag:s22] =	ssyncadd.s32 $0xFFFFC000  }
0x169: {  	[spmem:s1] =	stream.indirect.scatter.add.f32 [tilespmem:s20], [sflag:$0x4], $0x80, s12, s19, $0xb8;
	[tilespmem:$0x1C880] =	vst v63  }
0x16a: {  	_ =	swait.ge [sflag:s24], $0x4000  }
0x16b: {  	[sflag:s24] =	ssyncset.done $0x0  }
0x16c: {  	[sflag:s24] =	ssyncadd.s32 $0xFFFFC000  }
0x16d: {  	_ =	swait.ge [sflag:s25], $0x4000  }
0x16e: {  	[sflag:s25] =	ssyncset.done $0x0  }
0x16f: {  	[sflag:s25] =	ssyncadd.s32 $0xFFFFC000  }
0x170: {  	[tilespmem:s16], [sflag:$0x1] =	stream.indirect.gather [hbm4b:s3+s19], $0x80, s9, s19, $0xb8;
	[tilespmem:$0x1C880] =	vst v63  }
0x171: {  	_ = 	snop  }
0x172: {  	[tilespmem:s20], [sflag:$0x2] =	stream.indirect.gather [hbm4b:s3+s19], $0x80, s10, s19, $0xb8;
	[tilespmem:$0x1C880] =	vst v63  }
0x173: {  	_ =	swait.ge [sflag:s21], $0x4000  }
0x174: {  	[sflag:s21] =	ssyncset.done $0x0  }
0x175: {  	[sflag:s21] =	ssyncadd.s32 $0xFFFFC000  }
0x176: {  	[spmem:s1] =	stream.indirect.scatter.add.f32 [tilespmem:s16], [sflag:$0x3], $0x80, s5, s19, $0xb8;
	[tilespmem:$0x1C880] =	vst v63  }
0x177: {  	_ =	swait.ge [sflag:s22], $0x4000  }
0x178: {  	[sflag:s22] =	ssyncset.done $0x0  }
0x179: {  	[sflag:s22] =	ssyncadd.s32 $0xFFFFC000  }
0x17a: {  	[spmem:s1] =	stream.indirect.scatter.add.f32 [tilespmem:s20], [sflag:$0x4], $0x80, s6, s19, $0xb8;
	[tilespmem:$0x1C880] =	vst v63  }
0x17b: {  	_ =	swait.ge [sflag:s24], $0x4000  }
.Ltmp4:
0x17c: {  	[sflag:s24] =	ssyncset.done $0x0;
	(pc) =	sbr.rel @!p1 .LBB2_6-.Ltmp4, $4  }
0x17d: {  	[sflag:s24] =	ssyncadd.s32 $0xFFFFC000  }
0x17e: {  	_ =	swait.ge [sflag:s25], $0x4000  }
0x17f: {  	[sflag:s25] =	ssyncset.done $0x0  }
0x180: {  	[sflag:s25] =	ssyncadd.s32 $0xFFFFC000  }
.Ltmp5:
0x181: {  	(pc) =	sbr.rel @p2 .LBB2_10-.Ltmp5, $2  }
0x182: {  	_ =	sdelay $0x2  }
0x183: {  	s13 =	rddreg [dreg:$0x10]  }
0x184: {  	s4 =	rddreg [dreg:$0xc];
	s8 =	simm.s32 $0x5  }
0x185: {  	[tilespmem:s2], [sflag:$0x5] =	stream.linear.gather [hbm4b:s4+s2], $0x80, $0x38;
	[tilespmem:$0x1C880] =	vst v63  }
0x186: {  	_ =	swait.ge [sflag:s8], $0x80  }
0x187: {  	[sflag:s8] =	ssyncset.done $0x0  }
0x188: {  	s7 =	simm.s32 $0x800;
	s14 =	rddreg [dreg:$0xd];
	[sflag:s8] =	ssyncadd.s32 $0xFFFFFF80  }
0x189: {  	[tilespmem:s7], [sflag:$0x5] =	stream.linear.gather [hbm4b:s14+s2], $0x80, $0x38;
	[tilespmem:$0x1C880] =	vst v63  }
0x18a: {  	_ =	swait.ge [sflag:s8], $0x80  }
0x18b: {  	[sflag:s8] =	ssyncset.done $0x0  }
0x18c: {  	[sflag:s8] =	ssyncadd.s32 $0xFFFFFF80  }
0x18d: {  	[tilespmem:s16], [sflag:$0x1] =	stream.indirect.gather [hbm4b:s3+s19], $0x80, s2, s19, $0xb8;
	[tilespmem:$0x1C880] =	vst v63  }
.Ltmp6:
0x18e: {  	_ = 	snop;
	(pc) =	sbr.rel .LBB2_9-.Ltmp6, $4  }
0x18f: {  	_ =	swait.ge [sflag:s21], $0x4000  }
0x190: {  	[sflag:s21] =	ssyncset.done $0x0  }
0x191: {  	[sflag:s21] =	ssyncadd.s32 $0xFFFFC000  }
0x192: {  	[spmem:s1] =	stream.indirect.scatter.add.f32 [tilespmem:s16], [sflag:$0x5], $0x80, s7, s19, $0xb8;
	[tilespmem:$0x1C880] =	vst v63  }
.LBB2_11:
0x193: {  	_ =	sfence.sel $0x180000  }
0x194: {  	[bflag:$0x0] =	sbarrier.arrive $0xFFFF  }
0x195: {  	_ =	strace $0x9000004A  }
0x196: {  	[bflag:$0x2] =	sbarrier.arrive $0xFFFF  }
0x197: {  	s0 =	rddreg [dreg:$0x3]  }
0x198: {  	s0 =	sadd.s32 @!p0 $0x100000, s0  }
0x199: {  	[sflag:s0] =	ssyncadd.tile.s32 @!p0 $0x1;
	_ =	shalt  }
.Lfunc_end2:
_tile_overlayer_lowered:
.L_overlay_start_2:
0x19a: {  	(tag) =	ssettag $0x2  }
0x19b: {  	s0 =	rddreg [dreg:$0x0];
	s2 =	stileid.u32  }
0x19c: {  	s1 =	rddreg [dreg:$0x1];
	p0 =	sne.s32 s2, $0x0  }
0x19d: {  	s3 =	rddreg [dreg:$0x2];
	[bflag:$0x3] =	sbarrier.arrive $0xFFFF;
	s2 =	simm.s32 @!p0 $0x1C05  }
0x19e: {  	[timem:s3], [sflag:s2] =	dma.local @!p0 [hbm:s0], s1  }
0x19f: {  	s0 =	simm.s32 @!p0 $0x5  }
0x1a0: {  	_ =	swait.ge @!p0 [sflag:s0], s1  }
0x1a1: {  	s1 =	ssub.s32 @!p0 $0x0, s1;
	[sflag:s0] =	ssyncset.done @!p0 $0x0  }
0x1a2: {  	[sflag:s0] =	ssyncadd.s32 @!p0 s1  }
0x1a3: {  	[bflag:$0x3] =	sbarrier.arrive $0xFFFF  }
0x1a4: {  	_ =	shalt  }

// kernel: kernel.14.cloned.1.call-start
scs
__scs_entry_jumppad:
0x0: {  	(pc) =	sbr.rel $0x88, $3  }
0x1: {  	(tag) =	ssettag $0x0;
	lr =	simm.s32 $0x1  }
0x2: {  	[smem:$0x3F9D] =	sst lr;
	_ =	strace $0xD0000000  }
0x3: {  	_ = 	snop  }
0x4: {  	_ = 	snop  }
0x5: {  	_ = 	snop  }
0x6: {  	_ = 	snop  }
0x7: {  	_ = 	snop  }
__scs_overlays_trampoline_lowered:
0x8: {  	[smem:$0x3FAC] =	sst s0  }
0x9: {  	[smem:$0x3FAD] =	sst s1  }
0xa: {  	[smem:$0x3FAE] =	sst s2  }
0xb: {  	[smem:$0x3FAF] =	sst s3  }
0xc: {  	[smem:$0x3FB0] =	sst s4  }
0xd: {  	[smem:$0x3FB1] =	sst s5  }
0xe: {  	[smem:$0x3FB2] =	sst s6  }
0xf: {  	[smem:$0x3FB3] =	sst s7  }
0x10: {  	[smem:$0x3FB4] =	sst s8  }
0x11: {  	[smem:$0x3FB5] =	sst s9;
	s0 =	simm.s32 @!p0 $0x0  }
0x12: {  	s1 =	sld [smem:$0x3F9B];
	s0 =	simm.s32 @p0 $0x1  }
0x13: {  	[smem:$0x3FB6] =	sst s0;
	s0 =	simm.s32 @!p1 $0x0  }
0x14: {  	s2 =	sld [smem:$0x3F9A];
	s0 =	simm.s32 @p1 $0x1  }
0x15: {  	[smem:$0x3FB7] =	sst s0;
	s0 =	simm.s32 @!p2 $0x0  }
0x16: {  	s3 =	sld [smem:$0x3FDB];
	s0 =	simm.s32 @p2 $0x1  }
0x17: {  	s4 =	simm.s32 $0x1BF5;
	[smem:$0x3FB9] =	sst s0  }
0x18: {  	s0 =	sld [smem:$0x3F9C];
	_ =	swait.ge [sflag:s4], $0x0  }
0x19: {  	s7 =	sld [smem:$0x3F9D]  }
0x1a: {  	s8 =	sadd.s32 $0xFFFFE003, lr  }
0x1b: {  	s9 =	sadd.s32 $0xFFFFFEF7, lr;
	s5 =	simm.s32 $0xFFFFFFFF;
	p2 =	slt.u32 s8, $0xFFFFF086  }
0x1c: {  	p1 =	slt.u32 s9, $0xF7A;
	s5 =	simm.s32 @!p2 $0x0  }
0x1d: {  	s5 =	simm.s32 @p1 $0x1;
	p0 =	seq.s32 s7, s2  }
0x1e: {  	s7 =	smul.u32 @!p0 $0xF7A, s2;
	p2 =	seq.s32 @!p0 s5, $0x0  }
0x1f: {  	s9 =	smul.u32 $0xF7A, s1;
	s8 =	simm.s32 @!p0 $0x1BF5;
	p2 =	por !p2, p0  }
0x20: {  	[sflag:s8] =	ssyncset.s32 @!p0 $0xFFFFF086;
	s6 =	sadd.s32 @!p0 s3, s7;
	s7 =	simm.s32 @!p0 $0x108  }
0x21: {  	s3 =	sadd.s32 s3, s9;
	s6 =	sadd.s32 @!p0 $0x88, s6;
	s7 =	simm.s32 @p2 $0x1082  }
0x22: {  	[simem:s7], [sflag:s8] =	dma.local @!p0 [hbm:s6], $0xF7A  }
0x23: {  	s9 =	sor.u32 $0xD0000000, s2;
	s6 =	simm.s32 $0x108;
	_ =	swait.ge @!p0 [sflag:s8], $0x0  }
0x24: {  	s3 =	sadd.s32 $0x88, s3;
	s6 =	simm.s32 @!p1 $0x1082;
	[sflag:s4] =	ssyncset.s32 $0xFFFFF086  }
0x25: {  	[simem:s6], [sflag:s4] =	dma.local [hbm:s3], $0xF7A  }
0x26: {  	[smem:$0x3F9D] =	sst s1;
	(tag) =	ssettag s2;
	_ =	strace s9  }
0x27: {  	s1 =	sld [smem:$0x3FAD]  }
0x28: {  	s2 =	sld [smem:$0x3FAE]  }
0x29: {  	s4 =	sld [smem:$0x3FB0]  }
0x2a: {  	p0 =	seq.s32 s5, $0x0;
	s5 =	sld [smem:$0x3FB1]  }
0x2b: {  	s6 =	sld [smem:$0x3FB2]  }
0x2c: {  	s7 =	sld [smem:$0x3FB3]  }
0x2d: {  	s3 =	simm.s32 $0x108;
	s8 =	sld [smem:$0x3FB4]  }
0x2e: {  	s3 =	simm.s32 @!p0 $0x1082;
	s9 =	sld [smem:$0x3FB5]  }
0x2f: {  	lr =	sadd.s32 s0, s3;
	s0 =	sld [smem:$0x3FAC]  }
0x30: {  	s3 =	sld [smem:$0x3FAF]  }
0x31: {  	[smem:$0x3FB8] =	sst s10  }
0x32: {  	s10 =	sld [smem:$0x3FB6];
	_ =	sdelay $0x3  }
0x33: {  	p0 =	seq.s32 s10, $0x1;
	s10 =	sld [smem:$0x3FB8];
	_ =	sdelay $0x3  }
0x34: {  	[smem:$0x3FB8] =	sst s10  }
0x35: {  	s10 =	sld [smem:$0x3FB7];
	_ =	sdelay $0x3  }
0x36: {  	p1 =	seq.s32 s10, $0x1;
	s10 =	sld [smem:$0x3FB8];
	_ =	sdelay $0x3  }
0x37: {  	[smem:$0x3FB8] =	sst s10  }
0x38: {  	s10 =	sld [smem:$0x3FB9]  }
0x39: {  	_ = 	snop;
	(pc) =	sbr.ind lr, $3  }
0x3a: {  	_ = 	snop  }
0x3b: {  	_ = 	snop  }
0x3c: {  	p2 =	seq.s32 s10, $0x1;
	s10 =	sld [smem:$0x3FB8]  }
0x3d: {  	_ =	shalt  }
0x3e: {  	_ =	shalt  }
0x3f: {  	_ =	shalt  }
0x40: {  	_ =	shalt  }
0x41: {  	_ =	shalt  }
0x42: {  	_ =	shalt  }
0x43: {  	_ =	shalt  }
0x44: {  	_ =	shalt  }
0x45: {  	_ =	shalt  }
0x46: {  	_ =	shalt  }
0x47: {  	_ =	shalt  }
0x48: {  	_ =	shalt  }
0x49: {  	_ =	shalt  }
0x4a: {  	_ =	shalt  }
0x4b: {  	_ =	shalt  }
0x4c: {  	_ =	shalt  }
0x4d: {  	_ =	shalt  }
0x4e: {  	_ =	shalt  }
0x4f: {  	_ =	shalt  }
0x50: {  	_ =	shalt  }
0x51: {  	_ =	shalt  }
0x52: {  	_ =	shalt  }
0x53: {  	_ =	shalt  }
0x54: {  	_ =	shalt  }
0x55: {  	_ =	shalt  }
0x56: {  	_ =	shalt  }
0x57: {  	_ =	shalt  }
0x58: {  	_ =	shalt  }
0x59: {  	_ =	shalt  }
0x5a: {  	_ =	shalt  }
0x5b: {  	_ =	shalt  }
0x5c: {  	_ =	shalt  }
0x5d: {  	_ =	shalt  }
0x5e: {  	_ =	shalt  }
0x5f: {  	_ =	shalt  }
0x60: {  	_ =	shalt  }
0x61: {  	_ =	shalt  }
0x62: {  	_ =	shalt  }
0x63: {  	_ =	shalt  }
0x64: {  	_ =	shalt  }
0x65: {  	_ =	shalt  }
0x66: {  	_ =	shalt  }
0x67: {  	_ =	shalt  }
0x68: {  	_ =	shalt  }
0x69: {  	_ =	shalt  }
0x6a: {  	_ =	shalt  }
0x6b: {  	_ =	shalt  }
0x6c: {  	_ =	shalt  }
0x6d: {  	_ =	shalt  }
0x6e: {  	_ =	shalt  }
0x6f: {  	_ =	shalt  }
0x70: {  	_ =	shalt  }
0x71: {  	_ =	shalt  }
0x72: {  	_ =	shalt  }
0x73: {  	_ =	shalt  }
0x74: {  	_ =	shalt  }
0x75: {  	_ =	shalt  }
0x76: {  	_ =	shalt  }
0x77: {  	_ =	shalt  }
0x78: {  	_ =	shalt  }
0x79: {  	_ =	shalt  }
0x7a: {  	_ =	shalt  }
0x7b: {  	_ =	shalt  }
0x7c: {  	_ =	shalt  }
0x7d: {  	_ =	shalt  }
0x7e: {  	_ =	shalt  }
0x7f: {  	_ =	shalt  }
0x80: {  	_ =	shalt  }
0x81: {  	_ =	shalt  }
0x82: {  	_ =	shalt  }
0x83: {  	_ =	shalt  }
0x84: {  	_ =	shalt  }
0x85: {  	_ =	shalt  }
0x86: {  	_ =	shalt  }
0x87: {  	_ =	shalt  }
.Lfunc_end0:
.L_simem_size_0:
called_computation.2_lowered:
.L_overlay_start_0:
0x88: {  	s2 =	sld [smem:$0x3FD9]  }
0x89: {  	s3 =	sld [smem:$0x3FFE];
	_ =	sdelay $0x1  }
0x8a: {  	s1 =	srdreg.scid  }
0x8b: {  	s0 =	sand.u32 $0x1, s1  }
0x8c: {  	s17 =	sshll.u32 s0, $0xA;
	s2 =	sadd.s32 s3, s2  }
0x8d: {  	s2 =	sadd.s32 s2, s17  }
0x8e: {  	[smem:$0x3FC4] =	sst s2  }
0x8f: {  	_ = 	snop  }
0x90: {  	s2 =	sld [smem:$0x3FD0];
	(tm) =	ssettm $0x1  }
0x91: {  	s18 =	sld [smem:$0x3FFB];
	_ =	sdelay $0x3  }
0x92: {  	_ =	strace s18  }
0x93: {  	s3 =	sld [smem:$0x3FFC];
	_ =	sdelay $0x3  }
0x94: {  	_ =	strace s3  }
0x95: {  	s3 =	sld [smem:$0x3FFD];
	_ =	sdelay $0x3  }
0x96: {  	_ =	strace s3  }
0x97: {  	_ =	strace $0x8FFFFFFF  }
0x98: {  	s19 =	sld [smem:$0x3FDB];
	_ =	sdelay $0x1  }
0x99: {  	s4 =	simm.s32 $_scs_section_size  }
0x9a: {  	s5 =	simm.s32 $_size__tile_overlayer_lowered;
	s6 =	simm.s32 $_tile_overlayer_lowered  }
0x9b: {  	s22 =	simm.s32 $0x1BFF;
	s21 =	sshll.u32 s6, $0x1;
	s3 =	sadd.s32 s4, s19  }
0x9c: {  	s7 =	simm.s32 $0x0;
	s20 =	sshll.u32 s5, $0x1;
	s5 =	sadd.s32 s21, s3  }
0x9d: {  	[timem:s7], [sflag:s22] =	dma.local [hbm:s5], s20  }
0x9e: {  	_ =	swait.ge [sflag:s22], s20  }
0x9f: {  	s4 =	ssub.s32 $0x0, s20;
	[sflag:s22] =	ssyncset.done $0x0  }
0xa0: {  	[sflag:s22] =	ssyncadd.s32 s4;
	_ =	sdelay $0x1  }
0xa1: {  	s23 =	simm.s32 $0x1B8B  }
0xa2: {  	_ =	swait.ge [sflag:s23], $0x1  }
0xa3: {  	[sflag:s23] =	ssyncset.done $0x0  }
0xa4: {  	s25 =	simm.s32 $0x1B8E;
	s24 =	sld [smem:$0x3FFE];
	[sflag:s23] =	ssyncadd.s32 $0xFFFFFFFF  }
0xa5: {  	s26 =	simm.s32 $execute0_lowered;
	[smem:$0x3FD2] =	sst s25  }
0xa6: {  	s5 =	sshll.u32 s26, $0x1;
	_ =	strace $0x8000004C;
	[dreg:$0x1] =	wrdreg $0xFFFFFFFF  }
0xa7: {  	s28 =	simm.s32 $_size_execute0_lowered;
	s3 =	sadd.s32 s3, s5;
	[dreg:$0x0] =	wrdreg $0x0  }
0xa8: {  	s5 =	sshll.u32 s28, $0x1;
	[dreg:$0x2] =	wrdreg s3  }
0xa9: {  	[dreg:$0x3] =	wrdreg s5  }
0xaa: {  	[dreg:$0x4] =	wrdreg $0xC0  }
0xab: {  	_ =	task [dreg:s7], $0x5FFFF  }
0xac: {  	[dreg:$0x1] =	wrdreg $0xFFFFFFFF  }
0xad: {  	[dreg:$0x0] =	wrdreg $0x60  }
0xae: {  	[dreg:$0x2] =	wrdreg s24  }
0xaf: {  	[dreg:$0x3] =	wrdreg s2  }
0xb0: {  	[dreg:$0x4] =	wrdreg $0x88800  }
0xb1: {  	[dreg:$0x5] =	wrdreg $0x9  }
0xb2: {  	_ =	task.clear_ibuf [dreg:s7], $0x6FFFF;
	_ =	strace $0x9000004C  }
0xb3: {  	s29 =	simm.s32 $0x9;
	_ =	strace $0x8000004E  }
0xb4: {  	_ =	swait.ge [sflag:s29], $0x1  }
0xb5: {  	[sflag:s29] =	ssyncadd.s32 $0xFFFFFFFF  }
0xb6: {  	_ =	strace $0x9000004E  }
0xb7: {  	_ =	sfence  }
0xb8: {  	s30 =	sld [smem:$0x0];
	_ =	sdelay $0x2  }
0xb9: {  	s31 =	sshll.u32 s1, $0xD;
	s1 =	sshrl.u32 s1, $0x2  }
0xba: {  	s3 =	sand.u32 $0x4000, s31;
	s1 =	sadd.s32 s1, s30  }
0xbb: {  	s0 =	sor.u32 s3, s0;
	s1 =	sshll.u32 s1, $0x11  }
0xbc: {  	s0 =	sor.u32 s1, s0  }
0xbd: {  	s0 =	sadd.s32 $0x8F2B, s0  }
0xbe: {  	[sflag:s0] =	ssyncadd.remote.s32 $0x1  }
0xbf: {  	_ =	sfence.sel $0xFFFF  }
0xc0: {  	[dreg:$0x0] =	wrdreg $0xFFFFFFFF;
	(pc) =	sbr.abs _section_cstart, $3  }
0xc1: {  	[dreg:$0x1] =	wrdreg $0xFFFFFFFF  }
0xc2: {  	_ =	task.clear_ibuf [dreg:s7], $0x2FFFF;
	_ =	strace $0x9FFFFFFF  }
0xc3: {  	(tm) =	ssettm $0x7FFFFFFF  }
tec
execute0_lowered:
.L_overlay_start_1:
0x0: {  	(tag) =	ssettag $0x1  }
0x1: {  	s0 =	rddreg [dreg:$0x0];
	s1 =	srdreg.scid  }
0x2: {  	s5 =	rddreg [dreg:$0x1];
	s7 =	stileid.u32  }
0x3: {  	s2 =	simm.s32 $0x0;
	s28 =	simm.s32 $0x180;
	s29 =	simm.s32 $0x500  }
0x4: {  	s30 =	simm.s32 $0x580;
	s6 =	sand.u32 $0x1, s1;
	s1 =	rddreg [dreg:$0x2]  }
0x5: {  	s31 =	simm.s32 $0x200;
	[smem:$0x7FF] =	sst s2;
	s13 =	smul.u32 $0x50000, s7  }
0x6: {  	s10 =	sadd.s32 $0x1E00, s0;
	s20 =	smul.u32 $0x9, s7;
	p0 =	sne.s32 s7, $0x0  }
0x7: {  	s3 =	sshll.u32 s6, $0x4;
	_ =	strace $0x8000004D;
	s11 =	smul.u32 $0x28000, s6  }
0x8: {  	s26 =	ssub.s32 $0x2, s6;
	s6 =	smul.u32 $0x90, s6;
	s8 =	sor.u32 s7, s3  }
0x9: {  	s3 =	sadd.s32 $0x5C000, s0;
	s15 =	sshrl.u32 s26, $0x1;
	s16 =	sshrl.u32 s13, $0x2  }
0xa: {  	s9 =	sshll.u32 s8, $0x7;
	s14 =	smul.u32 $0x9, s8;
	s6 =	sadd.s32 s20, s6  }
0xb: {  	s20 =	simm.s32 $0x4880;
	p1 =	sgt.u32 s8, $0x17;
	s4 =	sadd.s32 $0xFFFFF200, s9  }
0xc: {  	p2 =	slt.u32 s8, $0x1C;
	s9 =	sshrl.u32 s9, $0x3;
	s4 =	sshrl.u32 s4, $0x3  }
0xd: {  	s9 =	sadd.s32 s5, s9;
	s12 =	sadd.s32 s4, s0;
	s0 =	sadd.s32 s11, s0  }
0xe: {  	s11 =	ssub.s32 s26, s15;
	s15 =	smin.u32 s8, $0x18;
	s4 =	sadd.s32 s16, s1  }
0xf: {  	s23 =	sadd.s32 $0x9A40, s9;
	s9 =	simm.s32 $0x300;
	[dreg:$0x5] =	wrdreg s4  }
0x10: {  	s17 =	sadd.s32 s15, s14;
	s18 =	sadd.s32 $0x4000, s4;
	[dreg:$0xc] =	wrdreg s23  }
0x11: {  	s19 =	sadd.s32 $0x8000, s4;
	s16 =	sadd.s32 $0xC000, s4;
	[dreg:$0x6] =	wrdreg s18  }
0x12: {  	s4 =	sadd.s32 $0x10000, s4;
	s6 =	sadd.s32 s15, s6;
	[dreg:$0x7] =	wrdreg s19  }
0x13: {  	s24 =	sadd.s32 $0xBC00, s12;
	s0 =	sadd.s32 $0x84000, s0;
	[dreg:$0x8] =	wrdreg s16  }
0x14: {  	s26 =	smax.u32 s11, $0x1;
	s23 =	simm.s32 $0x480;
	[dreg:$0x9] =	wrdreg s4  }
0x15: {  	s11 =	simm.s32 $0x600;
	s12 =	simm.s32 $0x680;
	[dreg:$0xd] =	wrdreg s24  }
0x16: {  	s13 =	sshll.u32 s17, $0x7;
	s6 =	sshll.u32 s6, $0x7;
	[dreg:$0xe] =	wrdreg s0  }
0x17: {  	[dreg:$0xf] =	wrdreg s26;
	s16 =	simm.s32 $0x880;
	s17 =	simm.s32 $0x5  }
0x18: {  	s18 =	simm.s32 $0x400;
	s19 =	simm.s32 $0x80;
	s24 =	simm.s32 $0x3  }
0x19: {  	s26 =	simm.s32 $0x100;
	s0 =	simm.s32 $0x280;
	s13 =	sadd.s32 $0x480, s13  }
.Ltmp0:
0x1a: {  	s25 =	sadd.s32 s6, s10;
	s15 =	sadd.s32 s6, s5;
	(pc) =	sbr.rel .LBB2_1-.Ltmp0, $4  }
0x1b: {  	s6 =	simm.s32 $0x780;
	s21 =	sadd.s32 s5, s13;
	s22 =	sadd.s32 s10, s13  }
0x1c: {  	[dreg:$0x4] =	wrdreg s25;
	s25 =	simm.s32 $0x4;
	s10 =	simm.s32 $0x380  }
0x1d: {  	s5 =	simm.s32 $0x700;
	s13 =	simm.s32 $0x0;
	[dreg:$0xa] =	wrdreg s21  }
0x1e: {  	v0 =	vimm.f32 $0.0e+00;
	[dreg:$0xb] =	wrdreg s22;
	s21 =	simm.s32 $0x1;
	s22 =	simm.s32 $0x2  }
.LBB2_6:
0x1f: {  	s4 =	rddreg [dreg:$0xa]  }
0x20: {  	[tilespmem:s2], [sflag:$0x5] =	stream.linear.gather [hbm4b:s4+s2], $0x400, $0x38;
	[tilespmem:$0x1C880] =	vst v63  }
0x21: {  	_ =	swait.ge [sflag:s17], $0x400  }
0x22: {  	[sflag:s17] =	ssyncset.done $0x0  }
0x23: {  	s14 =	rddreg [dreg:$0xb];
	[sflag:s17] =	ssyncadd.s32 $0xFFFFFC00  }
0x24: {  	[tilespmem:s18], [sflag:$0x5] =	stream.linear.gather [hbm4b:s14+s2], $0x400, $0x38;
	[tilespmem:$0x1C880] =	vst v63  }
0x25: {  	_ =	swait.ge [sflag:s17], $0x400  }
0x26: {  	[sflag:s17] =	ssyncset.done $0x0  }
0x27: {  	[sflag:s17] =	ssyncadd.s32 $0xFFFFFC00  }
0x28: {  	[tilespmem:s16], [sflag:$0x1] =	stream.indirect.gather [hbm4b:s3+s19], $0x80, s2, s19, $0xb8;
	[tilespmem:$0x1C880] =	vst v63  }
0x29: {  	_ = 	snop  }
0x2a: {  	[tilespmem:s20], [sflag:$0x2] =	stream.indirect.gather [hbm4b:s3+s19], $0x80, s19, s19, $0xb8;
	[tilespmem:$0x1C880] =	vst v63  }
0x2b: {  	_ =	swait.ge [sflag:s21], $0x4000  }
0x2c: {  	[sflag:s21] =	ssyncset.done $0x0  }
0x2d: {  	[sflag:s21] =	ssyncadd.s32 $0xFFFFC000  }
0x2e: {  	[spmem:s1] =	stream.indirect.scatter.add.f32 [tilespmem:s16], [sflag:$0x3], $0x80, s18, s19, $0xb8;
	[tilespmem:$0x1C880] =	vst v63  }
0x2f: {  	_ =	swait.ge [sflag:s22], $0x4000  }
0x30: {  	[sflag:s22] =	ssyncset.done $0x0  }
0x31: {  	[sflag:s22] =	ssyncadd.s32 $0xFFFFC000  }
0x32: {  	[spmem:s1] =	stream.indirect.scatter.add.f32 [tilespmem:s20], [sflag:$0x4], $0x80, s23, s19, $0xb8;
	[tilespmem:$0x1C880] =	vst v63  }
0x33: {  	_ =	swait.ge [sflag:s24], $0x4000  }
0x34: {  	[sflag:s24] =	ssyncset.done $0x0  }
0x35: {  	s8 =	simm.s32 $0x4;
	[sflag:s24] =	ssyncadd.s32 $0xFFFFC000  }
0x36: {  	_ =	swait.ge [sflag:s8], $0x4000  }
0x37: {  	[sflag:s8] =	ssyncset.done $0x0  }
0x38: {  	[sflag:s8] =	ssyncadd.s32 $0xFFFFC000  }
0x39: {  	[tilespmem:s16], [sflag:$0x1] =	stream.indirect.gather [hbm4b:s3+s19], $0x80, s26, s19, $0xb8;
	[tilespmem:$0x1C880] =	vst v63  }
0x3a: {  	_ = 	snop  }
0x3b: {  	[tilespmem:s20], [sflag:$0x2] =	stream.indirect.gather [hbm4b:s3+s19], $0x80, s28, s19, $0xb8;
	[tilespmem:$0x1C880] =	vst v63  }
0x3c: {  	_ =	swait.ge [sflag:s21], $0x4000  }
0x3d: {  	[sflag:s21] =	ssyncset.done $0x0  }
0x3e: {  	[sflag:s21] =	ssyncadd.s32 $0xFFFFC000  }
0x3f: {  	[spmem:s1] =	stream.indirect.scatter.add.f32 [tilespmem:s16], [sflag:$0x3], $0x80, s29, s19, $0xb8;
	[tilespmem:$0x1C880] =	vst v63  }
0x40: {  	_ =	swait.ge [sflag:s22], $0x4000  }
0x41: {  	[sflag:s22] =	ssyncset.done $0x0  }
0x42: {  	[sflag:s22] =	ssyncadd.s32 $0xFFFFC000  }
0x43: {  	[spmem:s1] =	stream.indirect.scatter.add.f32 [tilespmem:s20], [sflag:$0x4], $0x80, s30, s19, $0xb8;
	[tilespmem:$0x1C880] =	vst v63  }
0x44: {  	_ =	swait.ge [sflag:s24], $0x4000  }
0x45: {  	[sflag:s24] =	ssyncset.done $0x0  }
0x46: {  	[sflag:s24] =	ssyncadd.s32 $0xFFFFC000  }
0x47: {  	_ =	swait.ge [sflag:s8], $0x4000  }
0x48: {  	[sflag:s8] =	ssyncset.done $0x0  }
0x49: {  	[sflag:s8] =	ssyncadd.s32 $0xFFFFC000  }
0x4a: {  	[tilespmem:s16], [sflag:$0x1] =	stream.indirect.gather [hbm4b:s3+s19], $0x80, s31, s19, $0xb8;
	[tilespmem:$0x1C880] =	vst v63  }
0x4b: {  	_ = 	snop  }
0x4c: {  	[tilespmem:s20], [sflag:$0x2] =	stream.indirect.gather [hbm4b:s3+s19], $0x80, s0, s19, $0xb8;
	[tilespmem:$0x1C880] =	vst v63  }
0x4d: {  	_ =	swait.ge [sflag:s21], $0x4000  }
0x4e: {  	[sflag:s21] =	ssyncset.done $0x0  }
0x4f: {  	[sflag:s21] =	ssyncadd.s32 $0xFFFFC000  }
0x50: {  	[spmem:s1] =	stream.indirect.scatter.add.f32 [tilespmem:s16], [sflag:$0x3], $0x80, s11, s19, $0xb8;
	[tilespmem:$0x1C880] =	vst v63  }
0x51: {  	_ =	swait.ge [sflag:s22], $0x4000  }
0x52: {  	[sflag:s22] =	ssyncset.done $0x0  }
0x53: {  	[sflag:s22] =	ssyncadd.s32 $0xFFFFC000  }
0x54: {  	[spmem:s1] =	stream.indirect.scatter.add.f32 [tilespmem:s20], [sflag:$0x4], $0x80, s12, s19, $0xb8;
	[tilespmem:$0x1C880] =	vst v63  }
0x55: {  	_ =	swait.ge [sflag:s24], $0x4000  }
0x56: {  	[sflag:s24] =	ssyncset.done $0x0  }
0x57: {  	[sflag:s24] =	ssyncadd.s32 $0xFFFFC000  }
0x58: {  	_ =	swait.ge [sflag:s8], $0x4000  }
0x59: {  	[sflag:s8] =	ssyncset.done $0x0  }
0x5a: {  	[sflag:s8] =	ssyncadd.s32 $0xFFFFC000  }
0x5b: {  	[tilespmem:s16], [sflag:$0x1] =	stream.indirect.gather [hbm4b:s3+s19], $0x80, s9, s19, $0xb8;
	[tilespmem:$0x1C880] =	vst v63  }
0x5c: {  	_ = 	snop  }
0x5d: {  	[tilespmem:s20], [sflag:$0x2] =	stream.indirect.gather [hbm4b:s3+s19], $0x80, s10, s19, $0xb8;
	[tilespmem:$0x1C880] =	vst v63  }
0x5e: {  	_ =	swait.ge [sflag:s21], $0x4000  }
0x5f: {  	[sflag:s21] =	ssyncset.done $0x0  }
0x60: {  	[sflag:s21] =	ssyncadd.s32 $0xFFFFC000  }
0x61: {  	[spmem:s1] =	stream.indirect.scatter.add.f32 [tilespmem:s16], [sflag:$0x3], $0x80, s5, s19, $0xb8;
	[tilespmem:$0x1C880] =	vst v63  }
0x62: {  	_ =	swait.ge [sflag:s22], $0x4000  }
0x63: {  	[sflag:s22] =	ssyncset.done $0x0  }
0x64: {  	[sflag:s22] =	ssyncadd.s32 $0xFFFFC000  }
0x65: {  	[spmem:s1] =	stream.indirect.scatter.add.f32 [tilespmem:s20], [sflag:$0x4], $0x80, s6, s19, $0xb8;
	[tilespmem:$0x1C880] =	vst v63  }
0x66: {  	_ =	swait.ge [sflag:s24], $0x4000  }
0x67: {  	[sflag:s24] =	ssyncset.done $0x0  }
0x68: {  	[sflag:s24] =	ssyncadd.s32 $0xFFFFC000  }
.LBB2_9:
0x69: {  	_ =	swait.ge [sflag:s8], $0x4000  }
0x6a: {  	[sflag:s8] =	ssyncset.done $0x0  }
0x6b: {  	s13 =	rddreg [dreg:$0x10];
	[sflag:s8] =	ssyncadd.s32 $0xFFFFC000  }
.LBB2_10:
0x6c: {  	[bflag:$0x0] =	sbarrier.arrive $0xFFFF  }
0x6d: {  	s4 =	sshrl.u32 @!p0 s1, $0x3;
	s7 =	simm.s32 @!p0 $0x1C05;
	s8 =	rddreg [dreg:$0xe]  }
0x6e: {  	[hbm:s8], [sflag:s7] =	dma.local @!p0 [spmem:s4], $0x28000  }
0x6f: {  	s4 =	simm.s32 @!p0 $0x5  }
0x70: {  	_ =	swait.ge @!p0 [sflag:s4], $0x28000  }
0x71: {  	s13 =	sadd.s32 $0x1, s13;
	s14 =	rddreg [dreg:$0xf]  }
0x72: {  	p3 =	sne.s32 s13, s14  }
.Ltmp1:
0x73: {  	_ = 	snop;
	(pc) =	sbr.rel @!p3 .LBB2_11-.Ltmp1, $3  }
0x74: {  	_ =	sdelay $0x1  }
0x75: {  	[sflag:s4] =	ssyncset.done @!p0 $0x0  }
0x76: {  	[sflag:s4] =	ssyncadd.s32 @!p0 $0xFFFD8000  }
.LBB2_1:
0x77: {  	[dreg:$0x10] =	wrdreg s13;
	s8 =	simm.s32 $0x0;
	s13 =	simm.s32 $0x200  }
.LBB2_2:
0x78: {  	p3 =	sne.s32 s13, $0xFE00;
	[tilespmem:s8+$0x8F0] =	vst v0  }
0x79: {  	[tilespmem:s8+$0x880] =	vst v0  }
0x7a: {  	[tilespmem:s8+$0x890] =	vst v0  }
.Ltmp2:
0x7b: {  	[tilespmem:s8+$0x8A0] =	vst v0;
	(pc) =	sbr.rel @p3 .LBB2_2-.Ltmp2, $4  }
0x7c: {  	[tilespmem:s8+$0x8B0] =	vst v0  }
0x7d: {  	[tilespmem:s8+$0x8C0] =	vst v0  }
0x7e: {  	[tilespmem:s8+$0x8D0] =	vst v0  }
0x7f: {  	[tilespmem:s8+$0x8E0] =	vst v0;
	s8 =	sshra.s32 s13, $0x2;
	s13 =	sadd.s32 $0x200, s13  }
0x80: {  	[tilespmem:s8+$0x8F0] =	vst v0  }
0x81: {  	[tilespmem:s8+$0x880] =	vst v0  }
0x82: {  	[tilespmem:s8+$0x890] =	vst v0  }
0x83: {  	[tilespmem:s8+$0x8A0] =	vst v0  }
0x84: {  	[tilespmem:s8+$0x8B0] =	vst v0  }
0x85: {  	[tilespmem:s8+$0x8C0] =	vst v0  }
0x86: {  	[tilespmem:s8+$0x8D0] =	vst v0  }
0x87: {  	[tilespmem:s8+$0x8E0] =	vst v0;
	s4 =	rddreg [dreg:$0x5]  }
0x88: {  	[spmem:s4] =	stream.linear.scatter [tilespmem:s16], [sflag:$0x5], $0x4000, $0x38;
	[tilespmem:$0x1C880] =	vst v63  }
0x89: {  	_ =	swait.ge [sflag:s17], $0x4000  }
0x8a: {  	[sflag:s17] =	ssyncset.done $0x0  }
0x8b: {  	s13 =	rddreg [dreg:$0x6];
	[sflag:s17] =	ssyncadd.s32 $0xFFFFC000  }
0x8c: {  	[spmem:s13] =	stream.linear.scatter [tilespmem:s16], [sflag:$0x5], $0x4000, $0x38;
	[tilespmem:$0x1C880] =	vst v63  }
0x8d: {  	_ =	swait.ge [sflag:s17], $0x4000  }
0x8e: {  	[sflag:s17] =	ssyncset.done $0x0  }
0x8f: {  	s14 =	rddreg [dreg:$0x7];
	[sflag:s17] =	ssyncadd.s32 $0xFFFFC000  }
0x90: {  	[spmem:s14] =	stream.linear.scatter [tilespmem:s16], [sflag:$0x5], $0x4000, $0x38;
	[tilespmem:$0x1C880] =	vst v63  }
0x91: {  	_ =	swait.ge [sflag:s17], $0x4000  }
0x92: {  	[sflag:s17] =	ssyncset.done $0x0  }
0x93: {  	s7 =	rddreg [dreg:$0x8];
	[sflag:s17] =	ssyncadd.s32 $0xFFFFC000  }
0x94: {  	[spmem:s7] =	stream.linear.scatter [tilespmem:s16], [sflag:$0x5], $0x4000, $0x38;
	[tilespmem:$0x1C880] =	vst v63  }
0x95: {  	_ =	swait.ge [sflag:s17], $0x4000  }
0x96: {  	[sflag:s17] =	ssyncset.done $0x0  }
0x97: {  	s8 =	rddreg [dreg:$0x9];
	[sflag:s17] =	ssyncadd.s32 $0xFFFFC000  }
0x98: {  	[spmem:s8] =	stream.linear.scatter [tilespmem:s16], [sflag:$0x5], $0x4000, $0x38;
	[tilespmem:$0x1C880] =	vst v63  }
0x99: {  	_ =	swait.ge [sflag:s17], $0x4000  }
0x9a: {  	[sflag:s17] =	ssyncset.done $0x0  }
0x9b: {  	[sflag:s17] =	ssyncadd.s32 $0xFFFFC000  }
0x9c: {  	s13 =	sadd.s32 $0x0, s15;
	[bflag:$0x0] =	sbarrier.arrive $0xFFFF  }
0x9d: {  	[tilespmem:s2], [sflag:$0x5] =	stream.linear.gather [hbm4b:s13+s2], $0x400, $0x38;
	[tilespmem:$0x1C880] =	vst v63  }
0x9e: {  	_ =	swait.ge [sflag:s17], $0x400  }
0x9f: {  	s14 =	rddreg [dreg:$0x4];
	[sflag:s17] =	ssyncset.done $0x0  }
0xa0: {  	[sflag:s17] =	ssyncadd.s32 $0xFFFFFC00;
	s8 =	sadd.s32 $0x0, s14  }
0xa1: {  	[tilespmem:s18], [sflag:$0x5] =	stream.linear.gather [hbm4b:s8+s2], $0x400, $0x38;
	[tilespmem:$0x1C880] =	vst v63  }
0xa2: {  	_ =	swait.ge [sflag:s17], $0x400  }
0xa3: {  	[sflag:s17] =	ssyncset.done $0x0  }
0xa4: {  	[sflag:s17] =	ssyncadd.s32 $0xFFFFFC00  }
0xa5: {  	[tilespmem:s16], [sflag:$0x1] =	stream.indirect.gather [hbm4b:s3+s19], $0x80, s2, s19, $0xb8;
	[tilespmem:$0x1C880] =	vst v63  }
0xa6: {  	_ = 	snop  }
0xa7: {  	[tilespmem:s20], [sflag:$0x2] =	stream.indirect.gather [hbm4b:s3+s19], $0x80, s19, s19, $0xb8;
	[tilespmem:$0x1C880] =	vst v63  }
0xa8: {  	_ =	swait.ge [sflag:s21], $0x4000  }
0xa9: {  	[sflag:s21] =	ssyncset.done $0x0  }
0xaa: {  	[sflag:s21] =	ssyncadd.s32 $0xFFFFC000  }
0xab: {  	[spmem:s1] =	stream.indirect.scatter.add.f32 [tilespmem:s16], [sflag:$0x3], $0x80, s18, s19, $0xb8;
	[tilespmem:$0x1C880] =	vst v63  }
0xac: {  	_ =	swait.ge [sflag:s22], $0x4000  }
0xad: {  	[sflag:s22] =	ssyncset.done $0x0  }
0xae: {  	[sflag:s22] =	ssyncadd.s32 $0xFFFFC000  }
0xaf: {  	[spmem:s1] =	stream.indirect.scatter.add.f32 [tilespmem:s20], [sflag:$0x4], $0x80, s23, s19, $0xb8;
	[tilespmem:$0x1C880] =	vst v63  }
0xb0: {  	_ =	swait.ge [sflag:s24], $0x4000  }
0xb1: {  	[sflag:s24] =	ssyncset.done $0x0  }
0xb2: {  	[sflag:s24] =	ssyncadd.s32 $0xFFFFC000  }
0xb3: {  	_ =	swait.ge [sflag:s25], $0x4000  }
0xb4: {  	[sflag:s25] =	ssyncset.done $0x0  }
0xb5: {  	[sflag:s25] =	ssyncadd.s32 $0xFFFFC000  }
0xb6: {  	[tilespmem:s16], [sflag:$0x1] =	stream.indirect.gather [hbm4b:s3+s19], $0x80, s26, s19, $0xb8;
	[tilespmem:$0x1C880] =	vst v63  }
0xb7: {  	_ = 	snop  }
0xb8: {  	[tilespmem:s20], [sflag:$0x2] =	stream.indirect.gather [hbm4b:s3+s19], $0x80, s28, s19, $0xb8;
	[tilespmem:$0x1C880] =	vst v63  }
0xb9: {  	_ =	swait.ge [sflag:s21], $0x4000  }
0xba: {  	[sflag:s21] =	ssyncset.done $0x0  }
0xbb: {  	[sflag:s21] =	ssyncadd.s32 $0xFFFFC000  }
0xbc: {  	[spmem:s1] =	stream.indirect.scatter.add.f32 [tilespmem:s16], [sflag:$0x3], $0x80, s29, s19, $0xb8;
	[tilespmem:$0x1C880] =	vst v63  }
0xbd: {  	_ =	swait.ge [sflag:s22], $0x4000  }
0xbe: {  	[sflag:s22] =	ssyncset.done $0x0  }
0xbf: {  	[sflag:s22] =	ssyncadd.s32 $0xFFFFC000  }
0xc0: {  	[spmem:s1] =	stream.indirect.scatter.add.f32 [tilespmem:s20], [sflag:$0x4], $0x80, s30, s19, $0xb8;
	[tilespmem:$0x1C880] =	vst v63  }
0xc1: {  	_ =	swait.ge [sflag:s24], $0x4000  }
0xc2: {  	[sflag:s24] =	ssyncset.done $0x0  }
0xc3: {  	[sflag:s24] =	ssyncadd.s32 $0xFFFFC000  }
0xc4: {  	_ =	swait.ge [sflag:s25], $0x4000  }
0xc5: {  	[sflag:s25] =	ssyncset.done $0x0  }
0xc6: {  	[sflag:s25] =	ssyncadd.s32 $0xFFFFC000  }
0xc7: {  	[tilespmem:s16], [sflag:$0x1] =	stream.indirect.gather [hbm4b:s3+s19], $0x80, s31, s19, $0xb8;
	[tilespmem:$0x1C880] =	vst v63  }
0xc8: {  	_ = 	snop  }
0xc9: {  	[tilespmem:s20], [sflag:$0x2] =	stream.indirect.gather [hbm4b:s3+s19], $0x80, s0, s19, $0xb8;
	[tilespmem:$0x1C880] =	vst v63  }
0xca: {  	_ =	swait.ge [sflag:s21], $0x4000  }
0xcb: {  	[sflag:s21] =	ssyncset.done $0x0  }
0xcc: {  	[sflag:s21] =	ssyncadd.s32 $0xFFFFC000  }
0xcd: {  	[spmem:s1] =	stream.indirect.scatter.add.f32 [tilespmem:s16], [sflag:$0x3], $0x80, s11, s19, $0xb8;
	[tilespmem:$0x1C880] =	vst v63  }
0xce: {  	_ =	swait.ge [sflag:s22], $0x4000  }
0xcf: {  	[sflag:s22] =	ssyncset.done $0x0  }
0xd0: {  	[sflag:s22] =	ssyncadd.s32 $0xFFFFC000  }
0xd1: {  	[spmem:s1] =	stream.indirect.scatter.add.f32 [tilespmem:s20], [sflag:$0x4], $0x80, s12, s19, $0xb8;
	[tilespmem:$0x1C880] =	vst v63  }
0xd2: {  	_ =	swait.ge [sflag:s24], $0x4000  }
0xd3: {  	[sflag:s24] =	ssyncset.done $0x0  }
0xd4: {  	[sflag:s24] =	ssyncadd.s32 $0xFFFFC000  }
0xd5: {  	_ =	swait.ge [sflag:s25], $0x4000  }
0xd6: {  	[sflag:s25] =	ssyncset.done $0x0  }
0xd7: {  	[sflag:s25] =	ssyncadd.s32 $0xFFFFC000  }
0xd8: {  	[tilespmem:s16], [sflag:$0x1] =	stream.indirect.gather [hbm4b:s3+s19], $0x80, s9, s19, $0xb8;
	[tilespmem:$0x1C880] =	vst v63  }
0xd9: {  	_ = 	snop  }
0xda: {  	[tilespmem:s20], [sflag:$0x2] =	stream.indirect.gather [hbm4b:s3+s19], $0x80, s10, s19, $0xb8;
	[tilespmem:$0x1C880] =	vst v63  }
0xdb: {  	_ =	swait.ge [sflag:s21], $0x4000  }
0xdc: {  	[sflag:s21] =	ssyncset.done $0x0  }
0xdd: {  	[sflag:s21] =	ssyncadd.s32 $0xFFFFC000  }
0xde: {  	[spmem:s1] =	stream.indirect.scatter.add.f32 [tilespmem:s16], [sflag:$0x3], $0x80, s5, s19, $0xb8;
	[tilespmem:$0x1C880] =	vst v63  }
0xdf: {  	_ =	swait.ge [sflag:s22], $0x4000  }
0xe0: {  	[sflag:s22] =	ssyncset.done $0x0  }
0xe1: {  	[sflag:s22] =	ssyncadd.s32 $0xFFFFC000  }
0xe2: {  	[spmem:s1] =	stream.indirect.scatter.add.f32 [tilespmem:s20], [sflag:$0x4], $0x80, s6, s19, $0xb8;
	[tilespmem:$0x1C880] =	vst v63  }
0xe3: {  	_ =	swait.ge [sflag:s24], $0x4000  }
0xe4: {  	[sflag:s24] =	ssyncset.done $0x0  }
0xe5: {  	[sflag:s24] =	ssyncadd.s32 $0xFFFFC000  }
0xe6: {  	_ =	swait.ge [sflag:s25], $0x4000  }
0xe7: {  	s13 =	simm.s32 $0x100;
	s8 =	simm.s32 $0x80;
	[sflag:s25] =	ssyncset.done $0x0  }
.LBB2_4:
0xe8: {  	s4 =	sadd.s32 s8, s15;
	[sflag:s25] =	ssyncadd.s32 $0xFFFFC000  }
0xe9: {  	[tilespmem:s2], [sflag:$0x5] =	stream.linear.gather [hbm4b:s4+s2], $0x400, $0x38;
	[tilespmem:$0x1C880] =	vst v63  }
0xea: {  	s7 =	smov.u32 s13;
	s14 =	sadd.s32 $0x80, s13;
	_ =	swait.ge [sflag:s17], $0x400  }
0xeb: {  	p3 =	sne.s32 s13, $0x400;
	s13 =	rddreg [dreg:$0x4];
	[sflag:s17] =	ssyncset.done $0x0  }
0xec: {  	[sflag:s17] =	ssyncadd.s32 $0xFFFFFC00;
	s4 =	sadd.s32 s8, s13  }
0xed: {  	[tilespmem:s18], [sflag:$0x5] =	stream.linear.gather [hbm4b:s4+s2], $0x400, $0x38;
	[tilespmem:$0x1C880] =	vst v63  }
0xee: {  	_ =	swait.ge [sflag:s17], $0x400  }
0xef: {  	[sflag:s17] =	ssyncset.done $0x0  }
0xf0: {  	[sflag:s17] =	ssyncadd.s32 $0xFFFFFC00  }
0xf1: {  	[tilespmem:s16], [sflag:$0x1] =	stream.indirect.gather [hbm4b:s3+s19], $0x80, s2, s19, $0xb8;
	[tilespmem:$0x1C880] =	vst v63  }
0xf2: {  	_ = 	snop  }
0xf3: {  	[tilespmem:s20], [sflag:$0x2] =	stream.indirect.gather [hbm4b:s3+s19], $0x80, s19, s19, $0xb8;
	[tilespmem:$0x1C880] =	vst v63  }
0xf4: {  	_ =	swait.ge [sflag:s21], $0x4000  }
0xf5: {  	[sflag:s21] =	ssyncset.done $0x0  }
0xf6: {  	[sflag:s21] =	ssyncadd.s32 $0xFFFFC000  }
0xf7: {  	[spmem:s1] =	stream.indirect.scatter.add.f32 [tilespmem:s16], [sflag:$0x3], $0x80, s18, s19, $0xb8;
	[tilespmem:$0x1C880] =	vst v63  }
0xf8: {  	_ =	swait.ge [sflag:s22], $0x4000  }
0xf9: {  	[sflag:s22] =	ssyncset.done $0x0  }
0xfa: {  	[sflag:s22] =	ssyncadd.s32 $0xFFFFC000  }
0xfb: {  	[spmem:s1] =	stream.indirect.scatter.add.f32 [tilespmem:s20], [sflag:$0x4], $0x80, s23, s19, $0xb8;
	[tilespmem:$0x1C880] =	vst v63  }
0xfc: {  	_ =	swait.ge [sflag:s24], $0x4000  }
0xfd: {  	[sflag:s24] =	ssyncset.done $0x0  }
0xfe: {  	[sflag:s24] =	ssyncadd.s32 $0xFFFFC000  }
0xff: {  	_ =	swait.ge [sflag:s25], $0x4000  }
0x100: {  	[sflag:s25] =	ssyncset.done $0x0  }
0x101: {  	[sflag:s25] =	ssyncadd.s32 $0xFFFFC000  }
0x102: {  	[tilespmem:s16], [sflag:$0x1] =	stream.indirect.gather [hbm4b:s3+s19], $0x80, s26, s19, $0xb8;
	[tilespmem:$0x1C880] =	vst v63  }
0x103: {  	_ = 	snop  }
0x104: {  	[tilespmem:s20], [sflag:$0x2] =	stream.indirect.gather [hbm4b:s3+s19], $0x80, s28, s19, $0xb8;
	[tilespmem:$0x1C880] =	vst v63  }
0x105: {  	_ =	swait.ge [sflag:s21], $0x4000  }
0x106: {  	[sflag:s21] =	ssyncset.done $0x0  }
0x107: {  	[sflag:s21] =	ssyncadd.s32 $0xFFFFC000  }
0x108: {  	[spmem:s1] =	stream.indirect.scatter.add.f32 [tilespmem:s16], [sflag:$0x3], $0x80, s29, s19, $0xb8;
	[tilespmem:$0x1C880] =	vst v63  }
0x109: {  	_ =	swait.ge [sflag:s22], $0x4000  }
0x10a: {  	[sflag:s22] =	ssyncset.done $0x0  }
0x10b: {  	[sflag:s22] =	ssyncadd.s32 $0xFFFFC000  }
0x10c: {  	[spmem:s1] =	stream.indirect.scatter.add.f32 [tilespmem:s20], [sflag:$0x4], $0x80, s30, s19, $0xb8;
	[tilespmem:$0x1C880] =	vst v63  }
0x10d: {  	_ =	swait.ge [sflag:s24], $0x4000  }
0x10e: {  	[sflag:s24] =	ssyncset.done $0x0  }
0x10f: {  	[sflag:s24] =	ssyncadd.s32 $0xFFFFC000  }
0x110: {  	_ =	swait.ge [sflag:s25], $0x4000  }
0x111: {  	[sflag:s25] =	ssyncset.done $0x0  }
0x112: {  	[sflag:s25] =	ssyncadd.s32 $0xFFFFC000  }
0x113: {  	[tilespmem:s16], [sflag:$0x1] =	stream.indirect.gather [hbm4b:s3+s19], $0x80, s31, s19, $0xb8;
	[tilespmem:$0x1C880] =	vst v63  }
0x114: {  	_ = 	snop  }
0x115: {  	[tilespmem:s20], [sflag:$0x2] =	stream.indirect.gather [hbm4b:s3+s19], $0x80, s0, s19, $0xb8;
	[tilespmem:$0x1C880] =	vst v63  }
0x116: {  	_ =	swait.ge [sflag:s21], $0x4000  }
0x117: {  	[sflag:s21] =	ssyncset.done $0x0  }
0x118: {  	[sflag:s21] =	ssyncadd.s32 $0xFFFFC000  }
0x119: {  	[spmem:s1] =	stream.indirect.scatter.add.f32 [tilespmem:s16], [sflag:$0x3], $0x80, s11, s19, $0xb8;
	[tilespmem:$0x1C880] =	vst v63  }
0x11a: {  	_ =	swait.ge [sflag:s22], $0x4000  }
0x11b: {  	[sflag:s22] =	ssyncset.done $0x0  }
0x11c: {  	[sflag:s22] =	ssyncadd.s32 $0xFFFFC000  }
0x11d: {  	[spmem:s1] =	stream.indirect.scatter.add.f32 [tilespmem:s20], [sflag:$0x4], $0x80, s12, s19, $0xb8;
	[tilespmem:$0x1C880] =	vst v63  }
0x11e: {  	_ =	swait.ge [sflag:s24], $0x4000  }
0x11f: {  	[sflag:s24] =	ssyncset.done $0x0  }
0x120: {  	[sflag:s24] =	ssyncadd.s32 $0xFFFFC000  }
0x121: {  	_ =	swait.ge [sflag:s25], $0x4000  }
0x122: {  	[sflag:s25] =	ssyncset.done $0x0  }
0x123: {  	[sflag:s25] =	ssyncadd.s32 $0xFFFFC000  }
0x124: {  	[tilespmem:s16], [sflag:$0x1] =	stream.indirect.gather [hbm4b:s3+s19], $0x80, s9, s19, $0xb8;
	[tilespmem:$0x1C880] =	vst v63  }
0x125: {  	_ = 	snop  }
0x126: {  	[tilespmem:s20], [sflag:$0x2] =	stream.indirect.gather [hbm4b:s3+s19], $0x80, s10, s19, $0xb8;
	[tilespmem:$0x1C880] =	vst v63  }
0x127: {  	_ =	swait.ge [sflag:s21], $0x4000  }
0x128: {  	[sflag:s21] =	ssyncset.done $0x0  }
0x129: {  	[sflag:s21] =	ssyncadd.s32 $0xFFFFC000  }
0x12a: {  	[spmem:s1] =	stream.indirect.scatter.add.f32 [tilespmem:s16], [sflag:$0x3], $0x80, s5, s19, $0xb8;
	[tilespmem:$0x1C880] =	vst v63  }
0x12b: {  	_ =	swait.ge [sflag:s22], $0x4000  }
0x12c: {  	[sflag:s22] =	ssyncset.done $0x0  }
0x12d: {  	[sflag:s22] =	ssyncadd.s32 $0xFFFFC000  }
0x12e: {  	[spmem:s1] =	stream.indirect.scatter.add.f32 [tilespmem:s20], [sflag:$0x4], $0x80, s6, s19, $0xb8;
	[tilespmem:$0x1C880] =	vst v63  }
.Ltmp3:
0x12f: {  	_ =	swait.ge [sflag:s24], $0x4000;
	(pc) =	sbr.rel @p3 .LBB2_4-.Ltmp3, $4  }
0x130: {  	[sflag:s24] =	ssyncset.done $0x0  }
0x131: {  	[sflag:s24] =	ssyncadd.s32 $0xFFFFC000  }
0x132: {  	_ =	swait.ge [sflag:s25], $0x4000  }
0x133: {  	s8 =	smov.u32 s7;
	s13 =	smov.u32 s14;
	[sflag:s25] =	ssyncset.done $0x0  }
0x134: {  	s4 =	sadd.s32 s8, s15;
	[sflag:s25] =	ssyncadd.s32 $0xFFFFC000  }
0x135: {  	[tilespmem:s2], [sflag:$0x5] =	stream.linear.gather [hbm4b:s4+s2], $0x400, $0x38;
	[tilespmem:$0x1C880] =	vst v63  }
0x136: {  	_ =	swait.ge [sflag:s17], $0x400  }
0x137: {  	s14 =	rddreg [dreg:$0x4];
	[sflag:s17] =	ssyncset.done $0x0  }
0x138: {  	s4 =	sadd.s32 s8, s14;
	[sflag:s17] =	ssyncadd.s32 $0xFFFFFC00  }
0x139: {  	[tilespmem:s18], [sflag:$0x5] =	stream.linear.gather [hbm4b:s4+s2], $0x400, $0x38;
	[tilespmem:$0x1C880] =	vst v63  }
0x13a: {  	_ =	swait.ge [sflag:s17], $0x400  }
0x13b: {  	[sflag:s17] =	ssyncset.done $0x0  }
0x13c: {  	[sflag:s17] =	ssyncadd.s32 $0xFFFFFC00  }
0x13d: {  	[tilespmem:s16], [sflag:$0x1] =	stream.indirect.gather [hbm4b:s3+s19], $0x80, s2, s19, $0xb8;
	[tilespmem:$0x1C880] =	vst v63  }
0x13e: {  	_ = 	snop  }
0x13f: {  	[tilespmem:s20], [sflag:$0x2] =	stream.indirect.gather [hbm4b:s3+s19], $0x80, s19, s19, $0xb8;
	[tilespmem:$0x1C880] =	vst v63  }
0x140: {  	_ =	swait.ge [sflag:s21], $0x4000  }
0x141: {  	[sflag:s21] =	ssyncset.done $0x0  }
0x142: {  	[sflag:s21] =	ssyncadd.s32 $0xFFFFC000  }
0x143: {  	[spmem:s1] =	stream.indirect.scatter.add.f32 [tilespmem:s16], [sflag:$0x3], $0x80, s18, s19, $0xb8;
	[tilespmem:$0x1C880] =	vst v63  }
0x144: {  	_ =	swait.ge [sflag:s22], $0x4000  }
0x145: {  	[sflag:s22] =	ssyncset.done $0x0  }
0x146: {  	[sflag:s22] =	ssyncadd.s32 $0xFFFFC000  }
0x147: {  	[spmem:s1] =	stream.indirect.scatter.add.f32 [tilespmem:s20], [sflag:$0x4], $0x80, s23, s19, $0xb8;
	[tilespmem:$0x1C880] =	vst v63  }
0x148: {  	_ =	swait.ge [sflag:s24], $0x4000  }
0x149: {  	[sflag:s24] =	ssyncset.done $0x0  }
0x14a: {  	[sflag:s24] =	ssyncadd.s32 $0xFFFFC000  }
0x14b: {  	_ =	swait.ge [sflag:s25], $0x4000  }
0x14c: {  	[sflag:s25] =	ssyncset.done $0x0  }
0x14d: {  	[sflag:s25] =	ssyncadd.s32 $0xFFFFC000  }
0x14e: {  	[tilespmem:s16], [sflag:$0x1] =	stream.indirect.gather [hbm4b:s3+s19], $0x80, s26, s19, $0xb8;
	[tilespmem:$0x1C880] =	vst v63  }
0x14f: {  	_ = 	snop  }
0x150: {  	[tilespmem:s20], [sflag:$0x2] =	stream.indirect.gather [hbm4b:s3+s19], $0x80, s28, s19, $0xb8;
	[tilespmem:$0x1C880] =	vst v63  }
0x151: {  	_ =	swait.ge [sflag:s21], $0x4000  }
0x152: {  	[sflag:s21] =	ssyncset.done $0x0  }
0x153: {  	[sflag:s21] =	ssyncadd.s32 $0xFFFFC000  }
0x154: {  	[spmem:s1] =	stream.indirect.scatter.add.f32 [tilespmem:s16], [sflag:$0x3], $0x80, s29, s19, $0xb8;
	[tilespmem:$0x1C880] =	vst v63  }
0x155: {  	_ =	swait.ge [sflag:s22], $0x4000  }
0x156: {  	[sflag:s22] =	ssyncset.done $0x0  }
0x157: {  	[sflag:s22] =	ssyncadd.s32 $0xFFFFC000  }
0x158: {  	[spmem:s1] =	stream.indirect.scatter.add.f32 [tilespmem:s20], [sflag:$0x4], $0x80, s30, s19, $0xb8;
	[tilespmem:$0x1C880] =	vst v63  }
0x159: {  	_ =	swait.ge [sflag:s24], $0x4000  }
0x15a: {  	[sflag:s24] =	ssyncset.done $0x0  }
0x15b: {  	[sflag:s24] =	ssyncadd.s32 $0xFFFFC000  }
0x15c: {  	_ =	swait.ge [sflag:s25], $0x4000  }
0x15d: {  	[sflag:s25] =	ssyncset.done $0x0  }
0x15e: {  	[sflag:s25] =	ssyncadd.s32 $0xFFFFC000  }
0x15f: {  	[tilespmem:s16], [sflag:$0x1] =	stream.indirect.gather [hbm4b:s3+s19], $0x80, s31, s19, $0xb8;
	[tilespmem:$0x1C880] =	vst v63  }
0x160: {  	_ = 	snop  }
0x161: {  	[tilespmem:s20], [sflag:$0x2] =	stream.indirect.gather [hbm4b:s3+s19], $0x80, s0, s19, $0xb8;
	[tilespmem:$0x1C880] =	vst v63  }
0x162: {  	_ =	swait.ge [sflag:s21], $0x4000  }
0x163: {  	[sflag:s21] =	ssyncset.done $0x0  }
0x164: {  	[sflag:s21] =	ssyncadd.s32 $0xFFFFC000  }
0x165: {  	[spmem:s1] =	stream.indirect.scatter.add.f32 [tilespmem:s16], [sflag:$0x3], $0x80, s11, s19, $0xb8;
	[tilespmem:$0x1C880] =	vst v63  }
0x166: {  	_ =	swait.ge [sflag:s22], $0x4000  }
0x167: {  	[sflag:s22] =	ssyncset.done $0x0  }
0x168: {  	[sflag:s22] =	ssyncadd.s32 $0xFFFFC000  }
0x169: {  	[spmem:s1] =	stream.indirect.scatter.add.f32 [tilespmem:s20], [sflag:$0x4], $0x80, s12, s19, $0xb8;
	[tilespmem:$0x1C880] =	vst v63  }
0x16a: {  	_ =	swait.ge [sflag:s24], $0x4000  }
0x16b: {  	[sflag:s24] =	ssyncset.done $0x0  }
0x16c: {  	[sflag:s24] =	ssyncadd.s32 $0xFFFFC000  }
0x16d: {  	_ =	swait.ge [sflag:s25], $0x4000  }
0x16e: {  	[sflag:s25] =	ssyncset.done $0x0  }
0x16f: {  	[sflag:s25] =	ssyncadd.s32 $0xFFFFC000  }
0x170: {  	[tilespmem:s16], [sflag:$0x1] =	stream.indirect.gather [hbm4b:s3+s19], $0x80, s9, s19, $0xb8;
	[tilespmem:$0x1C880] =	vst v63  }
0x171: {  	_ = 	snop  }
0x172: {  	[tilespmem:s20], [sflag:$0x2] =	stream.indirect.gather [hbm4b:s3+s19], $0x80, s10, s19, $0xb8;
	[tilespmem:$0x1C880] =	vst v63  }
0x173: {  	_ =	swait.ge [sflag:s21], $0x4000  }
0x174: {  	[sflag:s21] =	ssyncset.done $0x0  }
0x175: {  	[sflag:s21] =	ssyncadd.s32 $0xFFFFC000  }
0x176: {  	[spmem:s1] =	stream.indirect.scatter.add.f32 [tilespmem:s16], [sflag:$0x3], $0x80, s5, s19, $0xb8;
	[tilespmem:$0x1C880] =	vst v63  }
0x177: {  	_ =	swait.ge [sflag:s22], $0x4000  }
0x178: {  	[sflag:s22] =	ssyncset.done $0x0  }
0x179: {  	[sflag:s22] =	ssyncadd.s32 $0xFFFFC000  }
0x17a: {  	[spmem:s1] =	stream.indirect.scatter.add.f32 [tilespmem:s20], [sflag:$0x4], $0x80, s6, s19, $0xb8;
	[tilespmem:$0x1C880] =	vst v63  }
0x17b: {  	_ =	swait.ge [sflag:s24], $0x4000  }
.Ltmp4:
0x17c: {  	[sflag:s24] =	ssyncset.done $0x0;
	(pc) =	sbr.rel @!p1 .LBB2_6-.Ltmp4, $4  }
0x17d: {  	[sflag:s24] =	ssyncadd.s32 $0xFFFFC000  }
0x17e: {  	_ =	swait.ge [sflag:s25], $0x4000  }
0x17f: {  	[sflag:s25] =	ssyncset.done $0x0  }
0x180: {  	[sflag:s25] =	ssyncadd.s32 $0xFFFFC000  }
.Ltmp5:
0x181: {  	(pc) =	sbr.rel @p2 .LBB2_10-.Ltmp5, $2  }
0x182: {  	_ =	sdelay $0x2  }
0x183: {  	s13 =	rddreg [dreg:$0x10]  }
0x184: {  	s4 =	rddreg [dreg:$0xc];
	s8 =	simm.s32 $0x5  }
0x185: {  	[tilespmem:s2], [sflag:$0x5] =	stream.linear.gather [hbm4b:s4+s2], $0x80, $0x38;
	[tilespmem:$0x1C880] =	vst v63  }
0x186: {  	_ =	swait.ge [sflag:s8], $0x80  }
0x187: {  	[sflag:s8] =	ssyncset.done $0x0  }
0x188: {  	s7 =	simm.s32 $0x800;
	s14 =	rddreg [dreg:$0xd];
	[sflag:s8] =	ssyncadd.s32 $0xFFFFFF80  }
0x189: {  	[tilespmem:s7], [sflag:$0x5] =	stream.linear.gather [hbm4b:s14+s2], $0x80, $0x38;
	[tilespmem:$0x1C880] =	vst v63  }
0x18a: {  	_ =	swait.ge [sflag:s8], $0x80  }
0x18b: {  	[sflag:s8] =	ssyncset.done $0x0  }
0x18c: {  	[sflag:s8] =	ssyncadd.s32 $0xFFFFFF80  }
0x18d: {  	[tilespmem:s16], [sflag:$0x1] =	stream.indirect.gather [hbm4b:s3+s19], $0x80, s2, s19, $0xb8;
	[tilespmem:$0x1C880] =	vst v63  }
.Ltmp6:
0x18e: {  	_ = 	snop;
	(pc) =	sbr.rel .LBB2_9-.Ltmp6, $4  }
0x18f: {  	_ =	swait.ge [sflag:s21], $0x4000  }
0x190: {  	[sflag:s21] =	ssyncset.done $0x0  }
0x191: {  	[sflag:s21] =	ssyncadd.s32 $0xFFFFC000  }
0x192: {  	[spmem:s1] =	stream.indirect.scatter.add.f32 [tilespmem:s16], [sflag:$0x5], $0x80, s7, s19, $0xb8;
	[tilespmem:$0x1C880] =	vst v63  }
.LBB2_11:
0x193: {  	_ =	sfence.sel $0x180000  }
0x194: {  	[bflag:$0x0] =	sbarrier.arrive $0xFFFF  }
0x195: {  	_ =	strace $0x9000004D  }
0x196: {  	[bflag:$0x2] =	sbarrier.arrive $0xFFFF  }
0x197: {  	s0 =	rddreg [dreg:$0x3]  }
0x198: {  	s0 =	sadd.s32 @!p0 $0x100000, s0  }
0x199: {  	[sflag:s0] =	ssyncadd.tile.s32 @!p0 $0x1;
	_ =	shalt  }
.Lfunc_end2:
_tile_overlayer_lowered:
.L_overlay_start_2:
0x19a: {  	(tag) =	ssettag $0x2  }
0x19b: {  	s0 =	rddreg [dreg:$0x0];
	s2 =	stileid.u32  }
0x19c: {  	s1 =	rddreg [dreg:$0x1];
	p0 =	sne.s32 s2, $0x0  }
0x19d: {  	s3 =	rddreg [dreg:$0x2];
	[bflag:$0x3] =	sbarrier.arrive $0xFFFF;
	s2 =	simm.s32 @!p0 $0x1C05  }
0x19e: {  	[timem:s3], [sflag:s2] =	dma.local @!p0 [hbm:s0], s1  }
0x19f: {  	s0 =	simm.s32 @!p0 $0x5  }
0x1a0: {  	_ =	swait.ge @!p0 [sflag:s0], s1  }
0x1a1: {  	s1 =	ssub.s32 @!p0 $0x0, s1;
	[sflag:s0] =	ssyncset.done @!p0 $0x0  }
0x1a2: {  	[sflag:s0] =	ssyncadd.s32 @!p0 s1  }
0x1a3: {  	[bflag:$0x3] =	sbarrier.arrive $0xFFFF  }
0x1a4: {  	_ =	shalt  }

// kernel: kernel.8.cloned.1.call-start
scs
__scs_entry_jumppad:
0x0: {  	(pc) =	sbr.rel $0x88, $3  }
0x1: {  	(tag) =	ssettag $0x0;
	lr =	simm.s32 $0x1  }
0x2: {  	[smem:$0x3F9D] =	sst lr;
	_ =	strace $0xD0000000  }
0x3: {  	_ = 	snop  }
0x4: {  	_ = 	snop  }
0x5: {  	_ = 	snop  }
0x6: {  	_ = 	snop  }
0x7: {  	_ = 	snop  }
__scs_overlays_trampoline_lowered:
0x8: {  	[smem:$0x3FAC] =	sst s0  }
0x9: {  	[smem:$0x3FAD] =	sst s1  }
0xa: {  	[smem:$0x3FAE] =	sst s2  }
0xb: {  	[smem:$0x3FAF] =	sst s3  }
0xc: {  	[smem:$0x3FB0] =	sst s4  }
0xd: {  	[smem:$0x3FB1] =	sst s5  }
0xe: {  	[smem:$0x3FB2] =	sst s6  }
0xf: {  	[smem:$0x3FB3] =	sst s7  }
0x10: {  	[smem:$0x3FB4] =	sst s8  }
0x11: {  	[smem:$0x3FB5] =	sst s9;
	s0 =	simm.s32 @!p0 $0x0  }
0x12: {  	s1 =	sld [smem:$0x3F9B];
	s0 =	simm.s32 @p0 $0x1  }
0x13: {  	[smem:$0x3FB6] =	sst s0;
	s0 =	simm.s32 @!p1 $0x0  }
0x14: {  	s2 =	sld [smem:$0x3F9A];
	s0 =	simm.s32 @p1 $0x1  }
0x15: {  	[smem:$0x3FB7] =	sst s0;
	s0 =	simm.s32 @!p2 $0x0  }
0x16: {  	s3 =	sld [smem:$0x3FDB];
	s0 =	simm.s32 @p2 $0x1  }
0x17: {  	s4 =	simm.s32 $0x1BF5;
	[smem:$0x3FB9] =	sst s0  }
0x18: {  	s0 =	sld [smem:$0x3F9C];
	_ =	swait.ge [sflag:s4], $0x0  }
0x19: {  	s7 =	sld [smem:$0x3F9D]  }
0x1a: {  	s8 =	sadd.s32 $0xFFFFE003, lr  }
0x1b: {  	s9 =	sadd.s32 $0xFFFFFEF7, lr;
	s5 =	simm.s32 $0xFFFFFFFF;
	p2 =	slt.u32 s8, $0xFFFFF086  }
0x1c: {  	p1 =	slt.u32 s9, $0xF7A;
	s5 =	simm.s32 @!p2 $0x0  }
0x1d: {  	s5 =	simm.s32 @p1 $0x1;
	p0 =	seq.s32 s7, s2  }
0x1e: {  	s7 =	smul.u32 @!p0 $0xF7A, s2;
	p2 =	seq.s32 @!p0 s5, $0x0  }
0x1f: {  	s9 =	smul.u32 $0xF7A, s1;
	s8 =	simm.s32 @!p0 $0x1BF5;
	p2 =	por !p2, p0  }
0x20: {  	[sflag:s8] =	ssyncset.s32 @!p0 $0xFFFFF086;
	s6 =	sadd.s32 @!p0 s3, s7;
	s7 =	simm.s32 @!p0 $0x108  }
0x21: {  	s3 =	sadd.s32 s3, s9;
	s6 =	sadd.s32 @!p0 $0x88, s6;
	s7 =	simm.s32 @p2 $0x1082  }
0x22: {  	[simem:s7], [sflag:s8] =	dma.local @!p0 [hbm:s6], $0xF7A  }
0x23: {  	s9 =	sor.u32 $0xD0000000, s2;
	s6 =	simm.s32 $0x108;
	_ =	swait.ge @!p0 [sflag:s8], $0x0  }
0x24: {  	s3 =	sadd.s32 $0x88, s3;
	s6 =	simm.s32 @!p1 $0x1082;
	[sflag:s4] =	ssyncset.s32 $0xFFFFF086  }
0x25: {  	[simem:s6], [sflag:s4] =	dma.local [hbm:s3], $0xF7A  }
0x26: {  	[smem:$0x3F9D] =	sst s1;
	(tag) =	ssettag s2;
	_ =	strace s9  }
0x27: {  	s1 =	sld [smem:$0x3FAD]  }
0x28: {  	s2 =	sld [smem:$0x3FAE]  }
0x29: {  	s4 =	sld [smem:$0x3FB0]  }
0x2a: {  	p0 =	seq.s32 s5, $0x0;
	s5 =	sld [smem:$0x3FB1]  }
0x2b: {  	s6 =	sld [smem:$0x3FB2]  }
0x2c: {  	s7 =	sld [smem:$0x3FB3]  }
0x2d: {  	s3 =	simm.s32 $0x108;
	s8 =	sld [smem:$0x3FB4]  }
0x2e: {  	s3 =	simm.s32 @!p0 $0x1082;
	s9 =	sld [smem:$0x3FB5]  }
0x2f: {  	lr =	sadd.s32 s0, s3;
	s0 =	sld [smem:$0x3FAC]  }
0x30: {  	s3 =	sld [smem:$0x3FAF]  }
0x31: {  	[smem:$0x3FB8] =	sst s10  }
0x32: {  	s10 =	sld [smem:$0x3FB6];
	_ =	sdelay $0x3  }
0x33: {  	p0 =	seq.s32 s10, $0x1;
	s10 =	sld [smem:$0x3FB8];
	_ =	sdelay $0x3  }
0x34: {  	[smem:$0x3FB8] =	sst s10  }
0x35: {  	s10 =	sld [smem:$0x3FB7];
	_ =	sdelay $0x3  }
0x36: {  	p1 =	seq.s32 s10, $0x1;
	s10 =	sld [smem:$0x3FB8];
	_ =	sdelay $0x3  }
0x37: {  	[smem:$0x3FB8] =	sst s10  }
0x38: {  	s10 =	sld [smem:$0x3FB9]  }
0x39: {  	_ = 	snop;
	(pc) =	sbr.ind lr, $3  }
0x3a: {  	_ = 	snop  }
0x3b: {  	_ = 	snop  }
0x3c: {  	p2 =	seq.s32 s10, $0x1;
	s10 =	sld [smem:$0x3FB8]  }
0x3d: {  	_ =	shalt  }
0x3e: {  	_ =	shalt  }
0x3f: {  	_ =	shalt  }
0x40: {  	_ =	shalt  }
0x41: {  	_ =	shalt  }
0x42: {  	_ =	shalt  }
0x43: {  	_ =	shalt  }
0x44: {  	_ =	shalt  }
0x45: {  	_ =	shalt  }
0x46: {  	_ =	shalt  }
0x47: {  	_ =	shalt  }
0x48: {  	_ =	shalt  }
0x49: {  	_ =	shalt  }
0x4a: {  	_ =	shalt  }
0x4b: {  	_ =	shalt  }
0x4c: {  	_ =	shalt  }
0x4d: {  	_ =	shalt  }
0x4e: {  	_ =	shalt  }
0x4f: {  	_ =	shalt  }
0x50: {  	_ =	shalt  }
0x51: {  	_ =	shalt  }
0x52: {  	_ =	shalt  }
0x53: {  	_ =	shalt  }
0x54: {  	_ =	shalt  }
0x55: {  	_ =	shalt  }
0x56: {  	_ =	shalt  }
0x57: {  	_ =	shalt  }
0x58: {  	_ =	shalt  }
0x59: {  	_ =	shalt  }
0x5a: {  	_ =	shalt  }
0x5b: {  	_ =	shalt  }
0x5c: {  	_ =	shalt  }
0x5d: {  	_ =	shalt  }
0x5e: {  	_ =	shalt  }
0x5f: {  	_ =	shalt  }
0x60: {  	_ =	shalt  }
0x61: {  	_ =	shalt  }
0x62: {  	_ =	shalt  }
0x63: {  	_ =	shalt  }
0x64: {  	_ =	shalt  }
0x65: {  	_ =	shalt  }
0x66: {  	_ =	shalt  }
0x67: {  	_ =	shalt  }
0x68: {  	_ =	shalt  }
0x69: {  	_ =	shalt  }
0x6a: {  	_ =	shalt  }
0x6b: {  	_ =	shalt  }
0x6c: {  	_ =	shalt  }
0x6d: {  	_ =	shalt  }
0x6e: {  	_ =	shalt  }
0x6f: {  	_ =	shalt  }
0x70: {  	_ =	shalt  }
0x71: {  	_ =	shalt  }
0x72: {  	_ =	shalt  }
0x73: {  	_ =	shalt  }
0x74: {  	_ =	shalt  }
0x75: {  	_ =	shalt  }
0x76: {  	_ =	shalt  }
0x77: {  	_ =	shalt  }
0x78: {  	_ =	shalt  }
0x79: {  	_ =	shalt  }
0x7a: {  	_ =	shalt  }
0x7b: {  	_ =	shalt  }
0x7c: {  	_ =	shalt  }
0x7d: {  	_ =	shalt  }
0x7e: {  	_ =	shalt  }
0x7f: {  	_ =	shalt  }
0x80: {  	_ =	shalt  }
0x81: {  	_ =	shalt  }
0x82: {  	_ =	shalt  }
0x83: {  	_ =	shalt  }
0x84: {  	_ =	shalt  }
0x85: {  	_ =	shalt  }
0x86: {  	_ =	shalt  }
0x87: {  	_ =	shalt  }
.Lfunc_end0:
.L_simem_size_0:
called_computation_lowered:
.L_overlay_start_0:
0x88: {  	s2 =	sld [smem:$0x3FD9]  }
0x89: {  	s3 =	sld [smem:$0x3FFE];
	_ =	sdelay $0x1  }
0x8a: {  	s1 =	srdreg.scid  }
0x8b: {  	s0 =	sand.u32 $0x1, s1  }
0x8c: {  	s17 =	sshll.u32 s0, $0xA;
	s2 =	sadd.s32 s3, s2  }
0x8d: {  	s2 =	sadd.s32 s2, s17  }
0x8e: {  	[smem:$0x3FC4] =	sst s2  }
0x8f: {  	_ = 	snop  }
0x90: {  	s2 =	sld [smem:$0x3FD0];
	(tm) =	ssettm $0x1  }
0x91: {  	s18 =	sld [smem:$0x3FFB];
	_ =	sdelay $0x3  }
0x92: {  	_ =	strace s18  }
0x93: {  	s3 =	sld [smem:$0x3FFC];
	_ =	sdelay $0x3  }
0x94: {  	_ =	strace s3  }
0x95: {  	s3 =	sld [smem:$0x3FFD];
	_ =	sdelay $0x3  }
0x96: {  	_ =	strace s3  }
0x97: {  	_ =	strace $0x8FFFFFFF  }
0x98: {  	s19 =	sld [smem:$0x3FDB];
	_ =	sdelay $0x1  }
0x99: {  	s4 =	simm.s32 $_scs_section_size  }
0x9a: {  	s5 =	simm.s32 $_size__tile_overlayer_lowered;
	s6 =	simm.s32 $_tile_overlayer_lowered  }
0x9b: {  	s22 =	simm.s32 $0x1BFF;
	s21 =	sshll.u32 s6, $0x1;
	s3 =	sadd.s32 s4, s19  }
0x9c: {  	s7 =	simm.s32 $0x0;
	s20 =	sshll.u32 s5, $0x1;
	s5 =	sadd.s32 s21, s3  }
0x9d: {  	[timem:s7], [sflag:s22] =	dma.local [hbm:s5], s20  }
0x9e: {  	_ =	swait.ge [sflag:s22], s20  }
0x9f: {  	s4 =	ssub.s32 $0x0, s20;
	[sflag:s22] =	ssyncset.done $0x0  }
0xa0: {  	[sflag:s22] =	ssyncadd.s32 s4;
	_ =	sdelay $0x1  }
0xa1: {  	s23 =	simm.s32 $0x1B8B  }
0xa2: {  	_ =	swait.ge [sflag:s23], $0x1  }
0xa3: {  	[sflag:s23] =	ssyncset.done $0x0  }
0xa4: {  	s25 =	simm.s32 $0x1B8E;
	s24 =	sld [smem:$0x3FFE];
	[sflag:s23] =	ssyncadd.s32 $0xFFFFFFFF  }
0xa5: {  	s26 =	simm.s32 $execute0_lowered;
	[smem:$0x3FD2] =	sst s25  }
0xa6: {  	s5 =	sshll.u32 s26, $0x1;
	_ =	strace $0x80000046;
	[dreg:$0x1] =	wrdreg $0xFFFFFFFF  }
0xa7: {  	s28 =	simm.s32 $_size_execute0_lowered;
	s3 =	sadd.s32 s3, s5;
	[dreg:$0x0] =	wrdreg $0x0  }
0xa8: {  	s5 =	sshll.u32 s28, $0x1;
	[dreg:$0x2] =	wrdreg s3  }
0xa9: {  	[dreg:$0x3] =	wrdreg s5  }
0xaa: {  	[dreg:$0x4] =	wrdreg $0xC0  }
0xab: {  	_ =	task [dreg:s7], $0x5FFFF  }
0xac: {  	[dreg:$0x1] =	wrdreg $0xFFFFFFFF  }
0xad: {  	[dreg:$0x0] =	wrdreg $0x60  }
0xae: {  	[dreg:$0x2] =	wrdreg s2  }
0xaf: {  	[dreg:$0x3] =	wrdreg s24  }
0xb0: {  	[dreg:$0x4] =	wrdreg $0x89000  }
0xb1: {  	[dreg:$0x5] =	wrdreg $0x9  }
0xb2: {  	_ =	task.clear_ibuf [dreg:s7], $0x6FFFF;
	_ =	strace $0x90000046  }
0xb3: {  	s29 =	simm.s32 $0x9;
	_ =	strace $0x80000048  }
0xb4: {  	_ =	swait.ge [sflag:s29], $0x1  }
0xb5: {  	[sflag:s29] =	ssyncadd.s32 $0xFFFFFFFF  }
0xb6: {  	_ =	strace $0x90000048  }
0xb7: {  	_ =	sfence  }
0xb8: {  	s30 =	sld [smem:$0x0];
	_ =	sdelay $0x2  }
0xb9: {  	s31 =	sshll.u32 s1, $0xD;
	s1 =	sshrl.u32 s1, $0x2  }
0xba: {  	s3 =	sand.u32 $0x4000, s31;
	s1 =	sadd.s32 s1, s30  }
0xbb: {  	s0 =	sor.u32 s3, s0;
	s1 =	sshll.u32 s1, $0x11  }
0xbc: {  	s0 =	sor.u32 s1, s0  }
0xbd: {  	s0 =	sadd.s32 $0x8F2B, s0  }
0xbe: {  	[sflag:s0] =	ssyncadd.remote.s32 $0x1  }
0xbf: {  	_ =	sfence.sel $0xFFFF  }
0xc0: {  	[dreg:$0x0] =	wrdreg $0xFFFFFFFF;
	(pc) =	sbr.abs _section_cstart, $3  }
0xc1: {  	[dreg:$0x1] =	wrdreg $0xFFFFFFFF  }
0xc2: {  	_ =	task.clear_ibuf [dreg:s7], $0x2FFFF;
	_ =	strace $0x9FFFFFFF  }
0xc3: {  	(tm) =	ssettm $0x7FFFFFFF  }
tec
execute0_lowered:
.L_overlay_start_1:
0x0: {  	(tag) =	ssettag $0x1  }
0x1: {  	s0 =	rddreg [dreg:$0x0]  }
0x2: {  	s1 =	srdreg.scid;
	s3 =	rddreg [dreg:$0x1]  }
0x3: {  	s5 =	stileid.u32;
	s2 =	simm.s32 $0x0;
	s28 =	simm.s32 $0x500  }
0x4: {  	s29 =	simm.s32 $0x180;
	s30 =	simm.s32 $0x580;
	s31 =	simm.s32 $0x200  }
0x5: {  	s4 =	sand.u32 $0x1, s1;
	s1 =	rddreg [dreg:$0x2];
	s10 =	smul.u32 $0x50000, s5  }
0x6: {  	[smem:$0x7FF] =	sst s2;
	s9 =	sadd.s32 $0x1E00, s3;
	s20 =	smul.u32 $0x9, s5  }
0x7: {  	p0 =	sne.s32 s5, $0x0;
	s6 =	sshll.u32 s4, $0x4;
	s8 =	smul.u32 $0x28000, s4  }
0x8: {  	_ =	strace $0x80000047;
	s15 =	ssub.s32 $0x2, s4;
	s4 =	smul.u32 $0x90, s4  }
0x9: {  	s6 =	sor.u32 s5, s6;
	s11 =	sshrl.u32 s15, $0x1;
	s10 =	sshrl.u32 s10, $0x2  }
0xa: {  	s5 =	simm.s32 $0x780;
	s7 =	sshll.u32 s6, $0x7;
	s8 =	sadd.s32 s8, s3  }
0xb: {  	s12 =	smul.u32 $0x9, s6;
	s11 =	ssub.s32 s15, s11;
	s13 =	smin.u32 s6, $0x18  }
0xc: {  	s16 =	sadd.s32 s10, s1;
	s4 =	sadd.s32 s20, s4;
	s20 =	simm.s32 $0x4900  }
0xd: {  	p1 =	sgt.u32 s6, $0x17;
	p2 =	slt.u32 s6, $0x1C;
	s7 =	sadd.s32 $0xFFFFF200, s7  }
0xe: {  	s18 =	sadd.s32 $0x4000, s16;
	s19 =	sadd.s32 $0x8000, s16;
	[dreg:$0x4] =	wrdreg s16  }
0xf: {  	s14 =	sadd.s32 $0xC000, s16;
	s4 =	sadd.s32 s13, s4;
	[dreg:$0x5] =	wrdreg s18  }
0x10: {  	s25 =	sadd.s32 $0xC000, s8;
	s26 =	smax.u32 s11, $0x1;
	[dreg:$0x6] =	wrdreg s19  }
0x11: {  	s11 =	simm.s32 $0x680;
	s8 =	simm.s32 $0x300;
	[dreg:$0x7] =	wrdreg s14  }
0x12: {  	s7 =	sshrl.u32 s7, $0x3;
	s17 =	sadd.s32 s13, s12;
	[dreg:$0xd] =	wrdreg s25  }
0x13: {  	[dreg:$0xe] =	wrdreg s26;
	s4 =	sshll.u32 s4, $0x7;
	s18 =	simm.s32 $0x400  }
0x14: {  	s19 =	simm.s32 $0x80;
	s25 =	simm.s32 $0x4;
	s26 =	simm.s32 $0x100  }
0x15: {  	s12 =	simm.s32 $0x0;
	s7 =	sadd.s32 s7, s3;
	s10 =	sshll.u32 s17, $0x7  }
0x16: {  	s3 =	sadd.s32 $0x10000, s16;
	s14 =	sadd.s32 s4, s0;
	s15 =	sadd.s32 s4, s9  }
0x17: {  	s16 =	simm.s32 $0x900;
	s17 =	simm.s32 $0x5;
	s4 =	simm.s32 $0x380  }
0x18: {  	[dreg:$0x8] =	wrdreg s3;
	s10 =	sadd.s32 $0x480, s10;
	s23 =	sadd.s32 $0xBE00, s7  }
.Ltmp0:
0x19: {  	s24 =	sadd.s32 $0xBC00, s7;
	[dreg:$0xb] =	wrdreg s23;
	(pc) =	sbr.rel .LBB2_1-.Ltmp0, $4  }
0x1a: {  	s21 =	sadd.s32 s0, s10;
	s22 =	sadd.s32 s9, s10;
	[dreg:$0xc] =	wrdreg s24  }
0x1b: {  	s23 =	simm.s32 $0x2;
	s24 =	simm.s32 $0x3;
	s0 =	simm.s32 $0x600  }
0x1c: {  	v0 =	vimm.f32 $0.0e+00;
	vm0 =	vcmask $0x300;
	vm1 =	vcmask $0x704;
	s10 =	simm.s32 $0x280;
	s9 =	simm.s32 $0x700;
	[dreg:$0x9] =	wrdreg s21  }
0x1d: {  	v1 =	vsel vm0, $0x3F800000, v0;
	v2 =	vsel vm1, $0x3F800000, v0;
	[dreg:$0xa] =	wrdreg s22;
	s21 =	simm.s32 $0x480;
	s22 =	simm.s32 $0x1  }
.LBB2_8:
0x1e: {  	s3 =	rddreg [dreg:$0x9]  }
0x1f: {  	[tilespmem:s2], [sflag:$0x5] =	stream.linear.gather [hbm4b:s3+s2], $0x400, $0x38;
	[tilespmem:$0x1C900] =	vst v63  }
0x20: {  	_ =	swait.ge [sflag:s17], $0x400  }
0x21: {  	[sflag:s17] =	ssyncset.done $0x0  }
0x22: {  	s13 =	rddreg [dreg:$0xa];
	[sflag:s17] =	ssyncadd.s32 $0xFFFFFC00  }
0x23: {  	[tilespmem:s18], [sflag:$0x5] =	stream.linear.gather [hbm4b:s13+s2], $0x400, $0x38;
	[tilespmem:$0x1C900] =	vst v63  }
0x24: {  	_ =	swait.ge [sflag:s17], $0x400  }
0x25: {  	[sflag:s17] =	ssyncset.done $0x0  }
0x26: {  	[sflag:s17] =	ssyncadd.s32 $0xFFFFFC00  }
0x27: {  	[spmem:s1] =	stream.indirect.scatter.add.f32 [tilespmem:s16], [sflag:$0x1], $0x80, s2, s19, $0xb8;
	[tilespmem:$0x1C900] =	vst v63  }
0x28: {  	_ = 	snop  }
0x29: {  	[spmem:s1] =	stream.indirect.scatter.add.f32 [tilespmem:s20], [sflag:$0x2], $0x80, s18, s19, $0xb8;
	[tilespmem:$0x1C900] =	vst v63  }
0x2a: {  	_ = 	snop  }
0x2b: {  	[spmem:s1] =	stream.indirect.scatter.add.f32 [tilespmem:s16], [sflag:$0x3], $0x80, s19, s19, $0xb8;
	[tilespmem:$0x1C900] =	vst v63  }
0x2c: {  	_ = 	snop  }
0x2d: {  	[spmem:s1] =	stream.indirect.scatter.add.f32 [tilespmem:s20], [sflag:$0x4], $0x80, s21, s19, $0xb8;
	[tilespmem:$0x1C900] =	vst v63  }
0x2e: {  	_ =	swait.ge [sflag:s22], $0x4000  }
0x2f: {  	[sflag:s22] =	ssyncset.done $0x0  }
0x30: {  	[sflag:s22] =	ssyncadd.s32 $0xFFFFC000  }
0x31: {  	_ =	swait.ge [sflag:s23], $0x4000  }
0x32: {  	[sflag:s23] =	ssyncset.done $0x0  }
0x33: {  	[sflag:s23] =	ssyncadd.s32 $0xFFFFC000  }
0x34: {  	_ =	swait.ge [sflag:s24], $0x4000  }
0x35: {  	[sflag:s24] =	ssyncset.done $0x0  }
0x36: {  	s7 =	simm.s32 $0x4;
	[sflag:s24] =	ssyncadd.s32 $0xFFFFC000  }
0x37: {  	_ =	swait.ge [sflag:s7], $0x4000  }
0x38: {  	[sflag:s7] =	ssyncset.done $0x0  }
0x39: {  	[sflag:s7] =	ssyncadd.s32 $0xFFFFC000  }
0x3a: {  	[spmem:s1] =	stream.indirect.scatter.add.f32 [tilespmem:s16], [sflag:$0x1], $0x80, s26, s19, $0xb8;
	[tilespmem:$0x1C900] =	vst v63  }
0x3b: {  	_ = 	snop  }
0x3c: {  	[spmem:s1] =	stream.indirect.scatter.add.f32 [tilespmem:s20], [sflag:$0x2], $0x80, s28, s19, $0xb8;
	[tilespmem:$0x1C900] =	vst v63  }
0x3d: {  	_ = 	snop  }
0x3e: {  	[spmem:s1] =	stream.indirect.scatter.add.f32 [tilespmem:s16], [sflag:$0x3], $0x80, s29, s19, $0xb8;
	[tilespmem:$0x1C900] =	vst v63  }
0x3f: {  	_ = 	snop  }
0x40: {  	[spmem:s1] =	stream.indirect.scatter.add.f32 [tilespmem:s20], [sflag:$0x4], $0x80, s30, s19, $0xb8;
	[tilespmem:$0x1C900] =	vst v63  }
0x41: {  	_ =	swait.ge [sflag:s22], $0x4000  }
0x42: {  	[sflag:s22] =	ssyncset.done $0x0  }
0x43: {  	[sflag:s22] =	ssyncadd.s32 $0xFFFFC000  }
0x44: {  	_ =	swait.ge [sflag:s23], $0x4000  }
0x45: {  	[sflag:s23] =	ssyncset.done $0x0  }
0x46: {  	[sflag:s23] =	ssyncadd.s32 $0xFFFFC000  }
0x47: {  	_ =	swait.ge [sflag:s24], $0x4000  }
0x48: {  	[sflag:s24] =	ssyncset.done $0x0  }
0x49: {  	[sflag:s24] =	ssyncadd.s32 $0xFFFFC000  }
0x4a: {  	_ =	swait.ge [sflag:s7], $0x4000  }
0x4b: {  	[sflag:s7] =	ssyncset.done $0x0  }
0x4c: {  	[sflag:s7] =	ssyncadd.s32 $0xFFFFC000  }
0x4d: {  	[spmem:s1] =	stream.indirect.scatter.add.f32 [tilespmem:s16], [sflag:$0x1], $0x80, s31, s19, $0xb8;
	[tilespmem:$0x1C900] =	vst v63  }
0x4e: {  	_ = 	snop  }
0x4f: {  	[spmem:s1] =	stream.indirect.scatter.add.f32 [tilespmem:s20], [sflag:$0x2], $0x80, s0, s19, $0xb8;
	[tilespmem:$0x1C900] =	vst v63  }
0x50: {  	_ = 	snop  }
0x51: {  	[spmem:s1] =	stream.indirect.scatter.add.f32 [tilespmem:s16], [sflag:$0x3], $0x80, s10, s19, $0xb8;
	[tilespmem:$0x1C900] =	vst v63  }
0x52: {  	_ = 	snop  }
0x53: {  	[spmem:s1] =	stream.indirect.scatter.add.f32 [tilespmem:s20], [sflag:$0x4], $0x80, s11, s19, $0xb8;
	[tilespmem:$0x1C900] =	vst v63  }
0x54: {  	_ =	swait.ge [sflag:s22], $0x4000  }
0x55: {  	[sflag:s22] =	ssyncset.done $0x0  }
0x56: {  	[sflag:s22] =	ssyncadd.s32 $0xFFFFC000  }
0x57: {  	_ =	swait.ge [sflag:s23], $0x4000  }
0x58: {  	[sflag:s23] =	ssyncset.done $0x0  }
0x59: {  	[sflag:s23] =	ssyncadd.s32 $0xFFFFC000  }
0x5a: {  	_ =	swait.ge [sflag:s24], $0x4000  }
0x5b: {  	[sflag:s24] =	ssyncset.done $0x0  }
0x5c: {  	[sflag:s24] =	ssyncadd.s32 $0xFFFFC000  }
0x5d: {  	_ =	swait.ge [sflag:s7], $0x4000  }
0x5e: {  	[sflag:s7] =	ssyncset.done $0x0  }
0x5f: {  	[sflag:s7] =	ssyncadd.s32 $0xFFFFC000  }
0x60: {  	[spmem:s1] =	stream.indirect.scatter.add.f32 [tilespmem:s16], [sflag:$0x1], $0x80, s8, s19, $0xb8;
	[tilespmem:$0x1C900] =	vst v63  }
0x61: {  	_ = 	snop  }
0x62: {  	[spmem:s1] =	stream.indirect.scatter.add.f32 [tilespmem:s20], [sflag:$0x2], $0x80, s9, s19, $0xb8;
	[tilespmem:$0x1C900] =	vst v63  }
0x63: {  	_ = 	snop  }
0x64: {  	[spmem:s1] =	stream.indirect.scatter.add.f32 [tilespmem:s16], [sflag:$0x3], $0x80, s4, s19, $0xb8;
	[tilespmem:$0x1C900] =	vst v63  }
0x65: {  	_ = 	snop  }
0x66: {  	[spmem:s1] =	stream.indirect.scatter.add.f32 [tilespmem:s20], [sflag:$0x4], $0x80, s5, s19, $0xb8;
	[tilespmem:$0x1C900] =	vst v63  }
0x67: {  	_ =	swait.ge [sflag:s22], $0x4000  }
0x68: {  	[sflag:s22] =	ssyncset.done $0x0  }
0x69: {  	[sflag:s22] =	ssyncadd.s32 $0xFFFFC000  }
0x6a: {  	_ =	swait.ge [sflag:s23], $0x4000  }
0x6b: {  	[sflag:s23] =	ssyncset.done $0x0  }
0x6c: {  	[sflag:s23] =	ssyncadd.s32 $0xFFFFC000  }
0x6d: {  	_ =	swait.ge [sflag:s24], $0x4000  }
0x6e: {  	[sflag:s24] =	ssyncset.done $0x0  }
0x6f: {  	[sflag:s24] =	ssyncadd.s32 $0xFFFFC000  }
.LBB2_11:
0x70: {  	_ =	swait.ge [sflag:s7], $0x4000  }
0x71: {  	[sflag:s7] =	ssyncset.done $0x0  }
0x72: {  	s12 =	rddreg [dreg:$0xf];
	[sflag:s7] =	ssyncadd.s32 $0xFFFFC000  }
.LBB2_12:
0x73: {  	[bflag:$0x0] =	sbarrier.arrive $0xFFFF  }
0x74: {  	s3 =	sshrl.u32 @!p0 s1, $0x3;
	s6 =	simm.s32 @!p0 $0x1C05;
	s7 =	rddreg [dreg:$0xd]  }
0x75: {  	[hbm:s7], [sflag:s6] =	dma.local @!p0 [spmem:s3], $0x28000  }
0x76: {  	s3 =	simm.s32 @!p0 $0x5  }
0x77: {  	_ =	swait.ge @!p0 [sflag:s3], $0x28000  }
0x78: {  	s12 =	sadd.s32 $0x1, s12;
	s13 =	rddreg [dreg:$0xe]  }
0x79: {  	p3 =	sne.s32 s12, s13  }
.Ltmp1:
0x7a: {  	_ = 	snop;
	(pc) =	sbr.rel @!p3 .LBB2_13-.Ltmp1, $3  }
0x7b: {  	_ =	sdelay $0x1  }
0x7c: {  	[sflag:s3] =	ssyncset.done @!p0 $0x0  }
0x7d: {  	[sflag:s3] =	ssyncadd.s32 @!p0 $0xFFFD8000  }
.LBB2_1:
0x7e: {  	[dreg:$0xf] =	wrdreg s12;
	s7 =	simm.s32 $0x0;
	s12 =	simm.s32 $0x200  }
.LBB2_2:
0x7f: {  	p3 =	sne.s32 s12, $0xFE00;
	[tilespmem:s7+$0x4970] =	vst v0  }
0x80: {  	[tilespmem:s7+$0x900] =	vst v0  }
0x81: {  	[tilespmem:s7+$0x4900] =	vst v0  }
0x82: {  	[tilespmem:s7+$0x910] =	vst v0  }
0x83: {  	[tilespmem:s7+$0x4910] =	vst v0  }
0x84: {  	[tilespmem:s7+$0x920] =	vst v0  }
0x85: {  	[tilespmem:s7+$0x4920] =	vst v0  }
0x86: {  	[tilespmem:s7+$0x930] =	vst v0  }
0x87: {  	[tilespmem:s7+$0x4930] =	vst v0  }
0x88: {  	[tilespmem:s7+$0x940] =	vst v0  }
0x89: {  	[tilespmem:s7+$0x4940] =	vst v0  }
.Ltmp2:
0x8a: {  	[tilespmem:s7+$0x950] =	vst v0;
	(pc) =	sbr.rel @p3 .LBB2_2-.Ltmp2, $4  }
0x8b: {  	[tilespmem:s7+$0x4950] =	vst v0  }
0x8c: {  	[tilespmem:s7+$0x960] =	vst v0  }
0x8d: {  	[tilespmem:s7+$0x4960] =	vst v0  }
0x8e: {  	[tilespmem:s7+$0x970] =	vst v0;
	s7 =	sshra.s32 s12, $0x2;
	s12 =	sadd.s32 $0x200, s12  }
0x8f: {  	[tilespmem:s7+$0x4970] =	vst v0  }
0x90: {  	[tilespmem:s7+$0x900] =	vst v0  }
0x91: {  	[tilespmem:s7+$0x4900] =	vst v0  }
0x92: {  	[tilespmem:s7+$0x910] =	vst v0  }
0x93: {  	[tilespmem:s7+$0x4910] =	vst v0  }
0x94: {  	[tilespmem:s7+$0x920] =	vst v0  }
0x95: {  	[tilespmem:s7+$0x4920] =	vst v0  }
0x96: {  	[tilespmem:s7+$0x930] =	vst v0  }
0x97: {  	[tilespmem:s7+$0x4930] =	vst v0  }
0x98: {  	[tilespmem:s7+$0x940] =	vst v0  }
0x99: {  	[tilespmem:s7+$0x4940] =	vst v0  }
0x9a: {  	[tilespmem:s7+$0x950] =	vst v0  }
0x9b: {  	[tilespmem:s7+$0x4950] =	vst v0  }
0x9c: {  	[tilespmem:s7+$0x960] =	vst v0  }
0x9d: {  	[tilespmem:s7+$0x4960] =	vst v0  }
0x9e: {  	[tilespmem:s7+$0x970] =	vst v0;
	s3 =	rddreg [dreg:$0x4]  }
0x9f: {  	[spmem:s3] =	stream.linear.scatter [tilespmem:s16], [sflag:$0x5], $0x4000, $0x38;
	[tilespmem:$0x1C900] =	vst v63  }
0xa0: {  	_ =	swait.ge [sflag:s17], $0x4000  }
0xa1: {  	[sflag:s17] =	ssyncset.done $0x0  }
0xa2: {  	s6 =	rddreg [dreg:$0x5];
	[sflag:s17] =	ssyncadd.s32 $0xFFFFC000  }
0xa3: {  	[spmem:s6] =	stream.linear.scatter [tilespmem:s16], [sflag:$0x5], $0x4000, $0x38;
	[tilespmem:$0x1C900] =	vst v63  }
0xa4: {  	_ =	swait.ge [sflag:s17], $0x4000  }
0xa5: {  	[sflag:s17] =	ssyncset.done $0x0  }
0xa6: {  	s7 =	rddreg [dreg:$0x6];
	[sflag:s17] =	ssyncadd.s32 $0xFFFFC000  }
0xa7: {  	[spmem:s7] =	stream.linear.scatter [tilespmem:s16], [sflag:$0x5], $0x4000, $0x38;
	[tilespmem:$0x1C900] =	vst v63  }
0xa8: {  	_ =	swait.ge [sflag:s17], $0x4000  }
0xa9: {  	[sflag:s17] =	ssyncset.done $0x0  }
0xaa: {  	s12 =	rddreg [dreg:$0x7];
	[sflag:s17] =	ssyncadd.s32 $0xFFFFC000  }
0xab: {  	[spmem:s12] =	stream.linear.scatter [tilespmem:s16], [sflag:$0x5], $0x4000, $0x38;
	[tilespmem:$0x1C900] =	vst v63  }
0xac: {  	_ =	swait.ge [sflag:s17], $0x4000  }
0xad: {  	[sflag:s17] =	ssyncset.done $0x0  }
0xae: {  	s13 =	rddreg [dreg:$0x8];
	[sflag:s17] =	ssyncadd.s32 $0xFFFFC000  }
0xaf: {  	[spmem:s13] =	stream.linear.scatter [tilespmem:s16], [sflag:$0x5], $0x4000, $0x38;
	[tilespmem:$0x1C900] =	vst v63  }
0xb0: {  	_ =	swait.ge [sflag:s17], $0x4000  }
0xb1: {  	[sflag:s17] =	ssyncset.done $0x0  }
0xb2: {  	s7 =	simm.s32 $0x200;
	s12 =	simm.s32 $0x0;
	[sflag:s17] =	ssyncadd.s32 $0xFFFFC000  }
.LBB2_4:
0xb3: {  	p3 =	sne.s32 s7, $0xFE00;
	[tilespmem:s12+$0x900] =	vst v1;
	s13 =	smov.u32 s7;
	s7 =	sadd.s32 $0x200, s7  }
.Ltmp3:
0xb4: {  	[tilespmem:s12+$0x4900] =	vst v2;
	(pc) =	sbr.rel @p3 .LBB2_4-.Ltmp3, $2  }
0xb5: {  	_ =	sdelay $0x2  }
0xb6: {  	s12 =	sshra.s32 s13, $0x2  }
0xb7: {  	[tilespmem:s12+$0x900] =	vst v1  }
0xb8: {  	[tilespmem:s12+$0x4900] =	vst v2  }
0xb9: {  	s7 =	sadd.s32 $0x0, s14;
	[bflag:$0x0] =	sbarrier.arrive $0xFFFF  }
0xba: {  	[tilespmem:s2], [sflag:$0x5] =	stream.linear.gather [hbm4b:s7+s2], $0x400, $0x38;
	[tilespmem:$0x1C900] =	vst v63  }
0xbb: {  	_ =	swait.ge [sflag:s17], $0x400  }
0xbc: {  	[sflag:s17] =	ssyncset.done $0x0  }
0xbd: {  	s13 =	sadd.s32 $0x0, s15;
	[sflag:s17] =	ssyncadd.s32 $0xFFFFFC00  }
0xbe: {  	[tilespmem:s18], [sflag:$0x5] =	stream.linear.gather [hbm4b:s13+s2], $0x400, $0x38;
	[tilespmem:$0x1C900] =	vst v63  }
0xbf: {  	_ =	swait.ge [sflag:s17], $0x400  }
0xc0: {  	[sflag:s17] =	ssyncset.done $0x0  }
0xc1: {  	[sflag:s17] =	ssyncadd.s32 $0xFFFFFC00  }
0xc2: {  	[spmem:s1] =	stream.indirect.scatter.add.f32 [tilespmem:s16], [sflag:$0x1], $0x80, s2, s19, $0xb8;
	[tilespmem:$0x1C900] =	vst v63  }
0xc3: {  	_ = 	snop  }
0xc4: {  	[spmem:s1] =	stream.indirect.scatter.add.f32 [tilespmem:s20], [sflag:$0x2], $0x80, s18, s19, $0xb8;
	[tilespmem:$0x1C900] =	vst v63  }
0xc5: {  	_ = 	snop  }
0xc6: {  	[spmem:s1] =	stream.indirect.scatter.add.f32 [tilespmem:s16], [sflag:$0x3], $0x80, s19, s19, $0xb8;
	[tilespmem:$0x1C900] =	vst v63  }
0xc7: {  	_ = 	snop  }
0xc8: {  	[spmem:s1] =	stream.indirect.scatter.add.f32 [tilespmem:s20], [sflag:$0x4], $0x80, s21, s19, $0xb8;
	[tilespmem:$0x1C900] =	vst v63  }
0xc9: {  	_ =	swait.ge [sflag:s22], $0x4000  }
0xca: {  	[sflag:s22] =	ssyncset.done $0x0  }
0xcb: {  	[sflag:s22] =	ssyncadd.s32 $0xFFFFC000  }
0xcc: {  	_ =	swait.ge [sflag:s23], $0x4000  }
0xcd: {  	[sflag:s23] =	ssyncset.done $0x0  }
0xce: {  	[sflag:s23] =	ssyncadd.s32 $0xFFFFC000  }
0xcf: {  	_ =	swait.ge [sflag:s24], $0x4000  }
0xd0: {  	[sflag:s24] =	ssyncset.done $0x0  }
0xd1: {  	[sflag:s24] =	ssyncadd.s32 $0xFFFFC000  }
0xd2: {  	_ =	swait.ge [sflag:s25], $0x4000  }
0xd3: {  	[sflag:s25] =	ssyncset.done $0x0  }
0xd4: {  	[sflag:s25] =	ssyncadd.s32 $0xFFFFC000  }
0xd5: {  	[spmem:s1] =	stream.indirect.scatter.add.f32 [tilespmem:s16], [sflag:$0x1], $0x80, s26, s19, $0xb8;
	[tilespmem:$0x1C900] =	vst v63  }
0xd6: {  	_ = 	snop  }
0xd7: {  	[spmem:s1] =	stream.indirect.scatter.add.f32 [tilespmem:s20], [sflag:$0x2], $0x80, s28, s19, $0xb8;
	[tilespmem:$0x1C900] =	vst v63  }
0xd8: {  	_ = 	snop  }
0xd9: {  	[spmem:s1] =	stream.indirect.scatter.add.f32 [tilespmem:s16], [sflag:$0x3], $0x80, s29, s19, $0xb8;
	[tilespmem:$0x1C900] =	vst v63  }
0xda: {  	_ = 	snop  }
0xdb: {  	[spmem:s1] =	stream.indirect.scatter.add.f32 [tilespmem:s20], [sflag:$0x4], $0x80, s30, s19, $0xb8;
	[tilespmem:$0x1C900] =	vst v63  }
0xdc: {  	_ =	swait.ge [sflag:s22], $0x4000  }
0xdd: {  	[sflag:s22] =	ssyncset.done $0x0  }
0xde: {  	[sflag:s22] =	ssyncadd.s32 $0xFFFFC000  }
0xdf: {  	_ =	swait.ge [sflag:s23], $0x4000  }
0xe0: {  	[sflag:s23] =	ssyncset.done $0x0  }
0xe1: {  	[sflag:s23] =	ssyncadd.s32 $0xFFFFC000  }
0xe2: {  	_ =	swait.ge [sflag:s24], $0x4000  }
0xe3: {  	[sflag:s24] =	ssyncset.done $0x0  }
0xe4: {  	[sflag:s24] =	ssyncadd.s32 $0xFFFFC000  }
0xe5: {  	_ =	swait.ge [sflag:s25], $0x4000  }
0xe6: {  	[sflag:s25] =	ssyncset.done $0x0  }
0xe7: {  	[sflag:s25] =	ssyncadd.s32 $0xFFFFC000  }
0xe8: {  	[spmem:s1] =	stream.indirect.scatter.add.f32 [tilespmem:s16], [sflag:$0x1], $0x80, s31, s19, $0xb8;
	[tilespmem:$0x1C900] =	vst v63  }
0xe9: {  	_ = 	snop  }
0xea: {  	[spmem:s1] =	stream.indirect.scatter.add.f32 [tilespmem:s20], [sflag:$0x2], $0x80, s0, s19, $0xb8;
	[tilespmem:$0x1C900] =	vst v63  }
0xeb: {  	_ = 	snop  }
0xec: {  	[spmem:s1] =	stream.indirect.scatter.add.f32 [tilespmem:s16], [sflag:$0x3], $0x80, s10, s19, $0xb8;
	[tilespmem:$0x1C900] =	vst v63  }
0xed: {  	_ = 	snop  }
0xee: {  	[spmem:s1] =	stream.indirect.scatter.add.f32 [tilespmem:s20], [sflag:$0x4], $0x80, s11, s19, $0xb8;
	[tilespmem:$0x1C900] =	vst v63  }
0xef: {  	_ =	swait.ge [sflag:s22], $0x4000  }
0xf0: {  	[sflag:s22] =	ssyncset.done $0x0  }
0xf1: {  	[sflag:s22] =	ssyncadd.s32 $0xFFFFC000  }
0xf2: {  	_ =	swait.ge [sflag:s23], $0x4000  }
0xf3: {  	[sflag:s23] =	ssyncset.done $0x0  }
0xf4: {  	[sflag:s23] =	ssyncadd.s32 $0xFFFFC000  }
0xf5: {  	_ =	swait.ge [sflag:s24], $0x4000  }
0xf6: {  	[sflag:s24] =	ssyncset.done $0x0  }
0xf7: {  	[sflag:s24] =	ssyncadd.s32 $0xFFFFC000  }
0xf8: {  	_ =	swait.ge [sflag:s25], $0x4000  }
0xf9: {  	[sflag:s25] =	ssyncset.done $0x0  }
0xfa: {  	[sflag:s25] =	ssyncadd.s32 $0xFFFFC000  }
0xfb: {  	[spmem:s1] =	stream.indirect.scatter.add.f32 [tilespmem:s16], [sflag:$0x1], $0x80, s8, s19, $0xb8;
	[tilespmem:$0x1C900] =	vst v63  }
0xfc: {  	_ = 	snop  }
0xfd: {  	[spmem:s1] =	stream.indirect.scatter.add.f32 [tilespmem:s20], [sflag:$0x2], $0x80, s9, s19, $0xb8;
	[tilespmem:$0x1C900] =	vst v63  }
0xfe: {  	_ = 	snop  }
0xff: {  	[spmem:s1] =	stream.indirect.scatter.add.f32 [tilespmem:s16], [sflag:$0x3], $0x80, s4, s19, $0xb8;
	[tilespmem:$0x1C900] =	vst v63  }
0x100: {  	_ = 	snop  }
0x101: {  	[spmem:s1] =	stream.indirect.scatter.add.f32 [tilespmem:s20], [sflag:$0x4], $0x80, s5, s19, $0xb8;
	[tilespmem:$0x1C900] =	vst v63  }
0x102: {  	_ =	swait.ge [sflag:s22], $0x4000  }
0x103: {  	[sflag:s22] =	ssyncset.done $0x0  }
0x104: {  	[sflag:s22] =	ssyncadd.s32 $0xFFFFC000  }
0x105: {  	_ =	swait.ge [sflag:s23], $0x4000  }
0x106: {  	[sflag:s23] =	ssyncset.done $0x0  }
0x107: {  	[sflag:s23] =	ssyncadd.s32 $0xFFFFC000  }
0x108: {  	_ =	swait.ge [sflag:s24], $0x4000  }
0x109: {  	[sflag:s24] =	ssyncset.done $0x0  }
0x10a: {  	[sflag:s24] =	ssyncadd.s32 $0xFFFFC000  }
0x10b: {  	_ =	swait.ge [sflag:s25], $0x4000  }
0x10c: {  	s12 =	simm.s32 $0x100;
	s7 =	simm.s32 $0x80;
	[sflag:s25] =	ssyncset.done $0x0  }
.LBB2_6:
0x10d: {  	s3 =	sadd.s32 s7, s14  }
0x10e: {  	[sflag:s25] =	ssyncadd.s32 $0xFFFFC000;
	s6 =	smov.u32 s12;
	s13 =	sadd.s32 $0x80, s12  }
0x10f: {  	[tilespmem:s2], [sflag:$0x5] =	stream.linear.gather [hbm4b:s3+s2], $0x400, $0x38;
	[tilespmem:$0x1C900] =	vst v63  }
0x110: {  	p3 =	sne.s32 s12, $0x400;
	_ =	swait.ge [sflag:s17], $0x400  }
0x111: {  	[sflag:s17] =	ssyncset.done $0x0  }
0x112: {  	s3 =	sadd.s32 s7, s15;
	s7 =	smov.u32 s6;
	[sflag:s17] =	ssyncadd.s32 $0xFFFFFC00  }
0x113: {  	[tilespmem:s18], [sflag:$0x5] =	stream.linear.gather [hbm4b:s3+s2], $0x400, $0x38;
	[tilespmem:$0x1C900] =	vst v63  }
0x114: {  	_ =	swait.ge [sflag:s17], $0x400  }
0x115: {  	[sflag:s17] =	ssyncset.done $0x0  }
0x116: {  	[sflag:s17] =	ssyncadd.s32 $0xFFFFFC00  }
0x117: {  	[spmem:s1] =	stream.indirect.scatter.add.f32 [tilespmem:s16], [sflag:$0x1], $0x80, s2, s19, $0xb8;
	[tilespmem:$0x1C900] =	vst v63  }
0x118: {  	_ = 	snop  }
0x119: {  	[spmem:s1] =	stream.indirect.scatter.add.f32 [tilespmem:s20], [sflag:$0x2], $0x80, s18, s19, $0xb8;
	[tilespmem:$0x1C900] =	vst v63  }
0x11a: {  	_ = 	snop  }
0x11b: {  	[spmem:s1] =	stream.indirect.scatter.add.f32 [tilespmem:s16], [sflag:$0x3], $0x80, s19, s19, $0xb8;
	[tilespmem:$0x1C900] =	vst v63  }
0x11c: {  	_ = 	snop  }
0x11d: {  	[spmem:s1] =	stream.indirect.scatter.add.f32 [tilespmem:s20], [sflag:$0x4], $0x80, s21, s19, $0xb8;
	[tilespmem:$0x1C900] =	vst v63  }
0x11e: {  	_ =	swait.ge [sflag:s22], $0x4000  }
0x11f: {  	[sflag:s22] =	ssyncset.done $0x0  }
0x120: {  	[sflag:s22] =	ssyncadd.s32 $0xFFFFC000  }
0x121: {  	_ =	swait.ge [sflag:s23], $0x4000  }
0x122: {  	[sflag:s23] =	ssyncset.done $0x0  }
0x123: {  	[sflag:s23] =	ssyncadd.s32 $0xFFFFC000  }
0x124: {  	_ =	swait.ge [sflag:s24], $0x4000  }
0x125: {  	[sflag:s24] =	ssyncset.done $0x0  }
0x126: {  	[sflag:s24] =	ssyncadd.s32 $0xFFFFC000  }
0x127: {  	_ =	swait.ge [sflag:s25], $0x4000  }
0x128: {  	[sflag:s25] =	ssyncset.done $0x0  }
0x129: {  	[sflag:s25] =	ssyncadd.s32 $0xFFFFC000  }
0x12a: {  	[spmem:s1] =	stream.indirect.scatter.add.f32 [tilespmem:s16], [sflag:$0x1], $0x80, s26, s19, $0xb8;
	[tilespmem:$0x1C900] =	vst v63  }
0x12b: {  	_ = 	snop  }
0x12c: {  	[spmem:s1] =	stream.indirect.scatter.add.f32 [tilespmem:s20], [sflag:$0x2], $0x80, s28, s19, $0xb8;
	[tilespmem:$0x1C900] =	vst v63  }
0x12d: {  	_ = 	snop  }
0x12e: {  	[spmem:s1] =	stream.indirect.scatter.add.f32 [tilespmem:s16], [sflag:$0x3], $0x80, s29, s19, $0xb8;
	[tilespmem:$0x1C900] =	vst v63  }
0x12f: {  	_ = 	snop  }
0x130: {  	[spmem:s1] =	stream.indirect.scatter.add.f32 [tilespmem:s20], [sflag:$0x4], $0x80, s30, s19, $0xb8;
	[tilespmem:$0x1C900] =	vst v63  }
0x131: {  	_ =	swait.ge [sflag:s22], $0x4000  }
0x132: {  	[sflag:s22] =	ssyncset.done $0x0  }
0x133: {  	[sflag:s22] =	ssyncadd.s32 $0xFFFFC000  }
0x134: {  	_ =	swait.ge [sflag:s23], $0x4000  }
0x135: {  	[sflag:s23] =	ssyncset.done $0x0  }
0x136: {  	[sflag:s23] =	ssyncadd.s32 $0xFFFFC000  }
0x137: {  	_ =	swait.ge [sflag:s24], $0x4000  }
0x138: {  	[sflag:s24] =	ssyncset.done $0x0  }
0x139: {  	[sflag:s24] =	ssyncadd.s32 $0xFFFFC000  }
0x13a: {  	_ =	swait.ge [sflag:s25], $0x4000  }
0x13b: {  	[sflag:s25] =	ssyncset.done $0x0  }
0x13c: {  	[sflag:s25] =	ssyncadd.s32 $0xFFFFC000  }
0x13d: {  	[spmem:s1] =	stream.indirect.scatter.add.f32 [tilespmem:s16], [sflag:$0x1], $0x80, s31, s19, $0xb8;
	[tilespmem:$0x1C900] =	vst v63  }
0x13e: {  	_ = 	snop  }
0x13f: {  	[spmem:s1] =	stream.indirect.scatter.add.f32 [tilespmem:s20], [sflag:$0x2], $0x80, s0, s19, $0xb8;
	[tilespmem:$0x1C900] =	vst v63  }
0x140: {  	_ = 	snop  }
0x141: {  	[spmem:s1] =	stream.indirect.scatter.add.f32 [tilespmem:s16], [sflag:$0x3], $0x80, s10, s19, $0xb8;
	[tilespmem:$0x1C900] =	vst v63  }
0x142: {  	_ = 	snop  }
0x143: {  	[spmem:s1] =	stream.indirect.scatter.add.f32 [tilespmem:s20], [sflag:$0x4], $0x80, s11, s19, $0xb8;
	[tilespmem:$0x1C900] =	vst v63  }
0x144: {  	_ =	swait.ge [sflag:s22], $0x4000  }
0x145: {  	[sflag:s22] =	ssyncset.done $0x0  }
0x146: {  	[sflag:s22] =	ssyncadd.s32 $0xFFFFC000  }
0x147: {  	_ =	swait.ge [sflag:s23], $0x4000  }
0x148: {  	[sflag:s23] =	ssyncset.done $0x0  }
0x149: {  	[sflag:s23] =	ssyncadd.s32 $0xFFFFC000  }
0x14a: {  	_ =	swait.ge [sflag:s24], $0x4000  }
0x14b: {  	[sflag:s24] =	ssyncset.done $0x0  }
0x14c: {  	[sflag:s24] =	ssyncadd.s32 $0xFFFFC000  }
0x14d: {  	_ =	swait.ge [sflag:s25], $0x4000  }
0x14e: {  	[sflag:s25] =	ssyncset.done $0x0  }
0x14f: {  	[sflag:s25] =	ssyncadd.s32 $0xFFFFC000  }
0x150: {  	[spmem:s1] =	stream.indirect.scatter.add.f32 [tilespmem:s16], [sflag:$0x1], $0x80, s8, s19, $0xb8;
	[tilespmem:$0x1C900] =	vst v63  }
0x151: {  	_ = 	snop  }
0x152: {  	[spmem:s1] =	stream.indirect.scatter.add.f32 [tilespmem:s20], [sflag:$0x2], $0x80, s9, s19, $0xb8;
	[tilespmem:$0x1C900] =	vst v63  }
0x153: {  	_ = 	snop  }
0x154: {  	[spmem:s1] =	stream.indirect.scatter.add.f32 [tilespmem:s16], [sflag:$0x3], $0x80, s4, s19, $0xb8;
	[tilespmem:$0x1C900] =	vst v63  }
0x155: {  	_ = 	snop  }
0x156: {  	[spmem:s1] =	stream.indirect.scatter.add.f32 [tilespmem:s20], [sflag:$0x4], $0x80, s5, s19, $0xb8;
	[tilespmem:$0x1C900] =	vst v63  }
0x157: {  	_ =	swait.ge [sflag:s22], $0x4000  }
0x158: {  	[sflag:s22] =	ssyncset.done $0x0  }
0x159: {  	[sflag:s22] =	ssyncadd.s32 $0xFFFFC000  }
0x15a: {  	_ =	swait.ge [sflag:s23], $0x4000  }
0x15b: {  	[sflag:s23] =	ssyncset.done $0x0  }
0x15c: {  	[sflag:s23] =	ssyncadd.s32 $0xFFFFC000  }
.Ltmp4:
0x15d: {  	_ =	swait.ge [sflag:s24], $0x4000;
	(pc) =	sbr.rel @p3 .LBB2_6-.Ltmp4, $4  }
0x15e: {  	[sflag:s24] =	ssyncset.done $0x0  }
0x15f: {  	[sflag:s24] =	ssyncadd.s32 $0xFFFFC000  }
0x160: {  	_ =	swait.ge [sflag:s25], $0x4000  }
0x161: {  	s12 =	smov.u32 s13;
	[sflag:s25] =	ssyncset.done $0x0  }
0x162: {  	s3 =	sadd.s32 s7, s14;
	[sflag:s25] =	ssyncadd.s32 $0xFFFFC000  }
0x163: {  	[tilespmem:s2], [sflag:$0x5] =	stream.linear.gather [hbm4b:s3+s2], $0x400, $0x38;
	[tilespmem:$0x1C900] =	vst v63  }
0x164: {  	_ =	swait.ge [sflag:s17], $0x400  }
0x165: {  	[sflag:s17] =	ssyncset.done $0x0  }
0x166: {  	s13 =	sadd.s32 s7, s15;
	[sflag:s17] =	ssyncadd.s32 $0xFFFFFC00  }
0x167: {  	[tilespmem:s18], [sflag:$0x5] =	stream.linear.gather [hbm4b:s13+s2], $0x400, $0x38;
	[tilespmem:$0x1C900] =	vst v63  }
0x168: {  	_ =	swait.ge [sflag:s17], $0x400  }
0x169: {  	[sflag:s17] =	ssyncset.done $0x0  }
0x16a: {  	[sflag:s17] =	ssyncadd.s32 $0xFFFFFC00  }
0x16b: {  	[spmem:s1] =	stream.indirect.scatter.add.f32 [tilespmem:s16], [sflag:$0x1], $0x80, s2, s19, $0xb8;
	[tilespmem:$0x1C900] =	vst v63  }
0x16c: {  	_ = 	snop  }
0x16d: {  	[spmem:s1] =	stream.indirect.scatter.add.f32 [tilespmem:s20], [sflag:$0x2], $0x80, s18, s19, $0xb8;
	[tilespmem:$0x1C900] =	vst v63  }
0x16e: {  	_ = 	snop  }
0x16f: {  	[spmem:s1] =	stream.indirect.scatter.add.f32 [tilespmem:s16], [sflag:$0x3], $0x80, s19, s19, $0xb8;
	[tilespmem:$0x1C900] =	vst v63  }
0x170: {  	_ = 	snop  }
0x171: {  	[spmem:s1] =	stream.indirect.scatter.add.f32 [tilespmem:s20], [sflag:$0x4], $0x80, s21, s19, $0xb8;
	[tilespmem:$0x1C900] =	vst v63  }
0x172: {  	_ =	swait.ge [sflag:s22], $0x4000  }
0x173: {  	[sflag:s22] =	ssyncset.done $0x0  }
0x174: {  	[sflag:s22] =	ssyncadd.s32 $0xFFFFC000  }
0x175: {  	_ =	swait.ge [sflag:s23], $0x4000  }
0x176: {  	[sflag:s23] =	ssyncset.done $0x0  }
0x177: {  	[sflag:s23] =	ssyncadd.s32 $0xFFFFC000  }
0x178: {  	_ =	swait.ge [sflag:s24], $0x4000  }
0x179: {  	[sflag:s24] =	ssyncset.done $0x0  }
0x17a: {  	[sflag:s24] =	ssyncadd.s32 $0xFFFFC000  }
0x17b: {  	_ =	swait.ge [sflag:s25], $0x4000  }
0x17c: {  	[sflag:s25] =	ssyncset.done $0x0  }
0x17d: {  	[sflag:s25] =	ssyncadd.s32 $0xFFFFC000  }
0x17e: {  	[spmem:s1] =	stream.indirect.scatter.add.f32 [tilespmem:s16], [sflag:$0x1], $0x80, s26, s19, $0xb8;
	[tilespmem:$0x1C900] =	vst v63  }
0x17f: {  	_ = 	snop  }
0x180: {  	[spmem:s1] =	stream.indirect.scatter.add.f32 [tilespmem:s20], [sflag:$0x2], $0x80, s28, s19, $0xb8;
	[tilespmem:$0x1C900] =	vst v63  }
0x181: {  	_ = 	snop  }
0x182: {  	[spmem:s1] =	stream.indirect.scatter.add.f32 [tilespmem:s16], [sflag:$0x3], $0x80, s29, s19, $0xb8;
	[tilespmem:$0x1C900] =	vst v63  }
0x183: {  	_ = 	snop  }
0x184: {  	[spmem:s1] =	stream.indirect.scatter.add.f32 [tilespmem:s20], [sflag:$0x4], $0x80, s30, s19, $0xb8;
	[tilespmem:$0x1C900] =	vst v63  }
0x185: {  	_ =	swait.ge [sflag:s22], $0x4000  }
0x186: {  	[sflag:s22] =	ssyncset.done $0x0  }
0x187: {  	[sflag:s22] =	ssyncadd.s32 $0xFFFFC000  }
0x188: {  	_ =	swait.ge [sflag:s23], $0x4000  }
0x189: {  	[sflag:s23] =	ssyncset.done $0x0  }
0x18a: {  	[sflag:s23] =	ssyncadd.s32 $0xFFFFC000  }
0x18b: {  	_ =	swait.ge [sflag:s24], $0x4000  }
0x18c: {  	[sflag:s24] =	ssyncset.done $0x0  }
0x18d: {  	[sflag:s24] =	ssyncadd.s32 $0xFFFFC000  }
0x18e: {  	_ =	swait.ge [sflag:s25], $0x4000  }
0x18f: {  	[sflag:s25] =	ssyncset.done $0x0  }
0x190: {  	[sflag:s25] =	ssyncadd.s32 $0xFFFFC000  }
0x191: {  	[spmem:s1] =	stream.indirect.scatter.add.f32 [tilespmem:s16], [sflag:$0x1], $0x80, s31, s19, $0xb8;
	[tilespmem:$0x1C900] =	vst v63  }
0x192: {  	_ = 	snop  }
0x193: {  	[spmem:s1] =	stream.indirect.scatter.add.f32 [tilespmem:s20], [sflag:$0x2], $0x80, s0, s19, $0xb8;
	[tilespmem:$0x1C900] =	vst v63  }
0x194: {  	_ = 	snop  }
0x195: {  	[spmem:s1] =	stream.indirect.scatter.add.f32 [tilespmem:s16], [sflag:$0x3], $0x80, s10, s19, $0xb8;
	[tilespmem:$0x1C900] =	vst v63  }
0x196: {  	_ = 	snop  }
0x197: {  	[spmem:s1] =	stream.indirect.scatter.add.f32 [tilespmem:s20], [sflag:$0x4], $0x80, s11, s19, $0xb8;
	[tilespmem:$0x1C900] =	vst v63  }
0x198: {  	_ =	swait.ge [sflag:s22], $0x4000  }
0x199: {  	[sflag:s22] =	ssyncset.done $0x0  }
0x19a: {  	[sflag:s22] =	ssyncadd.s32 $0xFFFFC000  }
0x19b: {  	_ =	swait.ge [sflag:s23], $0x4000  }
0x19c: {  	[sflag:s23] =	ssyncset.done $0x0  }
0x19d: {  	[sflag:s23] =	ssyncadd.s32 $0xFFFFC000  }
0x19e: {  	_ =	swait.ge [sflag:s24], $0x4000  }
0x19f: {  	[sflag:s24] =	ssyncset.done $0x0  }
0x1a0: {  	[sflag:s24] =	ssyncadd.s32 $0xFFFFC000  }
0x1a1: {  	_ =	swait.ge [sflag:s25], $0x4000  }
0x1a2: {  	[sflag:s25] =	ssyncset.done $0x0  }
0x1a3: {  	[sflag:s25] =	ssyncadd.s32 $0xFFFFC000  }
0x1a4: {  	[spmem:s1] =	stream.indirect.scatter.add.f32 [tilespmem:s16], [sflag:$0x1], $0x80, s8, s19, $0xb8;
	[tilespmem:$0x1C900] =	vst v63  }
0x1a5: {  	_ = 	snop  }
0x1a6: {  	[spmem:s1] =	stream.indirect.scatter.add.f32 [tilespmem:s20], [sflag:$0x2], $0x80, s9, s19, $0xb8;
	[tilespmem:$0x1C900] =	vst v63  }
0x1a7: {  	_ = 	snop  }
0x1a8: {  	[spmem:s1] =	stream.indirect.scatter.add.f32 [tilespmem:s16], [sflag:$0x3], $0x80, s4, s19, $0xb8;
	[tilespmem:$0x1C900] =	vst v63  }
0x1a9: {  	_ = 	snop  }
0x1aa: {  	[spmem:s1] =	stream.indirect.scatter.add.f32 [tilespmem:s20], [sflag:$0x4], $0x80, s5, s19, $0xb8;
	[tilespmem:$0x1C900] =	vst v63  }
0x1ab: {  	_ =	swait.ge [sflag:s22], $0x4000  }
0x1ac: {  	[sflag:s22] =	ssyncset.done $0x0  }
0x1ad: {  	[sflag:s22] =	ssyncadd.s32 $0xFFFFC000  }
0x1ae: {  	_ =	swait.ge [sflag:s23], $0x4000  }
0x1af: {  	[sflag:s23] =	ssyncset.done $0x0  }
0x1b0: {  	[sflag:s23] =	ssyncadd.s32 $0xFFFFC000  }
0x1b1: {  	_ =	swait.ge [sflag:s24], $0x4000  }
.Ltmp5:
0x1b2: {  	[sflag:s24] =	ssyncset.done $0x0;
	(pc) =	sbr.rel @!p1 .LBB2_8-.Ltmp5, $4  }
0x1b3: {  	[sflag:s24] =	ssyncadd.s32 $0xFFFFC000  }
0x1b4: {  	_ =	swait.ge [sflag:s25], $0x4000  }
0x1b5: {  	[sflag:s25] =	ssyncset.done $0x0  }
0x1b6: {  	[sflag:s25] =	ssyncadd.s32 $0xFFFFC000  }
.Ltmp6:
0x1b7: {  	(pc) =	sbr.rel @p2 .LBB2_12-.Ltmp6, $2  }
0x1b8: {  	_ =	sdelay $0x2  }
0x1b9: {  	s12 =	rddreg [dreg:$0xf]  }
0x1ba: {  	s3 =	rddreg [dreg:$0xb];
	s6 =	simm.s32 $0x800;
	s7 =	simm.s32 $0x5  }
0x1bb: {  	[tilespmem:s6], [sflag:$0x5] =	stream.linear.gather [hbm4b:s3+s2], $0x80, $0x38;
	[tilespmem:$0x1C900] =	vst v63  }
0x1bc: {  	_ =	swait.ge [sflag:s7], $0x80  }
0x1bd: {  	[sflag:s7] =	ssyncset.done $0x0  }
0x1be: {  	s12 =	simm.s32 $0x880;
	s13 =	rddreg [dreg:$0xc];
	[sflag:s7] =	ssyncadd.s32 $0xFFFFFF80  }
0x1bf: {  	[tilespmem:s12], [sflag:$0x5] =	stream.linear.gather [hbm4b:s13+s2], $0x80, $0x38;
	[tilespmem:$0x1C900] =	vst v63  }
0x1c0: {  	_ =	swait.ge [sflag:s7], $0x80  }
0x1c1: {  	[sflag:s7] =	ssyncset.done $0x0  }
0x1c2: {  	[sflag:s7] =	ssyncadd.s32 $0xFFFFFF80  }
0x1c3: {  	[spmem:s1] =	stream.indirect.scatter.add.f32 [tilespmem:s16], [sflag:$0x5], $0x80, s6, s19, $0xb8;
	[tilespmem:$0x1C900] =	vst v63  }
.Ltmp7:
0x1c4: {  	_ = 	snop;
	(pc) =	sbr.rel .LBB2_11-.Ltmp7, $4  }
0x1c5: {  	_ =	swait.ge [sflag:s7], $0x4000  }
0x1c6: {  	[sflag:s7] =	ssyncset.done $0x0  }
0x1c7: {  	[sflag:s7] =	ssyncadd.s32 $0xFFFFC000  }
0x1c8: {  	[spmem:s1] =	stream.indirect.scatter.add.f32 [tilespmem:s20], [sflag:$0x5], $0x80, s12, s19, $0xb8;
	[tilespmem:$0x1C900] =	vst v63  }
.LBB2_13:
0x1c9: {  	_ =	sfence.sel $0x180000  }
0x1ca: {  	[bflag:$0x0] =	sbarrier.arrive $0xFFFF  }
0x1cb: {  	_ =	strace $0x90000047  }
0x1cc: {  	[bflag:$0x2] =	sbarrier.arrive $0xFFFF  }
0x1cd: {  	s0 =	rddreg [dreg:$0x3]  }
0x1ce: {  	s0 =	sadd.s32 @!p0 $0x100000, s0  }
0x1cf: {  	[sflag:s0] =	ssyncadd.tile.s32 @!p0 $0x1;
	_ =	shalt  }
.Lfunc_end2:
_tile_overlayer_lowered:
.L_overlay_start_2:
0x1d0: {  	(tag) =	ssettag $0x2  }
0x1d1: {  	s0 =	rddreg [dreg:$0x0];
	s2 =	stileid.u32  }
0x1d2: {  	s1 =	rddreg [dreg:$0x1];
	p0 =	sne.s32 s2, $0x0  }
0x1d3: {  	s3 =	rddreg [dreg:$0x2];
	[bflag:$0x3] =	sbarrier.arrive $0xFFFF;
	s2 =	simm.s32 @!p0 $0x1C05  }
0x1d4: {  	[timem:s3], [sflag:s2] =	dma.local @!p0 [hbm:s0], s1  }
0x1d5: {  	s0 =	simm.s32 @!p0 $0x5  }
0x1d6: {  	_ =	swait.ge @!p0 [sflag:s0], s1  }
0x1d7: {  	s1 =	ssub.s32 @!p0 $0x0, s1;
	[sflag:s0] =	ssyncset.done @!p0 $0x0  }
0x1d8: {  	[sflag:s0] =	ssyncadd.s32 @!p0 s1  }
0x1d9: {  	[bflag:$0x3] =	sbarrier.arrive $0xFFFF  }
0x1da: {  	_ =	shalt  }

</sc_bundles>
